<compile_context>
chip_gen: v7x
topology: tpu7x:2x2x1
jax: 0.10.2.dev20260603
libtpu: 0.0.44.dev20260713+nightly
codegen_flags: <defaults>
</compile_context>

<pallas_src>
import functools

import jax
import jax.numpy as jnp
from jax import lax
from jax.experimental import pallas as pl
from jax.experimental.pallas import tpu as pltpu
from jax.experimental.pallas import tpu_sc as plsc

_N_CB = 4
_K = 1024
_BLK = 512
_QW = 128



def _dist_argmin(res, cb, blk_m, idx_ref):
    r2 = jnp.sum(res * res, axis=1, keepdims=True)
    c2 = jnp.sum(cb * cb, axis=1)
    dots = jax.lax.dot_general(
        res, cb, dimension_numbers=(((1,), (1,)), ((), ())),
        preferred_element_type=jnp.float32)
    dist = r2 - 2.0 * dots + c2[None, :]
    idx_ref[0, 0, :] = jnp.argmin(dist, axis=1).astype(jnp.int32)


def _round0_body(res_ref, cb_ref, idx_ref):
    _dist_argmin(res_ref[...], cb_ref[0], res_ref.shape[0], idx_ref)


def _round_body(res_ref, q_ref, cb_ref, res_out_ref, idx_ref):
    res = res_ref[...] - q_ref[:, :res_ref.shape[1]]
    res_out_ref[...] = res
    _dist_argmin(res, cb_ref[0], res.shape[0], idx_ref)


def _make_round0(n, d):
    nb = n // _BLK
    return pl.pallas_call(
        _round0_body,
        grid=(nb,),
        in_specs=[
            pl.BlockSpec((_BLK, d), lambda i: (i, 0)),
            pl.BlockSpec((1, _K, d), lambda i: (0, 0, 0)),
        ],
        out_specs=pl.BlockSpec((1, 1, _BLK), lambda i: (i, 0, 0)),
        out_shape=jax.ShapeDtypeStruct((nb, 1, _BLK), jnp.int32),
    )


def _make_round(n, d):
    nb = n // _BLK
    return pl.pallas_call(
        _round_body,
        grid=(nb,),
        in_specs=[
            pl.BlockSpec((_BLK, d), lambda i: (i, 0)),
            pl.BlockSpec((_BLK, _QW), lambda i: (i, 0)),
            pl.BlockSpec((1, _K, d), lambda i: (0, 0, 0)),
        ],
        out_specs=[
            pl.BlockSpec((_BLK, d), lambda i: (i, 0)),
            pl.BlockSpec((1, 1, _BLK), lambda i: (i, 0, 0)),
        ],
        out_shape=[
            jax.ShapeDtypeStruct((n, d), jnp.float32),
            jax.ShapeDtypeStruct((nb, 1, _BLK), jnp.int32),
        ],
    )


def _final_body(x_ref, res_ref, q_ref, o_ref):
    o_ref[...] = (x_ref[...] - res_ref[...]) + q_ref[:, :x_ref.shape[1]]


def _make_final(n, d):
    spec = pl.BlockSpec((_BLK, d), lambda i: (i, 0))
    return pl.pallas_call(
        _final_body,
        grid=(n // _BLK,),
        in_specs=[spec, spec, pl.BlockSpec((_BLK, _QW), lambda i: (i, 0))],
        out_specs=spec,
        out_shape=jax.ShapeDtypeStruct((n, d), jnp.float32),
    )



_CHUNK = 96


def _make_gather(n):
    info = plsc.get_sparse_core_info()
    nw = info.num_cores * info.num_subcores
    b_per_w = n // nw
    n_ch = b_per_w // _CHUNK
    mesh = plsc.VectorSubcoreMesh(core_axis_name="c", subcore_axis_name="s")

    @functools.partial(
        pl.kernel, mesh=mesh,
        out_type=jax.ShapeDtypeStruct((n, _QW), jnp.float32),
        scratch_types=[
            pltpu.VMEM((n_ch, _CHUNK), jnp.int32),
            pltpu.VMEM((b_per_w, _QW), jnp.float32),
            pltpu.SemaphoreType.DMA,
        ],
    )
    def gather(table_hbm, idx_hbm, out_hbm, idx_v, rows_v, sem):
        wid = lax.axis_index("s") * info.num_cores + lax.axis_index("c")
        base = wid * b_per_w
        pltpu.sync_copy(idx_hbm.at[wid], idx_v)
        copies = [
            pltpu.async_copy(
                table_hbm.at[idx_v.at[j]],
                rows_v.at[pl.ds(j * _CHUNK, _CHUNK)], sem)
            for j in range(n_ch)
        ]
        for c in copies:
            c.wait()
        pltpu.sync_copy(rows_v, out_hbm.at[pl.ds(base, b_per_w)])

    return gather




def kernel(inputs, codebooks):
    b, t, d = inputs.shape
    n = b * t
    n2 = n // 2
    x = inputs.reshape(n, d)
    cbp = jnp.pad(codebooks, ((0, 0), (0, 0), (0, _QW - d)))
    round0 = _make_round0(n2, d)
    round_i = _make_round(n2, d)
    gather = _make_gather(n2)
    final = _make_final(n2, d)

    def gath(i, idx):
        return gather(cbp[i], idx.reshape(32, -1, _CHUNK))

    nstream = n // n2
    xs = [x[s * n2:(s + 1) * n2] for s in range(nstream)]
    idx = [round0(xh, codebooks[0:1]) for xh in xs]
    q = [gath(0, ih) for ih in idx]
    res = list(xs)
    for r in range(1, _N_CB):
        for s in range(nstream):
            res[s], idx[s] = round_i(res[s], q[s], codebooks[r:r + 1])
        for s in range(nstream):
            q[s] = gath(r, idx[s])
    out = jnp.concatenate(
        [final(xs[s], res[s], q[s]) for s in range(nstream)], axis=0)
    return out.reshape(b, t, d)

# --- scband reference (transcript-rebuilt; emitter-appended) ---
"""Pipeline reference for scband-residual-vq-1331439861820 (READ-ONLY COPY).

The authoritative reference and input builder live on the scoring server;
editing this copy changes nothing except your own understanding.
"""

import jax, jax.numpy as jnp
import numpy as np

N_CODEBOOKS = 4
N_CODES = 1024
CODE_DIM = 64
B, T = 32, 576


def setup_inputs(seed: int = 0) -> dict:
    key = jax.random.key(seed)
    k_in, k_cb = jax.random.split(key)
    inputs = jax.random.normal(k_in, (B, T, CODE_DIM), dtype=jnp.float32)
    # One codebook per quantizer, stacked: [n_codebooks, K, d]
    codebooks = jax.random.normal(k_cb, (N_CODEBOOKS, N_CODES, CODE_DIM), dtype=jnp.float32)
    return {"inputs": inputs, "codebooks": codebooks}


def _vq_quantize(residual, codebook):
    # residual: [B, T, d]; codebook: [K, d]
    r2 = jnp.sum(residual * residual, axis=-1, keepdims=True)          # [B, T, 1]
    c2 = jnp.sum(codebook * codebook, axis=-1)                          # [K]
    dots = jnp.einsum('btd,kd->btk', residual, codebook)                # [B, T, K]
    dist = r2 - 2.0 * dots + c2[None, None, :]                          # [B, T, K]
    idx = jnp.argmin(dist, axis=-1)                                     # [B, T]
    quantized = jnp.take(codebook, idx, axis=0)                         # [B, T, d]
    return quantized


def reference(inputs, codebooks):
    residual = inputs
    quantized_total = jnp.zeros_like(inputs)
    for i in range(N_CODEBOOKS):
        quantized_here = _vq_quantize(residual, codebooks[i])
        residual = residual - quantized_here
        quantized_total = quantized_total + quantized_here
    # straight-through estimator
    ste = inputs + jax.lax.stop_gradient(quantized_total - inputs)
    return ste

if __name__ == "__main__":
    import jax
    _d = setup_inputs()
    print(jax.jit(kernel)(*tuple(_d.values())))

</pallas_src>

<mosaic_0001>
#map = affine_map<(d0, d1) -> (0, 0)>
#map1 = affine_map<(d0, d1) -> (0, 0, 0)>
module attributes {stable_mosaic.version = 14 : i64} {
  func.func @gather(%arg0: i32, %arg1: i32, %arg2: memref<1024x128xf32, #tpu.memory_space<hbm>>, %arg3: memref<32x3x96xi32, #tpu.memory_space<hbm>>, %arg4: memref<9216x128xf32, #tpu.memory_space<hbm>>, %arg5: memref<3x96xi32, #tpu.memory_space<vmem>>, %arg6: memref<288x128xf32, #tpu.memory_space<vmem>>, %arg7: memref<!tpu.dma_semaphore, #tpu.memory_space<semaphore_mem>>) attributes {dimension_semantics = [#tpu.dimension_semantics<core_parallel>, #tpu.dimension_semantics<subcore_parallel>], iteration_bounds = array<i64: 2, 16>, scalar_prefetch = 0 : i64, scratch_operands = 3 : i64, tpu.core_type = #tpu.core_type<sc_vector_subcore>, window_params = [{transform_indices = #map}, {transform_indices = #map1}, {transform_indices = #map}]} {
    %mul3A = arith.constant 2 : i32
    %mul3A_0 = arith.muli %arg1, %mul3A : i32
    %add3A = arith.addi %mul3A_0, %arg0 : i32
    %mul3A_1 = arith.constant 288 : i32
    %mul3A_2 = arith.muli %add3A, %mul3A_1 : i32
    "tpu.region"() ({
      %run_scoped3A = tpu.sem_alloc : memref<!tpu.dma_semaphore, #tpu.memory_space<semaphore_mem>>
      %dma_start3A_61 = arith.constant 0 : i32
      %dma_start3A_62 = arith.constant 0 : i32
      %dma_start3A_63 = tpu.memref_slice %arg3[%add3A, %dma_start3A_61, %dma_start3A_62] : memref<32x3x96xi32, #tpu.memory_space<hbm>> -> memref<1x3x96xi32, #tpu.memory_space<hbm>>
      %dma_start3A_64 = tpu.memref_squeeze %dma_start3A_63 : memref<1x3x96xi32, #tpu.memory_space<hbm>> -> memref<3x96xi32, #tpu.memory_space<hbm>>
      %dma_start3A_65 = arith.constant 0 : i32
      %dma_start3A_66 = arith.constant 0 : i32
      %dma_start3A_67 = tpu.memref_slice %arg3[%add3A, %dma_start3A_65, %dma_start3A_66] : memref<32x3x96xi32, #tpu.memory_space<hbm>> -> memref<1x3x96xi32, #tpu.memory_space<hbm>>
      %dma_start3A_68 = tpu.memref_squeeze %dma_start3A_67 : memref<1x3x96xi32, #tpu.memory_space<hbm>> -> memref<3x96xi32, #tpu.memory_space<hbm>>
      tpu.enqueue_dma source(%dma_start3A_68 : memref<3x96xi32, #tpu.memory_space<hbm>>) target(%arg5 : memref<3x96xi32, #tpu.memory_space<vmem>>) target_semaphore(%run_scoped3A : memref<!tpu.dma_semaphore, #tpu.memory_space<semaphore_mem>>)
      %dma_wait3A_69 = arith.constant 0 : i32
      %dma_wait3A_70 = arith.constant 0 : i32
      %dma_wait3A_71 = tpu.memref_slice %arg3[%add3A, %dma_wait3A_69, %dma_wait3A_70] : memref<32x3x96xi32, #tpu.memory_space<hbm>> -> memref<1x3x96xi32, #tpu.memory_space<hbm>>
      %dma_wait3A_72 = tpu.memref_squeeze %dma_wait3A_71 : memref<1x3x96xi32, #tpu.memory_space<hbm>> -> memref<3x96xi32, #tpu.memory_space<hbm>>
      %dma_wait3A_73 = arith.constant 0 : i32
      %dma_wait3A_74 = arith.constant 0 : i32
      %dma_wait3A_75 = tpu.memref_slice %arg3[%add3A, %dma_wait3A_73, %dma_wait3A_74] : memref<32x3x96xi32, #tpu.memory_space<hbm>> -> memref<1x3x96xi32, #tpu.memory_space<hbm>>
      %dma_wait3A_76 = tpu.memref_squeeze %dma_wait3A_75 : memref<1x3x96xi32, #tpu.memory_space<hbm>> -> memref<3x96xi32, #tpu.memory_space<hbm>>
      tpu.wait_dma2 semaphore(%run_scoped3A : memref<!tpu.dma_semaphore, #tpu.memory_space<semaphore_mem>>) src(%dma_wait3A_76 : memref<3x96xi32, #tpu.memory_space<hbm>>) dst(%arg5 : memref<3x96xi32, #tpu.memory_space<vmem>>)
      tpu.yield
    }) : () -> ()
    %dma_start3A = arith.constant 0 : i32
    %dma_start3A_3 = arith.constant 0 : i32
    %dma_start3A_4 = arith.constant 0 : i32
    %dma_start3A_5 = tpu.memref_slice %arg6[%dma_start3A_3, %dma_start3A_4] : memref<288x128xf32, #tpu.memory_space<vmem>> -> memref<96x128xf32, #tpu.memory_space<vmem>>
    %dma_start3A_6 = arith.constant 0 : i32
    %dma_start3A_7 = tpu.memref_slice %arg5[%dma_start3A, %dma_start3A_6] : memref<3x96xi32, #tpu.memory_space<vmem>> -> memref<1x96xi32, #tpu.memory_space<vmem>>
    %dma_start3A_8 = tpu.memref_squeeze %dma_start3A_7 : memref<1x96xi32, #tpu.memory_space<vmem>> -> memref<96xi32, #tpu.memory_space<vmem>>
    %dma_start3A_9 = arith.constant 0 : i32
    %dma_start3A_10 = arith.constant 0 : i32
    %dma_start3A_11 = tpu.memref_slice %arg2[%dma_start3A_9, %dma_start3A_10] : memref<1024x128xf32, #tpu.memory_space<hbm>> -> memref<1024x128xf32, #tpu.memory_space<hbm>>
    tpu.enqueue_indirect_dma source(%dma_start3A_11 : memref<1024x128xf32, #tpu.memory_space<hbm>>) target(%dma_start3A_5 : memref<96x128xf32, #tpu.memory_space<vmem>>) offsets(%dma_start3A_8 : memref<96xi32, #tpu.memory_space<vmem>>) semaphore(%arg7 : memref<!tpu.dma_semaphore, #tpu.memory_space<semaphore_mem>>)
    %dma_start3A_12 = arith.constant 1 : i32
    %dma_start3A_13 = arith.constant 96 : i32
    %dma_start3A_14 = arith.constant 0 : i32
    %dma_start3A_15 = tpu.memref_slice %arg6[%dma_start3A_13, %dma_start3A_14] : memref<288x128xf32, #tpu.memory_space<vmem>> -> memref<96x128xf32, #tpu.memory_space<vmem>>
    %dma_start3A_16 = arith.constant 0 : i32
    %dma_start3A_17 = tpu.memref_slice %arg5[%dma_start3A_12, %dma_start3A_16] : memref<3x96xi32, #tpu.memory_space<vmem>> -> memref<1x96xi32, #tpu.memory_space<vmem>>
    %dma_start3A_18 = tpu.memref_squeeze %dma_start3A_17 : memref<1x96xi32, #tpu.memory_space<vmem>> -> memref<96xi32, #tpu.memory_space<vmem>>
    %dma_start3A_19 = arith.constant 0 : i32
    %dma_start3A_20 = arith.constant 0 : i32
    %dma_start3A_21 = tpu.memref_slice %arg2[%dma_start3A_19, %dma_start3A_20] : memref<1024x128xf32, #tpu.memory_space<hbm>> -> memref<1024x128xf32, #tpu.memory_space<hbm>>
    tpu.enqueue_indirect_dma source(%dma_start3A_21 : memref<1024x128xf32, #tpu.memory_space<hbm>>) target(%dma_start3A_15 : memref<96x128xf32, #tpu.memory_space<vmem>>) offsets(%dma_start3A_18 : memref<96xi32, #tpu.memory_space<vmem>>) semaphore(%arg7 : memref<!tpu.dma_semaphore, #tpu.memory_space<semaphore_mem>>)
    %dma_start3A_22 = arith.constant 2 : i32
    %dma_start3A_23 = arith.constant 192 : i32
    %dma_start3A_24 = arith.constant 0 : i32
    %dma_start3A_25 = tpu.memref_slice %arg6[%dma_start3A_23, %dma_start3A_24] : memref<288x128xf32, #tpu.memory_space<vmem>> -> memref<96x128xf32, #tpu.memory_space<vmem>>
    %dma_start3A_26 = arith.constant 0 : i32
    %dma_start3A_27 = tpu.memref_slice %arg5[%dma_start3A_22, %dma_start3A_26] : memref<3x96xi32, #tpu.memory_space<vmem>> -> memref<1x96xi32, #tpu.memory_space<vmem>>
    %dma_start3A_28 = tpu.memref_squeeze %dma_start3A_27 : memref<1x96xi32, #tpu.memory_space<vmem>> -> memref<96xi32, #tpu.memory_space<vmem>>
    %dma_start3A_29 = arith.constant 0 : i32
    %dma_start3A_30 = arith.constant 0 : i32
    %dma_start3A_31 = tpu.memref_slice %arg2[%dma_start3A_29, %dma_start3A_30] : memref<1024x128xf32, #tpu.memory_space<hbm>> -> memref<1024x128xf32, #tpu.memory_space<hbm>>
    tpu.enqueue_indirect_dma source(%dma_start3A_31 : memref<1024x128xf32, #tpu.memory_space<hbm>>) target(%dma_start3A_25 : memref<96x128xf32, #tpu.memory_space<vmem>>) offsets(%dma_start3A_28 : memref<96xi32, #tpu.memory_space<vmem>>) semaphore(%arg7 : memref<!tpu.dma_semaphore, #tpu.memory_space<semaphore_mem>>)
    %dma_wait3A = arith.constant 0 : i32
    %dma_wait3A_32 = arith.constant 0 : i32
    %dma_wait3A_33 = arith.constant 0 : i32
    %dma_wait3A_34 = tpu.memref_slice %arg6[%dma_wait3A_32, %dma_wait3A_33] : memref<288x128xf32, #tpu.memory_space<vmem>> -> memref<96x128xf32, #tpu.memory_space<vmem>>
    %dma_wait3A_35 = arith.constant 0 : i32
    %dma_wait3A_36 = tpu.memref_slice %arg5[%dma_wait3A, %dma_wait3A_35] : memref<3x96xi32, #tpu.memory_space<vmem>> -> memref<1x96xi32, #tpu.memory_space<vmem>>
    %dma_wait3A_37 = tpu.memref_squeeze %dma_wait3A_36 : memref<1x96xi32, #tpu.memory_space<vmem>> -> memref<96xi32, #tpu.memory_space<vmem>>
    %dma_wait3A_38 = arith.constant 0 : i32
    %dma_wait3A_39 = arith.constant 0 : i32
    %dma_wait3A_40 = tpu.memref_slice %arg2[%dma_wait3A_38, %dma_wait3A_39] : memref<1024x128xf32, #tpu.memory_space<hbm>> -> memref<1024x128xf32, #tpu.memory_space<hbm>>
    tpu.wait_indirect_dma semaphore(%arg7 : memref<!tpu.dma_semaphore, #tpu.memory_space<semaphore_mem>>) src(%dma_wait3A_40 : memref<1024x128xf32, #tpu.memory_space<hbm>>) dst(%dma_wait3A_34 : memref<96x128xf32, #tpu.memory_space<vmem>>)
    %dma_wait3A_41 = arith.constant 1 : i32
    %dma_wait3A_42 = arith.constant 96 : i32
    %dma_wait3A_43 = arith.constant 0 : i32
    %dma_wait3A_44 = tpu.memref_slice %arg6[%dma_wait3A_42, %dma_wait3A_43] : memref<288x128xf32, #tpu.memory_space<vmem>> -> memref<96x128xf32, #tpu.memory_space<vmem>>
    %dma_wait3A_45 = arith.constant 0 : i32
    %dma_wait3A_46 = tpu.memref_slice %arg5[%dma_wait3A_41, %dma_wait3A_45] : memref<3x96xi32, #tpu.memory_space<vmem>> -> memref<1x96xi32, #tpu.memory_space<vmem>>
    %dma_wait3A_47 = tpu.memref_squeeze %dma_wait3A_46 : memref<1x96xi32, #tpu.memory_space<vmem>> -> memref<96xi32, #tpu.memory_space<vmem>>
    %dma_wait3A_48 = arith.constant 0 : i32
    %dma_wait3A_49 = arith.constant 0 : i32
    %dma_wait3A_50 = tpu.memref_slice %arg2[%dma_wait3A_48, %dma_wait3A_49] : memref<1024x128xf32, #tpu.memory_space<hbm>> -> memref<1024x128xf32, #tpu.memory_space<hbm>>
    tpu.wait_indirect_dma semaphore(%arg7 : memref<!tpu.dma_semaphore, #tpu.memory_space<semaphore_mem>>) src(%dma_wait3A_50 : memref<1024x128xf32, #tpu.memory_space<hbm>>) dst(%dma_wait3A_44 : memref<96x128xf32, #tpu.memory_space<vmem>>)
    %dma_wait3A_51 = arith.constant 2 : i32
    %dma_wait3A_52 = arith.constant 192 : i32
    %dma_wait3A_53 = arith.constant 0 : i32
    %dma_wait3A_54 = tpu.memref_slice %arg6[%dma_wait3A_52, %dma_wait3A_53] : memref<288x128xf32, #tpu.memory_space<vmem>> -> memref<96x128xf32, #tpu.memory_space<vmem>>
    %dma_wait3A_55 = arith.constant 0 : i32
    %dma_wait3A_56 = tpu.memref_slice %arg5[%dma_wait3A_51, %dma_wait3A_55] : memref<3x96xi32, #tpu.memory_space<vmem>> -> memref<1x96xi32, #tpu.memory_space<vmem>>
    %dma_wait3A_57 = tpu.memref_squeeze %dma_wait3A_56 : memref<1x96xi32, #tpu.memory_space<vmem>> -> memref<96xi32, #tpu.memory_space<vmem>>
    %dma_wait3A_58 = arith.constant 0 : i32
    %dma_wait3A_59 = arith.constant 0 : i32
    %dma_wait3A_60 = tpu.memref_slice %arg2[%dma_wait3A_58, %dma_wait3A_59] : memref<1024x128xf32, #tpu.memory_space<hbm>> -> memref<1024x128xf32, #tpu.memory_space<hbm>>
    tpu.wait_indirect_dma semaphore(%arg7 : memref<!tpu.dma_semaphore, #tpu.memory_space<semaphore_mem>>) src(%dma_wait3A_60 : memref<1024x128xf32, #tpu.memory_space<hbm>>) dst(%dma_wait3A_54 : memref<96x128xf32, #tpu.memory_space<vmem>>)
    "tpu.region"() ({
      %run_scoped3A = tpu.sem_alloc : memref<!tpu.dma_semaphore, #tpu.memory_space<semaphore_mem>>
      %dma_start3A_61 = arith.constant 0 : i32
      %dma_start3A_62 = tpu.memref_slice %arg4[%mul3A_2, %dma_start3A_61] : memref<9216x128xf32, #tpu.memory_space<hbm>> -> memref<288x128xf32, #tpu.memory_space<hbm>>
      %dma_start3A_63 = arith.constant 0 : i32
      %dma_start3A_64 = tpu.memref_slice %arg4[%mul3A_2, %dma_start3A_63] : memref<9216x128xf32, #tpu.memory_space<hbm>> -> memref<288x128xf32, #tpu.memory_space<hbm>>
      tpu.enqueue_dma source(%arg6 : memref<288x128xf32, #tpu.memory_space<vmem>>) target(%dma_start3A_64 : memref<288x128xf32, #tpu.memory_space<hbm>>) target_semaphore(%run_scoped3A : memref<!tpu.dma_semaphore, #tpu.memory_space<semaphore_mem>>)
      %dma_wait3A_65 = arith.constant 0 : i32
      %dma_wait3A_66 = tpu.memref_slice %arg4[%mul3A_2, %dma_wait3A_65] : memref<9216x128xf32, #tpu.memory_space<hbm>> -> memref<288x128xf32, #tpu.memory_space<hbm>>
      %dma_wait3A_67 = arith.constant 0 : i32
      %dma_wait3A_68 = tpu.memref_slice %arg4[%mul3A_2, %dma_wait3A_67] : memref<9216x128xf32, #tpu.memory_space<hbm>> -> memref<288x128xf32, #tpu.memory_space<hbm>>
      tpu.wait_dma2 semaphore(%run_scoped3A : memref<!tpu.dma_semaphore, #tpu.memory_space<semaphore_mem>>) src(%arg6 : memref<288x128xf32, #tpu.memory_space<vmem>>) dst(%dma_wait3A_68 : memref<288x128xf32, #tpu.memory_space<hbm>>)
      tpu.yield
    }) : () -> ()
    return
  }
}

#map = affine_map<(d0, d1) -> (0, 0)>
#map1 = affine_map<(d0, d1) -> (0, 0, 0)>
module attributes {stable_mosaic.version = 14 : i64} {
  func.func @gather(%arg0: i32, %arg1: i32, %arg2: memref<1024x128xf32, #tpu.memory_space<hbm>>, %arg3: memref<32x3x96xi32, #tpu.memory_space<hbm>>, %arg4: memref<9216x128xf32, #tpu.memory_space<hbm>>, %arg5: memref<3x96xi32, #tpu.memory_space<vmem>>, %arg6: memref<288x128xf32, #tpu.memory_space<vmem>>, %arg7: memref<!tpu.dma_semaphore, #tpu.memory_space<semaphore_mem>>) attributes {dimension_semantics = [#tpu.dimension_semantics<core_parallel>, #tpu.dimension_semantics<subcore_parallel>], iteration_bounds = array<i64: 2, 16>, scalar_prefetch = 0 : i64, scratch_operands = 3 : i64, tpu.core_type = #tpu.core_type<sc_vector_subcore>, window_params = [{transform_indices = #map}, {transform_indices = #map1}, {transform_indices = #map}]} {
    %mul3A = arith.constant 2 : i32
    %mul3A_0 = arith.muli %arg1, %mul3A : i32
    %add3A = arith.addi %mul3A_0, %arg0 : i32
    %mul3A_1 = arith.constant 288 : i32
    %mul3A_2 = arith.muli %add3A, %mul3A_1 : i32
    "tpu.region"() ({
      %run_scoped3A = tpu.sem_alloc : memref<!tpu.dma_semaphore, #tpu.memory_space<semaphore_mem>>
      %dma_start3A_61 = arith.constant 0 : i32
      %dma_start3A_62 = arith.constant 0 : i32
      %dma_start3A_63 = tpu.memref_slice %arg3[%add3A, %dma_start3A_61, %dma_start3A_62] : memref<32x3x96xi32, #tpu.memory_space<hbm>> -> memref<1x3x96xi32, #tpu.memory_space<hbm>>
      %dma_start3A_64 = tpu.memref_squeeze %dma_start3A_63 : memref<1x3x96xi32, #tpu.memory_space<hbm>> -> memref<3x96xi32, #tpu.memory_space<hbm>>
      %dma_start3A_65 = arith.constant 0 : i32
      %dma_start3A_66 = arith.constant 0 : i32
      %dma_start3A_67 = tpu.memref_slice %arg3[%add3A, %dma_start3A_65, %dma_start3A_66] : memref<32x3x96xi32, #tpu.memory_space<hbm>> -> memref<1x3x96xi32, #tpu.memory_space<hbm>>
      %dma_start3A_68 = tpu.memref_squeeze %dma_start3A_67 : memref<1x3x96xi32, #tpu.memory_space<hbm>> -> memref<3x96xi32, #tpu.memory_space<hbm>>
      tpu.enqueue_dma source(%dma_start3A_68 : memref<3x96xi32, #tpu.memory_space<hbm>>) target(%arg5 : memref<3x96xi32, #tpu.memory_space<vmem>>) target_semaphore(%run_scoped3A : memref<!tpu.dma_semaphore, #tpu.memory_space<semaphore_mem>>)
      %dma_wait3A_69 = arith.constant 0 : i32
      %dma_wait3A_70 = arith.constant 0 : i32
      %dma_wait3A_71 = tpu.memref_slice %arg3[%add3A, %dma_wait3A_69, %dma_wait3A_70] : memref<32x3x96xi32, #tpu.memory_space<hbm>> -> memref<1x3x96xi32, #tpu.memory_space<hbm>>
      %dma_wait3A_72 = tpu.memref_squeeze %dma_wait3A_71 : memref<1x3x96xi32, #tpu.memory_space<hbm>> -> memref<3x96xi32, #tpu.memory_space<hbm>>
      %dma_wait3A_73 = arith.constant 0 : i32
      %dma_wait3A_74 = arith.constant 0 : i32
      %dma_wait3A_75 = tpu.memref_slice %arg3[%add3A, %dma_wait3A_73, %dma_wait3A_74] : memref<32x3x96xi32, #tpu.memory_space<hbm>> -> memref<1x3x96xi32, #tpu.memory_space<hbm>>
      %dma_wait3A_76 = tpu.memref_squeeze %dma_wait3A_75 : memref<1x3x96xi32, #tpu.memory_space<hbm>> -> memref<3x96xi32, #tpu.memory_space<hbm>>
      tpu.wait_dma2 semaphore(%run_scoped3A : memref<!tpu.dma_semaphore, #tpu.memory_space<semaphore_mem>>) src(%dma_wait3A_76 : memref<3x96xi32, #tpu.memory_space<hbm>>) dst(%arg5 : memref<3x96xi32, #tpu.memory_space<vmem>>)
      tpu.yield
    }) : () -> ()
    %dma_start3A = arith.constant 0 : i32
    %dma_start3A_3 = arith.constant 0 : i32
    %dma_start3A_4 = arith.constant 0 : i32
    %dma_start3A_5 = tpu.memref_slice %arg6[%dma_start3A_3, %dma_start3A_4] : memref<288x128xf32, #tpu.memory_space<vmem>> -> memref<96x128xf32, #tpu.memory_space<vmem>>
    %dma_start3A_6 = arith.constant 0 : i32
    %dma_start3A_7 = tpu.memref_slice %arg5[%dma_start3A, %dma_start3A_6] : memref<3x96xi32, #tpu.memory_space<vmem>> -> memref<1x96xi32, #tpu.memory_space<vmem>>
    %dma_start3A_8 = tpu.memref_squeeze %dma_start3A_7 : memref<1x96xi32, #tpu.memory_space<vmem>> -> memref<96xi32, #tpu.memory_space<vmem>>
    %dma_start3A_9 = arith.constant 0 : i32
    %dma_start3A_10 = arith.constant 0 : i32
    %dma_start3A_11 = tpu.memref_slice %arg2[%dma_start3A_9, %dma_start3A_10] : memref<1024x128xf32, #tpu.memory_space<hbm>> -> memref<1024x128xf32, #tpu.memory_space<hbm>>
    tpu.enqueue_indirect_dma source(%dma_start3A_11 : memref<1024x128xf32, #tpu.memory_space<hbm>>) target(%dma_start3A_5 : memref<96x128xf32, #tpu.memory_space<vmem>>) offsets(%dma_start3A_8 : memref<96xi32, #tpu.memory_space<vmem>>) semaphore(%arg7 : memref<!tpu.dma_semaphore, #tpu.memory_space<semaphore_mem>>)
    %dma_start3A_12 = arith.constant 1 : i32
    %dma_start3A_13 = arith.constant 96 : i32
    %dma_start3A_14 = arith.constant 0 : i32
    %dma_start3A_15 = tpu.memref_slice %arg6[%dma_start3A_13, %dma_start3A_14] : memref<288x128xf32, #tpu.memory_space<vmem>> -> memref<96x128xf32, #tpu.memory_space<vmem>>
    %dma_start3A_16 = arith.constant 0 : i32
    %dma_start3A_17 = tpu.memref_slice %arg5[%dma_start3A_12, %dma_start3A_16] : memref<3x96xi32, #tpu.memory_space<vmem>> -> memref<1x96xi32, #tpu.memory_space<vmem>>
    %dma_start3A_18 = tpu.memref_squeeze %dma_start3A_17 : memref<1x96xi32, #tpu.memory_space<vmem>> -> memref<96xi32, #tpu.memory_space<vmem>>
    %dma_start3A_19 = arith.constant 0 : i32
    %dma_start3A_20 = arith.constant 0 : i32
    %dma_start3A_21 = tpu.memref_slice %arg2[%dma_start3A_19, %dma_start3A_20] : memref<1024x128xf32, #tpu.memory_space<hbm>> -> memref<1024x128xf32, #tpu.memory_space<hbm>>
    tpu.enqueue_indirect_dma source(%dma_start3A_21 : memref<1024x128xf32, #tpu.memory_space<hbm>>) target(%dma_start3A_15 : memref<96x128xf32, #tpu.memory_space<vmem>>) offsets(%dma_start3A_18 : memref<96xi32, #tpu.memory_space<vmem>>) semaphore(%arg7 : memref<!tpu.dma_semaphore, #tpu.memory_space<semaphore_mem>>)
    %dma_start3A_22 = arith.constant 2 : i32
    %dma_start3A_23 = arith.constant 192 : i32
    %dma_start3A_24 = arith.constant 0 : i32
    %dma_start3A_25 = tpu.memref_slice %arg6[%dma_start3A_23, %dma_start3A_24] : memref<288x128xf32, #tpu.memory_space<vmem>> -> memref<96x128xf32, #tpu.memory_space<vmem>>
    %dma_start3A_26 = arith.constant 0 : i32
    %dma_start3A_27 = tpu.memref_slice %arg5[%dma_start3A_22, %dma_start3A_26] : memref<3x96xi32, #tpu.memory_space<vmem>> -> memref<1x96xi32, #tpu.memory_space<vmem>>
    %dma_start3A_28 = tpu.memref_squeeze %dma_start3A_27 : memref<1x96xi32, #tpu.memory_space<vmem>> -> memref<96xi32, #tpu.memory_space<vmem>>
    %dma_start3A_29 = arith.constant 0 : i32
    %dma_start3A_30 = arith.constant 0 : i32
    %dma_start3A_31 = tpu.memref_slice %arg2[%dma_start3A_29, %dma_start3A_30] : memref<1024x128xf32, #tpu.memory_space<hbm>> -> memref<1024x128xf32, #tpu.memory_space<hbm>>
    tpu.enqueue_indirect_dma source(%dma_start3A_31 : memref<1024x128xf32, #tpu.memory_space<hbm>>) target(%dma_start3A_25 : memref<96x128xf32, #tpu.memory_space<vmem>>) offsets(%dma_start3A_28 : memref<96xi32, #tpu.memory_space<vmem>>) semaphore(%arg7 : memref<!tpu.dma_semaphore, #tpu.memory_space<semaphore_mem>>)
    %dma_wait3A = arith.constant 0 : i32
    %dma_wait3A_32 = arith.constant 0 : i32
    %dma_wait3A_33 = arith.constant 0 : i32
    %dma_wait3A_34 = tpu.memref_slice %arg6[%dma_wait3A_32, %dma_wait3A_33] : memref<288x128xf32, #tpu.memory_space<vmem>> -> memref<96x128xf32, #tpu.memory_space<vmem>>
    %dma_wait3A_35 = arith.constant 0 : i32
    %dma_wait3A_36 = tpu.memref_slice %arg5[%dma_wait3A, %dma_wait3A_35] : memref<3x96xi32, #tpu.memory_space<vmem>> -> memref<1x96xi32, #tpu.memory_space<vmem>>
    %dma_wait3A_37 = tpu.memref_squeeze %dma_wait3A_36 : memref<1x96xi32, #tpu.memory_space<vmem>> -> memref<96xi32, #tpu.memory_space<vmem>>
    %dma_wait3A_38 = arith.constant 0 : i32
    %dma_wait3A_39 = arith.constant 0 : i32
    %dma_wait3A_40 = tpu.memref_slice %arg2[%dma_wait3A_38, %dma_wait3A_39] : memref<1024x128xf32, #tpu.memory_space<hbm>> -> memref<1024x128xf32, #tpu.memory_space<hbm>>
    tpu.wait_indirect_dma semaphore(%arg7 : memref<!tpu.dma_semaphore, #tpu.memory_space<semaphore_mem>>) src(%dma_wait3A_40 : memref<1024x128xf32, #tpu.memory_space<hbm>>) dst(%dma_wait3A_34 : memref<96x128xf32, #tpu.memory_space<vmem>>)
    %dma_wait3A_41 = arith.constant 1 : i32
    %dma_wait3A_42 = arith.constant 96 : i32
    %dma_wait3A_43 = arith.constant 0 : i32
    %dma_wait3A_44 = tpu.memref_slice %arg6[%dma_wait3A_42, %dma_wait3A_43] : memref<288x128xf32, #tpu.memory_space<vmem>> -> memref<96x128xf32, #tpu.memory_space<vmem>>
    %dma_wait3A_45 = arith.constant 0 : i32
    %dma_wait3A_46 = tpu.memref_slice %arg5[%dma_wait3A_41, %dma_wait3A_45] : memref<3x96xi32, #tpu.memory_space<vmem>> -> memref<1x96xi32, #tpu.memory_space<vmem>>
    %dma_wait3A_47 = tpu.memref_squeeze %dma_wait3A_46 : memref<1x96xi32, #tpu.memory_space<vmem>> -> memref<96xi32, #tpu.memory_space<vmem>>
    %dma_wait3A_48 = arith.constant 0 : i32
    %dma_wait3A_49 = arith.constant 0 : i32
    %dma_wait3A_50 = tpu.memref_slice %arg2[%dma_wait3A_48, %dma_wait3A_49] : memref<1024x128xf32, #tpu.memory_space<hbm>> -> memref<1024x128xf32, #tpu.memory_space<hbm>>
    tpu.wait_indirect_dma semaphore(%arg7 : memref<!tpu.dma_semaphore, #tpu.memory_space<semaphore_mem>>) src(%dma_wait3A_50 : memref<1024x128xf32, #tpu.memory_space<hbm>>) dst(%dma_wait3A_44 : memref<96x128xf32, #tpu.memory_space<vmem>>)
    %dma_wait3A_51 = arith.constant 2 : i32
    %dma_wait3A_52 = arith.constant 192 : i32
    %dma_wait3A_53 = arith.constant 0 : i32
    %dma_wait3A_54 = tpu.memref_slice %arg6[%dma_wait3A_52, %dma_wait3A_53] : memref<288x128xf32, #tpu.memory_space<vmem>> -> memref<96x128xf32, #tpu.memory_space<vmem>>
    %dma_wait3A_55 = arith.constant 0 : i32
    %dma_wait3A_56 = tpu.memref_slice %arg5[%dma_wait3A_51, %dma_wait3A_55] : memref<3x96xi32, #tpu.memory_space<vmem>> -> memref<1x96xi32, #tpu.memory_space<vmem>>
    %dma_wait3A_57 = tpu.memref_squeeze %dma_wait3A_56 : memref<1x96xi32, #tpu.memory_space<vmem>> -> memref<96xi32, #tpu.memory_space<vmem>>
    %dma_wait3A_58 = arith.constant 0 : i32
    %dma_wait3A_59 = arith.constant 0 : i32
    %dma_wait3A_60 = tpu.memref_slice %arg2[%dma_wait3A_58, %dma_wait3A_59] : memref<1024x128xf32, #tpu.memory_space<hbm>> -> memref<1024x128xf32, #tpu.memory_space<hbm>>
    tpu.wait_indirect_dma semaphore(%arg7 : memref<!tpu.dma_semaphore, #tpu.memory_space<semaphore_mem>>) src(%dma_wait3A_60 : memref<1024x128xf32, #tpu.memory_space<hbm>>) dst(%dma_wait3A_54 : memref<96x128xf32, #tpu.memory_space<vmem>>)
    "tpu.region"() ({
      %run_scoped3A = tpu.sem_alloc : memref<!tpu.dma_semaphore, #tpu.memory_space<semaphore_mem>>
      %dma_start3A_61 = arith.constant 0 : i32
      %dma_start3A_62 = tpu.memref_slice %arg4[%mul3A_2, %dma_start3A_61] : memref<9216x128xf32, #tpu.memory_space<hbm>> -> memref<288x128xf32, #tpu.memory_space<hbm>>
      %dma_start3A_63 = arith.constant 0 : i32
      %dma_start3A_64 = tpu.memref_slice %arg4[%mul3A_2, %dma_start3A_63] : memref<9216x128xf32, #tpu.memory_space<hbm>> -> memref<288x128xf32, #tpu.memory_space<hbm>>
      tpu.enqueue_dma source(%arg6 : memref<288x128xf32, #tpu.memory_space<vmem>>) target(%dma_start3A_64 : memref<288x128xf32, #tpu.memory_space<hbm>>) target_semaphore(%run_scoped3A : memref<!tpu.dma_semaphore, #tpu.memory_space<semaphore_mem>>)
      %dma_wait3A_65 = arith.constant 0 : i32
      %dma_wait3A_66 = tpu.memref_slice %arg4[%mul3A_2, %dma_wait3A_65] : memref<9216x128xf32, #tpu.memory_space<hbm>> -> memref<288x128xf32, #tpu.memory_space<hbm>>
      %dma_wait3A_67 = arith.constant 0 : i32
      %dma_wait3A_68 = tpu.memref_slice %arg4[%mul3A_2, %dma_wait3A_67] : memref<9216x128xf32, #tpu.memory_space<hbm>> -> memref<288x128xf32, #tpu.memory_space<hbm>>
      tpu.wait_dma2 semaphore(%run_scoped3A : memref<!tpu.dma_semaphore, #tpu.memory_space<semaphore_mem>>) src(%arg6 : memref<288x128xf32, #tpu.memory_space<vmem>>) dst(%dma_wait3A_68 : memref<288x128xf32, #tpu.memory_space<hbm>>)
      tpu.yield
    }) : () -> ()
    return
  }
}

#map = affine_map<(d0, d1) -> (0, 0)>
#map1 = affine_map<(d0, d1) -> (0, 0, 0)>
module attributes {stable_mosaic.version = 14 : i64} {
  func.func @gather(%arg0: i32, %arg1: i32, %arg2: memref<1024x128xf32, #tpu.memory_space<hbm>>, %arg3: memref<32x3x96xi32, #tpu.memory_space<hbm>>, %arg4: memref<9216x128xf32, #tpu.memory_space<hbm>>, %arg5: memref<3x96xi32, #tpu.memory_space<vmem>>, %arg6: memref<288x128xf32, #tpu.memory_space<vmem>>, %arg7: memref<!tpu.dma_semaphore, #tpu.memory_space<semaphore_mem>>) attributes {dimension_semantics = [#tpu.dimension_semantics<core_parallel>, #tpu.dimension_semantics<subcore_parallel>], iteration_bounds = array<i64: 2, 16>, scalar_prefetch = 0 : i64, scratch_operands = 3 : i64, tpu.core_type = #tpu.core_type<sc_vector_subcore>, window_params = [{transform_indices = #map}, {transform_indices = #map1}, {transform_indices = #map}]} {
    %mul3A = arith.constant 2 : i32
    %mul3A_0 = arith.muli %arg1, %mul3A : i32
    %add3A = arith.addi %mul3A_0, %arg0 : i32
    %mul3A_1 = arith.constant 288 : i32
    %mul3A_2 = arith.muli %add3A, %mul3A_1 : i32
    "tpu.region"() ({
      %run_scoped3A = tpu.sem_alloc : memref<!tpu.dma_semaphore, #tpu.memory_space<semaphore_mem>>
      %dma_start3A_61 = arith.constant 0 : i32
      %dma_start3A_62 = arith.constant 0 : i32
      %dma_start3A_63 = tpu.memref_slice %arg3[%add3A, %dma_start3A_61, %dma_start3A_62] : memref<32x3x96xi32, #tpu.memory_space<hbm>> -> memref<1x3x96xi32, #tpu.memory_space<hbm>>
      %dma_start3A_64 = tpu.memref_squeeze %dma_start3A_63 : memref<1x3x96xi32, #tpu.memory_space<hbm>> -> memref<3x96xi32, #tpu.memory_space<hbm>>
      %dma_start3A_65 = arith.constant 0 : i32
      %dma_start3A_66 = arith.constant 0 : i32
      %dma_start3A_67 = tpu.memref_slice %arg3[%add3A, %dma_start3A_65, %dma_start3A_66] : memref<32x3x96xi32, #tpu.memory_space<hbm>> -> memref<1x3x96xi32, #tpu.memory_space<hbm>>
      %dma_start3A_68 = tpu.memref_squeeze %dma_start3A_67 : memref<1x3x96xi32, #tpu.memory_space<hbm>> -> memref<3x96xi32, #tpu.memory_space<hbm>>
      tpu.enqueue_dma source(%dma_start3A_68 : memref<3x96xi32, #tpu.memory_space<hbm>>) target(%arg5 : memref<3x96xi32, #tpu.memory_space<vmem>>) target_semaphore(%run_scoped3A : memref<!tpu.dma_semaphore, #tpu.memory_space<semaphore_mem>>)
      %dma_wait3A_69 = arith.constant 0 : i32
      %dma_wait3A_70 = arith.constant 0 : i32
      %dma_wait3A_71 = tpu.memref_slice %arg3[%add3A, %dma_wait3A_69, %dma_wait3A_70] : memref<32x3x96xi32, #tpu.memory_space<hbm>> -> memref<1x3x96xi32, #tpu.memory_space<hbm>>
      %dma_wait3A_72 = tpu.memref_squeeze %dma_wait3A_71 : memref<1x3x96xi32, #tpu.memory_space<hbm>> -> memref<3x96xi32, #tpu.memory_space<hbm>>
      %dma_wait3A_73 = arith.constant 0 : i32
      %dma_wait3A_74 = arith.constant 0 : i32
      %dma_wait3A_75 = tpu.memref_slice %arg3[%add3A, %dma_wait3A_73, %dma_wait3A_74] : memref<32x3x96xi32, #tpu.memory_space<hbm>> -> memref<1x3x96xi32, #tpu.memory_space<hbm>>
      %dma_wait3A_76 = tpu.memref_squeeze %dma_wait3A_75 : memref<1x3x96xi32, #tpu.memory_space<hbm>> -> memref<3x96xi32, #tpu.memory_space<hbm>>
      tpu.wait_dma2 semaphore(%run_scoped3A : memref<!tpu.dma_semaphore, #tpu.memory_space<semaphore_mem>>) src(%dma_wait3A_76 : memref<3x96xi32, #tpu.memory_space<hbm>>) dst(%arg5 : memref<3x96xi32, #tpu.memory_space<vmem>>)
      tpu.yield
    }) : () -> ()
    %dma_start3A = arith.constant 0 : i32
    %dma_start3A_3 = arith.constant 0 : i32
    %dma_start3A_4 = arith.constant 0 : i32
    %dma_start3A_5 = tpu.memref_slice %arg6[%dma_start3A_3, %dma_start3A_4] : memref<288x128xf32, #tpu.memory_space<vmem>> -> memref<96x128xf32, #tpu.memory_space<vmem>>
    %dma_start3A_6 = arith.constant 0 : i32
    %dma_start3A_7 = tpu.memref_slice %arg5[%dma_start3A, %dma_start3A_6] : memref<3x96xi32, #tpu.memory_space<vmem>> -> memref<1x96xi32, #tpu.memory_space<vmem>>
    %dma_start3A_8 = tpu.memref_squeeze %dma_start3A_7 : memref<1x96xi32, #tpu.memory_space<vmem>> -> memref<96xi32, #tpu.memory_space<vmem>>
    %dma_start3A_9 = arith.constant 0 : i32
    %dma_start3A_10 = arith.constant 0 : i32
    %dma_start3A_11 = tpu.memref_slice %arg2[%dma_start3A_9, %dma_start3A_10] : memref<1024x128xf32, #tpu.memory_space<hbm>> -> memref<1024x128xf32, #tpu.memory_space<hbm>>
    tpu.enqueue_indirect_dma source(%dma_start3A_11 : memref<1024x128xf32, #tpu.memory_space<hbm>>) target(%dma_start3A_5 : memref<96x128xf32, #tpu.memory_space<vmem>>) offsets(%dma_start3A_8 : memref<96xi32, #tpu.memory_space<vmem>>) semaphore(%arg7 : memref<!tpu.dma_semaphore, #tpu.memory_space<semaphore_mem>>)
    %dma_start3A_12 = arith.constant 1 : i32
    %dma_start3A_13 = arith.constant 96 : i32
    %dma_start3A_14 = arith.constant 0 : i32
    %dma_start3A_15 = tpu.memref_slice %arg6[%dma_start3A_13, %dma_start3A_14] : memref<288x128xf32, #tpu.memory_space<vmem>> -> memref<96x128xf32, #tpu.memory_space<vmem>>
    %dma_start3A_16 = arith.constant 0 : i32
    %dma_start3A_17 = tpu.memref_slice %arg5[%dma_start3A_12, %dma_start3A_16] : memref<3x96xi32, #tpu.memory_space<vmem>> -> memref<1x96xi32, #tpu.memory_space<vmem>>
    %dma_start3A_18 = tpu.memref_squeeze %dma_start3A_17 : memref<1x96xi32, #tpu.memory_space<vmem>> -> memref<96xi32, #tpu.memory_space<vmem>>
    %dma_start3A_19 = arith.constant 0 : i32
    %dma_start3A_20 = arith.constant 0 : i32
    %dma_start3A_21 = tpu.memref_slice %arg2[%dma_start3A_19, %dma_start3A_20] : memref<1024x128xf32, #tpu.memory_space<hbm>> -> memref<1024x128xf32, #tpu.memory_space<hbm>>
    tpu.enqueue_indirect_dma source(%dma_start3A_21 : memref<1024x128xf32, #tpu.memory_space<hbm>>) target(%dma_start3A_15 : memref<96x128xf32, #tpu.memory_space<vmem>>) offsets(%dma_start3A_18 : memref<96xi32, #tpu.memory_space<vmem>>) semaphore(%arg7 : memref<!tpu.dma_semaphore, #tpu.memory_space<semaphore_mem>>)
    %dma_start3A_22 = arith.constant 2 : i32
    %dma_start3A_23 = arith.constant 192 : i32
    %dma_start3A_24 = arith.constant 0 : i32
    %dma_start3A_25 = tpu.memref_slice %arg6[%dma_start3A_23, %dma_start3A_24] : memref<288x128xf32, #tpu.memory_space<vmem>> -> memref<96x128xf32, #tpu.memory_space<vmem>>
    %dma_start3A_26 = arith.constant 0 : i32
    %dma_start3A_27 = tpu.memref_slice %arg5[%dma_start3A_22, %dma_start3A_26] : memref<3x96xi32, #tpu.memory_space<vmem>> -> memref<1x96xi32, #tpu.memory_space<vmem>>
    %dma_start3A_28 = tpu.memref_squeeze %dma_start3A_27 : memref<1x96xi32, #tpu.memory_space<vmem>> -> memref<96xi32, #tpu.memory_space<vmem>>
    %dma_start3A_29 = arith.constant 0 : i32
    %dma_start3A_30 = arith.constant 0 : i32
    %dma_start3A_31 = tpu.memref_slice %arg2[%dma_start3A_29, %dma_start3A_30] : memref<1024x128xf32, #tpu.memory_space<hbm>> -> memref<1024x128xf32, #tpu.memory_space<hbm>>
    tpu.enqueue_indirect_dma source(%dma_start3A_31 : memref<1024x128xf32, #tpu.memory_space<hbm>>) target(%dma_start3A_25 : memref<96x128xf32, #tpu.memory_space<vmem>>) offsets(%dma_start3A_28 : memref<96xi32, #tpu.memory_space<vmem>>) semaphore(%arg7 : memref<!tpu.dma_semaphore, #tpu.memory_space<semaphore_mem>>)
    %dma_wait3A = arith.constant 0 : i32
    %dma_wait3A_32 = arith.constant 0 : i32
    %dma_wait3A_33 = arith.constant 0 : i32
    %dma_wait3A_34 = tpu.memref_slice %arg6[%dma_wait3A_32, %dma_wait3A_33] : memref<288x128xf32, #tpu.memory_space<vmem>> -> memref<96x128xf32, #tpu.memory_space<vmem>>
    %dma_wait3A_35 = arith.constant 0 : i32
    %dma_wait3A_36 = tpu.memref_slice %arg5[%dma_wait3A, %dma_wait3A_35] : memref<3x96xi32, #tpu.memory_space<vmem>> -> memref<1x96xi32, #tpu.memory_space<vmem>>
    %dma_wait3A_37 = tpu.memref_squeeze %dma_wait3A_36 : memref<1x96xi32, #tpu.memory_space<vmem>> -> memref<96xi32, #tpu.memory_space<vmem>>
    %dma_wait3A_38 = arith.constant 0 : i32
    %dma_wait3A_39 = arith.constant 0 : i32
    %dma_wait3A_40 = tpu.memref_slice %arg2[%dma_wait3A_38, %dma_wait3A_39] : memref<1024x128xf32, #tpu.memory_space<hbm>> -> memref<1024x128xf32, #tpu.memory_space<hbm>>
    tpu.wait_indirect_dma semaphore(%arg7 : memref<!tpu.dma_semaphore, #tpu.memory_space<semaphore_mem>>) src(%dma_wait3A_40 : memref<1024x128xf32, #tpu.memory_space<hbm>>) dst(%dma_wait3A_34 : memref<96x128xf32, #tpu.memory_space<vmem>>)
    %dma_wait3A_41 = arith.constant 1 : i32
    %dma_wait3A_42 = arith.constant 96 : i32
    %dma_wait3A_43 = arith.constant 0 : i32
    %dma_wait3A_44 = tpu.memref_slice %arg6[%dma_wait3A_42, %dma_wait3A_43] : memref<288x128xf32, #tpu.memory_space<vmem>> -> memref<96x128xf32, #tpu.memory_space<vmem>>
    %dma_wait3A_45 = arith.constant 0 : i32
    %dma_wait3A_46 = tpu.memref_slice %arg5[%dma_wait3A_41, %dma_wait3A_45] : memref<3x96xi32, #tpu.memory_space<vmem>> -> memref<1x96xi32, #tpu.memory_space<vmem>>
    %dma_wait3A_47 = tpu.memref_squeeze %dma_wait3A_46 : memref<1x96xi32, #tpu.memory_space<vmem>> -> memref<96xi32, #tpu.memory_space<vmem>>
    %dma_wait3A_48 = arith.constant 0 : i32
    %dma_wait3A_49 = arith.constant 0 : i32
    %dma_wait3A_50 = tpu.memref_slice %arg2[%dma_wait3A_48, %dma_wait3A_49] : memref<1024x128xf32, #tpu.memory_space<hbm>> -> memref<1024x128xf32, #tpu.memory_space<hbm>>
    tpu.wait_indirect_dma semaphore(%arg7 : memref<!tpu.dma_semaphore, #tpu.memory_space<semaphore_mem>>) src(%dma_wait3A_50 : memref<1024x128xf32, #tpu.memory_space<hbm>>) dst(%dma_wait3A_44 : memref<96x128xf32, #tpu.memory_space<vmem>>)
    %dma_wait3A_51 = arith.constant 2 : i32
    %dma_wait3A_52 = arith.constant 192 : i32
    %dma_wait3A_53 = arith.constant 0 : i32
    %dma_wait3A_54 = tpu.memref_slice %arg6[%dma_wait3A_52, %dma_wait3A_53] : memref<288x128xf32, #tpu.memory_space<vmem>> -> memref<96x128xf32, #tpu.memory_space<vmem>>
    %dma_wait3A_55 = arith.constant 0 : i32
    %dma_wait3A_56 = tpu.memref_slice %arg5[%dma_wait3A_51, %dma_wait3A_55] : memref<3x96xi32, #tpu.memory_space<vmem>> -> memref<1x96xi32, #tpu.memory_space<vmem>>
    %dma_wait3A_57 = tpu.memref_squeeze %dma_wait3A_56 : memref<1x96xi32, #tpu.memory_space<vmem>> -> memref<96xi32, #tpu.memory_space<vmem>>
    %dma_wait3A_58 = arith.constant 0 : i32
    %dma_wait3A_59 = arith.constant 0 : i32
    %dma_wait3A_60 = tpu.memref_slice %arg2[%dma_wait3A_58, %dma_wait3A_59] : memref<1024x128xf32, #tpu.memory_space<hbm>> -> memref<1024x128xf32, #tpu.memory_space<hbm>>
    tpu.wait_indirect_dma semaphore(%arg7 : memref<!tpu.dma_semaphore, #tpu.memory_space<semaphore_mem>>) src(%dma_wait3A_60 : memref<1024x128xf32, #tpu.memory_space<hbm>>) dst(%dma_wait3A_54 : memref<96x128xf32, #tpu.memory_space<vmem>>)
    "tpu.region"() ({
      %run_scoped3A = tpu.sem_alloc : memref<!tpu.dma_semaphore, #tpu.memory_space<semaphore_mem>>
      %dma_start3A_61 = arith.constant 0 : i32
      %dma_start3A_62 = tpu.memref_slice %arg4[%mul3A_2, %dma_start3A_61] : memref<9216x128xf32, #tpu.memory_space<hbm>> -> memref<288x128xf32, #tpu.memory_space<hbm>>
      %dma_start3A_63 = arith.constant 0 : i32
      %dma_start3A_64 = tpu.memref_slice %arg4[%mul3A_2, %dma_start3A_63] : memref<9216x128xf32, #tpu.memory_space<hbm>> -> memref<288x128xf32, #tpu.memory_space<hbm>>
      tpu.enqueue_dma source(%arg6 : memref<288x128xf32, #tpu.memory_space<vmem>>) target(%dma_start3A_64 : memref<288x128xf32, #tpu.memory_space<hbm>>) target_semaphore(%run_scoped3A : memref<!tpu.dma_semaphore, #tpu.memory_space<semaphore_mem>>)
      %dma_wait3A_65 = arith.constant 0 : i32
      %dma_wait3A_66 = tpu.memref_slice %arg4[%mul3A_2, %dma_wait3A_65] : memref<9216x128xf32, #tpu.memory_space<hbm>> -> memref<288x128xf32, #tpu.memory_space<hbm>>
      %dma_wait3A_67 = arith.constant 0 : i32
      %dma_wait3A_68 = tpu.memref_slice %arg4[%mul3A_2, %dma_wait3A_67] : memref<9216x128xf32, #tpu.memory_space<hbm>> -> memref<288x128xf32, #tpu.memory_space<hbm>>
      tpu.wait_dma2 semaphore(%run_scoped3A : memref<!tpu.dma_semaphore, #tpu.memory_space<semaphore_mem>>) src(%arg6 : memref<288x128xf32, #tpu.memory_space<vmem>>) dst(%dma_wait3A_68 : memref<288x128xf32, #tpu.memory_space<hbm>>)
      tpu.yield
    }) : () -> ()
    return
  }
}

#map = affine_map<(d0, d1) -> (0, 0)>
#map1 = affine_map<(d0, d1) -> (0, 0, 0)>
module attributes {stable_mosaic.version = 14 : i64} {
  func.func @gather(%arg0: i32, %arg1: i32, %arg2: memref<1024x128xf32, #tpu.memory_space<hbm>>, %arg3: memref<32x3x96xi32, #tpu.memory_space<hbm>>, %arg4: memref<9216x128xf32, #tpu.memory_space<hbm>>, %arg5: memref<3x96xi32, #tpu.memory_space<vmem>>, %arg6: memref<288x128xf32, #tpu.memory_space<vmem>>, %arg7: memref<!tpu.dma_semaphore, #tpu.memory_space<semaphore_mem>>) attributes {dimension_semantics = [#tpu.dimension_semantics<core_parallel>, #tpu.dimension_semantics<subcore_parallel>], iteration_bounds = array<i64: 2, 16>, scalar_prefetch = 0 : i64, scratch_operands = 3 : i64, tpu.core_type = #tpu.core_type<sc_vector_subcore>, window_params = [{transform_indices = #map}, {transform_indices = #map1}, {transform_indices = #map}]} {
    %mul3A = arith.constant 2 : i32
    %mul3A_0 = arith.muli %arg1, %mul3A : i32
    %add3A = arith.addi %mul3A_0, %arg0 : i32
    %mul3A_1 = arith.constant 288 : i32
    %mul3A_2 = arith.muli %add3A, %mul3A_1 : i32
    "tpu.region"() ({
      %run_scoped3A = tpu.sem_alloc : memref<!tpu.dma_semaphore, #tpu.memory_space<semaphore_mem>>
      %dma_start3A_61 = arith.constant 0 : i32
      %dma_start3A_62 = arith.constant 0 : i32
      %dma_start3A_63 = tpu.memref_slice %arg3[%add3A, %dma_start3A_61, %dma_start3A_62] : memref<32x3x96xi32, #tpu.memory_space<hbm>> -> memref<1x3x96xi32, #tpu.memory_space<hbm>>
      %dma_start3A_64 = tpu.memref_squeeze %dma_start3A_63 : memref<1x3x96xi32, #tpu.memory_space<hbm>> -> memref<3x96xi32, #tpu.memory_space<hbm>>
      %dma_start3A_65 = arith.constant 0 : i32
      %dma_start3A_66 = arith.constant 0 : i32
      %dma_start3A_67 = tpu.memref_slice %arg3[%add3A, %dma_start3A_65, %dma_start3A_66] : memref<32x3x96xi32, #tpu.memory_space<hbm>> -> memref<1x3x96xi32, #tpu.memory_space<hbm>>
      %dma_start3A_68 = tpu.memref_squeeze %dma_start3A_67 : memref<1x3x96xi32, #tpu.memory_space<hbm>> -> memref<3x96xi32, #tpu.memory_space<hbm>>
      tpu.enqueue_dma source(%dma_start3A_68 : memref<3x96xi32, #tpu.memory_space<hbm>>) target(%arg5 : memref<3x96xi32, #tpu.memory_space<vmem>>) target_semaphore(%run_scoped3A : memref<!tpu.dma_semaphore, #tpu.memory_space<semaphore_mem>>)
      %dma_wait3A_69 = arith.constant 0 : i32
      %dma_wait3A_70 = arith.constant 0 : i32
      %dma_wait3A_71 = tpu.memref_slice %arg3[%add3A, %dma_wait3A_69, %dma_wait3A_70] : memref<32x3x96xi32, #tpu.memory_space<hbm>> -> memref<1x3x96xi32, #tpu.memory_space<hbm>>
      %dma_wait3A_72 = tpu.memref_squeeze %dma_wait3A_71 : memref<1x3x96xi32, #tpu.memory_space<hbm>> -> memref<3x96xi32, #tpu.memory_space<hbm>>
      %dma_wait3A_73 = arith.constant 0 : i32
      %dma_wait3A_74 = arith.constant 0 : i32
      %dma_wait3A_75 = tpu.memref_slice %arg3[%add3A, %dma_wait3A_73, %dma_wait3A_74] : memref<32x3x96xi32, #tpu.memory_space<hbm>> -> memref<1x3x96xi32, #tpu.memory_space<hbm>>
      %dma_wait3A_76 = tpu.memref_squeeze %dma_wait3A_75 : memref<1x3x96xi32, #tpu.memory_space<hbm>> -> memref<3x96xi32, #tpu.memory_space<hbm>>
      tpu.wait_dma2 semaphore(%run_scoped3A : memref<!tpu.dma_semaphore, #tpu.memory_space<semaphore_mem>>) src(%dma_wait3A_76 : memref<3x96xi32, #tpu.memory_space<hbm>>) dst(%arg5 : memref<3x96xi32, #tpu.memory_space<vmem>>)
      tpu.yield
    }) : () -> ()
    %dma_start3A = arith.constant 0 : i32
    %dma_start3A_3 = arith.constant 0 : i32
    %dma_start3A_4 = arith.constant 0 : i32
    %dma_start3A_5 = tpu.memref_slice %arg6[%dma_start3A_3, %dma_start3A_4] : memref<288x128xf32, #tpu.memory_space<vmem>> -> memref<96x128xf32, #tpu.memory_space<vmem>>
    %dma_start3A_6 = arith.constant 0 : i32
    %dma_start3A_7 = tpu.memref_slice %arg5[%dma_start3A, %dma_start3A_6] : memref<3x96xi32, #tpu.memory_space<vmem>> -> memref<1x96xi32, #tpu.memory_space<vmem>>
    %dma_start3A_8 = tpu.memref_squeeze %dma_start3A_7 : memref<1x96xi32, #tpu.memory_space<vmem>> -> memref<96xi32, #tpu.memory_space<vmem>>
    %dma_start3A_9 = arith.constant 0 : i32
    %dma_start3A_10 = arith.constant 0 : i32
    %dma_start3A_11 = tpu.memref_slice %arg2[%dma_start3A_9, %dma_start3A_10] : memref<1024x128xf32, #tpu.memory_space<hbm>> -> memref<1024x128xf32, #tpu.memory_space<hbm>>
    tpu.enqueue_indirect_dma source(%dma_start3A_11 : memref<1024x128xf32, #tpu.memory_space<hbm>>) target(%dma_start3A_5 : memref<96x128xf32, #tpu.memory_space<vmem>>) offsets(%dma_start3A_8 : memref<96xi32, #tpu.memory_space<vmem>>) semaphore(%arg7 : memref<!tpu.dma_semaphore, #tpu.memory_space<semaphore_mem>>)
    %dma_start3A_12 = arith.constant 1 : i32
    %dma_start3A_13 = arith.constant 96 : i32
    %dma_start3A_14 = arith.constant 0 : i32
    %dma_start3A_15 = tpu.memref_slice %arg6[%dma_start3A_13, %dma_start3A_14] : memref<288x128xf32, #tpu.memory_space<vmem>> -> memref<96x128xf32, #tpu.memory_space<vmem>>
    %dma_start3A_16 = arith.constant 0 : i32
    %dma_start3A_17 = tpu.memref_slice %arg5[%dma_start3A_12, %dma_start3A_16] : memref<3x96xi32, #tpu.memory_space<vmem>> -> memref<1x96xi32, #tpu.memory_space<vmem>>
    %dma_start3A_18 = tpu.memref_squeeze %dma_start3A_17 : memref<1x96xi32, #tpu.memory_space<vmem>> -> memref<96xi32, #tpu.memory_space<vmem>>
    %dma_start3A_19 = arith.constant 0 : i32
    %dma_start3A_20 = arith.constant 0 : i32
    %dma_start3A_21 = tpu.memref_slice %arg2[%dma_start3A_19, %dma_start3A_20] : memref<1024x128xf32, #tpu.memory_space<hbm>> -> memref<1024x128xf32, #tpu.memory_space<hbm>>
    tpu.enqueue_indirect_dma source(%dma_start3A_21 : memref<1024x128xf32, #tpu.memory_space<hbm>>) target(%dma_start3A_15 : memref<96x128xf32, #tpu.memory_space<vmem>>) offsets(%dma_start3A_18 : memref<96xi32, #tpu.memory_space<vmem>>) semaphore(%arg7 : memref<!tpu.dma_semaphore, #tpu.memory_space<semaphore_mem>>)
    %dma_start3A_22 = arith.constant 2 : i32
    %dma_start3A_23 = arith.constant 192 : i32
    %dma_start3A_24 = arith.constant 0 : i32
    %dma_start3A_25 = tpu.memref_slice %arg6[%dma_start3A_23, %dma_start3A_24] : memref<288x128xf32, #tpu.memory_space<vmem>> -> memref<96x128xf32, #tpu.memory_space<vmem>>
    %dma_start3A_26 = arith.constant 0 : i32
    %dma_start3A_27 = tpu.memref_slice %arg5[%dma_start3A_22, %dma_start3A_26] : memref<3x96xi32, #tpu.memory_space<vmem>> -> memref<1x96xi32, #tpu.memory_space<vmem>>
    %dma_start3A_28 = tpu.memref_squeeze %dma_start3A_27 : memref<1x96xi32, #tpu.memory_space<vmem>> -> memref<96xi32, #tpu.memory_space<vmem>>
    %dma_start3A_29 = arith.constant 0 : i32
    %dma_start3A_30 = arith.constant 0 : i32
    %dma_start3A_31 = tpu.memref_slice %arg2[%dma_start3A_29, %dma_start3A_30] : memref<1024x128xf32, #tpu.memory_space<hbm>> -> memref<1024x128xf32, #tpu.memory_space<hbm>>
    tpu.enqueue_indirect_dma source(%dma_start3A_31 : memref<1024x128xf32, #tpu.memory_space<hbm>>) target(%dma_start3A_25 : memref<96x128xf32, #tpu.memory_space<vmem>>) offsets(%dma_start3A_28 : memref<96xi32, #tpu.memory_space<vmem>>) semaphore(%arg7 : memref<!tpu.dma_semaphore, #tpu.memory_space<semaphore_mem>>)
    %dma_wait3A = arith.constant 0 : i32
    %dma_wait3A_32 = arith.constant 0 : i32
    %dma_wait3A_33 = arith.constant 0 : i32
    %dma_wait3A_34 = tpu.memref_slice %arg6[%dma_wait3A_32, %dma_wait3A_33] : memref<288x128xf32, #tpu.memory_space<vmem>> -> memref<96x128xf32, #tpu.memory_space<vmem>>
    %dma_wait3A_35 = arith.constant 0 : i32
    %dma_wait3A_36 = tpu.memref_slice %arg5[%dma_wait3A, %dma_wait3A_35] : memref<3x96xi32, #tpu.memory_space<vmem>> -> memref<1x96xi32, #tpu.memory_space<vmem>>
    %dma_wait3A_37 = tpu.memref_squeeze %dma_wait3A_36 : memref<1x96xi32, #tpu.memory_space<vmem>> -> memref<96xi32, #tpu.memory_space<vmem>>
    %dma_wait3A_38 = arith.constant 0 : i32
    %dma_wait3A_39 = arith.constant 0 : i32
    %dma_wait3A_40 = tpu.memref_slice %arg2[%dma_wait3A_38, %dma_wait3A_39] : memref<1024x128xf32, #tpu.memory_space<hbm>> -> memref<1024x128xf32, #tpu.memory_space<hbm>>
    tpu.wait_indirect_dma semaphore(%arg7 : memref<!tpu.dma_semaphore, #tpu.memory_space<semaphore_mem>>) src(%dma_wait3A_40 : memref<1024x128xf32, #tpu.memory_space<hbm>>) dst(%dma_wait3A_34 : memref<96x128xf32, #tpu.memory_space<vmem>>)
    %dma_wait3A_41 = arith.constant 1 : i32
    %dma_wait3A_42 = arith.constant 96 : i32
    %dma_wait3A_43 = arith.constant 0 : i32
    %dma_wait3A_44 = tpu.memref_slice %arg6[%dma_wait3A_42, %dma_wait3A_43] : memref<288x128xf32, #tpu.memory_space<vmem>> -> memref<96x128xf32, #tpu.memory_space<vmem>>
    %dma_wait3A_45 = arith.constant 0 : i32
    %dma_wait3A_46 = tpu.memref_slice %arg5[%dma_wait3A_41, %dma_wait3A_45] : memref<3x96xi32, #tpu.memory_space<vmem>> -> memref<1x96xi32, #tpu.memory_space<vmem>>
    %dma_wait3A_47 = tpu.memref_squeeze %dma_wait3A_46 : memref<1x96xi32, #tpu.memory_space<vmem>> -> memref<96xi32, #tpu.memory_space<vmem>>
    %dma_wait3A_48 = arith.constant 0 : i32
    %dma_wait3A_49 = arith.constant 0 : i32
    %dma_wait3A_50 = tpu.memref_slice %arg2[%dma_wait3A_48, %dma_wait3A_49] : memref<1024x128xf32, #tpu.memory_space<hbm>> -> memref<1024x128xf32, #tpu.memory_space<hbm>>
    tpu.wait_indirect_dma semaphore(%arg7 : memref<!tpu.dma_semaphore, #tpu.memory_space<semaphore_mem>>) src(%dma_wait3A_50 : memref<1024x128xf32, #tpu.memory_space<hbm>>) dst(%dma_wait3A_44 : memref<96x128xf32, #tpu.memory_space<vmem>>)
    %dma_wait3A_51 = arith.constant 2 : i32
    %dma_wait3A_52 = arith.constant 192 : i32
    %dma_wait3A_53 = arith.constant 0 : i32
    %dma_wait3A_54 = tpu.memref_slice %arg6[%dma_wait3A_52, %dma_wait3A_53] : memref<288x128xf32, #tpu.memory_space<vmem>> -> memref<96x128xf32, #tpu.memory_space<vmem>>
    %dma_wait3A_55 = arith.constant 0 : i32
    %dma_wait3A_56 = tpu.memref_slice %arg5[%dma_wait3A_51, %dma_wait3A_55] : memref<3x96xi32, #tpu.memory_space<vmem>> -> memref<1x96xi32, #tpu.memory_space<vmem>>
    %dma_wait3A_57 = tpu.memref_squeeze %dma_wait3A_56 : memref<1x96xi32, #tpu.memory_space<vmem>> -> memref<96xi32, #tpu.memory_space<vmem>>
    %dma_wait3A_58 = arith.constant 0 : i32
    %dma_wait3A_59 = arith.constant 0 : i32
    %dma_wait3A_60 = tpu.memref_slice %arg2[%dma_wait3A_58, %dma_wait3A_59] : memref<1024x128xf32, #tpu.memory_space<hbm>> -> memref<1024x128xf32, #tpu.memory_space<hbm>>
    tpu.wait_indirect_dma semaphore(%arg7 : memref<!tpu.dma_semaphore, #tpu.memory_space<semaphore_mem>>) src(%dma_wait3A_60 : memref<1024x128xf32, #tpu.memory_space<hbm>>) dst(%dma_wait3A_54 : memref<96x128xf32, #tpu.memory_space<vmem>>)
    "tpu.region"() ({
      %run_scoped3A = tpu.sem_alloc : memref<!tpu.dma_semaphore, #tpu.memory_space<semaphore_mem>>
      %dma_start3A_61 = arith.constant 0 : i32
      %dma_start3A_62 = tpu.memref_slice %arg4[%mul3A_2, %dma_start3A_61] : memref<9216x128xf32, #tpu.memory_space<hbm>> -> memref<288x128xf32, #tpu.memory_space<hbm>>
      %dma_start3A_63 = arith.constant 0 : i32
      %dma_start3A_64 = tpu.memref_slice %arg4[%mul3A_2, %dma_start3A_63] : memref<9216x128xf32, #tpu.memory_space<hbm>> -> memref<288x128xf32, #tpu.memory_space<hbm>>
      tpu.enqueue_dma source(%arg6 : memref<288x128xf32, #tpu.memory_space<vmem>>) target(%dma_start3A_64 : memref<288x128xf32, #tpu.memory_space<hbm>>) target_semaphore(%run_scoped3A : memref<!tpu.dma_semaphore, #tpu.memory_space<semaphore_mem>>)
      %dma_wait3A_65 = arith.constant 0 : i32
      %dma_wait3A_66 = tpu.memref_slice %arg4[%mul3A_2, %dma_wait3A_65] : memref<9216x128xf32, #tpu.memory_space<hbm>> -> memref<288x128xf32, #tpu.memory_space<hbm>>
      %dma_wait3A_67 = arith.constant 0 : i32
      %dma_wait3A_68 = tpu.memref_slice %arg4[%mul3A_2, %dma_wait3A_67] : memref<9216x128xf32, #tpu.memory_space<hbm>> -> memref<288x128xf32, #tpu.memory_space<hbm>>
      tpu.wait_dma2 semaphore(%run_scoped3A : memref<!tpu.dma_semaphore, #tpu.memory_space<semaphore_mem>>) src(%arg6 : memref<288x128xf32, #tpu.memory_space<vmem>>) dst(%dma_wait3A_68 : memref<288x128xf32, #tpu.memory_space<hbm>>)
      tpu.yield
    }) : () -> ()
    return
  }
}

#map = affine_map<(d0, d1) -> (0, 0)>
#map1 = affine_map<(d0, d1) -> (0, 0, 0)>
module attributes {stable_mosaic.version = 14 : i64} {
  func.func @gather(%arg0: i32, %arg1: i32, %arg2: memref<1024x128xf32, #tpu.memory_space<hbm>>, %arg3: memref<32x3x96xi32, #tpu.memory_space<hbm>>, %arg4: memref<9216x128xf32, #tpu.memory_space<hbm>>, %arg5: memref<3x96xi32, #tpu.memory_space<vmem>>, %arg6: memref<288x128xf32, #tpu.memory_space<vmem>>, %arg7: memref<!tpu.dma_semaphore, #tpu.memory_space<semaphore_mem>>) attributes {dimension_semantics = [#tpu.dimension_semantics<core_parallel>, #tpu.dimension_semantics<subcore_parallel>], iteration_bounds = array<i64: 2, 16>, scalar_prefetch = 0 : i64, scratch_operands = 3 : i64, tpu.core_type = #tpu.core_type<sc_vector_subcore>, window_params = [{transform_indices = #map}, {transform_indices = #map1}, {transform_indices = #map}]} {
    %mul3A = arith.constant 2 : i32
    %mul3A_0 = arith.muli %arg1, %mul3A : i32
    %add3A = arith.addi %mul3A_0, %arg0 : i32
    %mul3A_1 = arith.constant 288 : i32
    %mul3A_2 = arith.muli %add3A, %mul3A_1 : i32
    "tpu.region"() ({
      %run_scoped3A = tpu.sem_alloc : memref<!tpu.dma_semaphore, #tpu.memory_space<semaphore_mem>>
      %dma_start3A_61 = arith.constant 0 : i32
      %dma_start3A_62 = arith.constant 0 : i32
      %dma_start3A_63 = tpu.memref_slice %arg3[%add3A, %dma_start3A_61, %dma_start3A_62] : memref<32x3x96xi32, #tpu.memory_space<hbm>> -> memref<1x3x96xi32, #tpu.memory_space<hbm>>
      %dma_start3A_64 = tpu.memref_squeeze %dma_start3A_63 : memref<1x3x96xi32, #tpu.memory_space<hbm>> -> memref<3x96xi32, #tpu.memory_space<hbm>>
      %dma_start3A_65 = arith.constant 0 : i32
      %dma_start3A_66 = arith.constant 0 : i32
      %dma_start3A_67 = tpu.memref_slice %arg3[%add3A, %dma_start3A_65, %dma_start3A_66] : memref<32x3x96xi32, #tpu.memory_space<hbm>> -> memref<1x3x96xi32, #tpu.memory_space<hbm>>
      %dma_start3A_68 = tpu.memref_squeeze %dma_start3A_67 : memref<1x3x96xi32, #tpu.memory_space<hbm>> -> memref<3x96xi32, #tpu.memory_space<hbm>>
      tpu.enqueue_dma source(%dma_start3A_68 : memref<3x96xi32, #tpu.memory_space<hbm>>) target(%arg5 : memref<3x96xi32, #tpu.memory_space<vmem>>) target_semaphore(%run_scoped3A : memref<!tpu.dma_semaphore, #tpu.memory_space<semaphore_mem>>)
      %dma_wait3A_69 = arith.constant 0 : i32
      %dma_wait3A_70 = arith.constant 0 : i32
      %dma_wait3A_71 = tpu.memref_slice %arg3[%add3A, %dma_wait3A_69, %dma_wait3A_70] : memref<32x3x96xi32, #tpu.memory_space<hbm>> -> memref<1x3x96xi32, #tpu.memory_space<hbm>>
      %dma_wait3A_72 = tpu.memref_squeeze %dma_wait3A_71 : memref<1x3x96xi32, #tpu.memory_space<hbm>> -> memref<3x96xi32, #tpu.memory_space<hbm>>
      %dma_wait3A_73 = arith.constant 0 : i32
      %dma_wait3A_74 = arith.constant 0 : i32
      %dma_wait3A_75 = tpu.memref_slice %arg3[%add3A, %dma_wait3A_73, %dma_wait3A_74] : memref<32x3x96xi32, #tpu.memory_space<hbm>> -> memref<1x3x96xi32, #tpu.memory_space<hbm>>
      %dma_wait3A_76 = tpu.memref_squeeze %dma_wait3A_75 : memref<1x3x96xi32, #tpu.memory_space<hbm>> -> memref<3x96xi32, #tpu.memory_space<hbm>>
      tpu.wait_dma2 semaphore(%run_scoped3A : memref<!tpu.dma_semaphore, #tpu.memory_space<semaphore_mem>>) src(%dma_wait3A_76 : memref<3x96xi32, #tpu.memory_space<hbm>>) dst(%arg5 : memref<3x96xi32, #tpu.memory_space<vmem>>)
      tpu.yield
    }) : () -> ()
    %dma_start3A = arith.constant 0 : i32
    %dma_start3A_3 = arith.constant 0 : i32
    %dma_start3A_4 = arith.constant 0 : i32
    %dma_start3A_5 = tpu.memref_slice %arg6[%dma_start3A_3, %dma_start3A_4] : memref<288x128xf32, #tpu.memory_space<vmem>> -> memref<96x128xf32, #tpu.memory_space<vmem>>
    %dma_start3A_6 = arith.constant 0 : i32
    %dma_start3A_7 = tpu.memref_slice %arg5[%dma_start3A, %dma_start3A_6] : memref<3x96xi32, #tpu.memory_space<vmem>> -> memref<1x96xi32, #tpu.memory_space<vmem>>
    %dma_start3A_8 = tpu.memref_squeeze %dma_start3A_7 : memref<1x96xi32, #tpu.memory_space<vmem>> -> memref<96xi32, #tpu.memory_space<vmem>>
    %dma_start3A_9 = arith.constant 0 : i32
    %dma_start3A_10 = arith.constant 0 : i32
    %dma_start3A_11 = tpu.memref_slice %arg2[%dma_start3A_9, %dma_start3A_10] : memref<1024x128xf32, #tpu.memory_space<hbm>> -> memref<1024x128xf32, #tpu.memory_space<hbm>>
    tpu.enqueue_indirect_dma source(%dma_start3A_11 : memref<1024x128xf32, #tpu.memory_space<hbm>>) target(%dma_start3A_5 : memref<96x128xf32, #tpu.memory_space<vmem>>) offsets(%dma_start3A_8 : memref<96xi32, #tpu.memory_space<vmem>>) semaphore(%arg7 : memref<!tpu.dma_semaphore, #tpu.memory_space<semaphore_mem>>)
    %dma_start3A_12 = arith.constant 1 : i32
    %dma_start3A_13 = arith.constant 96 : i32
    %dma_start3A_14 = arith.constant 0 : i32
    %dma_start3A_15 = tpu.memref_slice %arg6[%dma_start3A_13, %dma_start3A_14] : memref<288x128xf32, #tpu.memory_space<vmem>> -> memref<96x128xf32, #tpu.memory_space<vmem>>
    %dma_start3A_16 = arith.constant 0 : i32
    %dma_start3A_17 = tpu.memref_slice %arg5[%dma_start3A_12, %dma_start3A_16] : memref<3x96xi32, #tpu.memory_space<vmem>> -> memref<1x96xi32, #tpu.memory_space<vmem>>
    %dma_start3A_18 = tpu.memref_squeeze %dma_start3A_17 : memref<1x96xi32, #tpu.memory_space<vmem>> -> memref<96xi32, #tpu.memory_space<vmem>>
    %dma_start3A_19 = arith.constant 0 : i32
    %dma_start3A_20 = arith.constant 0 : i32
    %dma_start3A_21 = tpu.memref_slice %arg2[%dma_start3A_19, %dma_start3A_20] : memref<1024x128xf32, #tpu.memory_space<hbm>> -> memref<1024x128xf32, #tpu.memory_space<hbm>>
    tpu.enqueue_indirect_dma source(%dma_start3A_21 : memref<1024x128xf32, #tpu.memory_space<hbm>>) target(%dma_start3A_15 : memref<96x128xf32, #tpu.memory_space<vmem>>) offsets(%dma_start3A_18 : memref<96xi32, #tpu.memory_space<vmem>>) semaphore(%arg7 : memref<!tpu.dma_semaphore, #tpu.memory_space<semaphore_mem>>)
    %dma_start3A_22 = arith.constant 2 : i32
    %dma_start3A_23 = arith.constant 192 : i32
    %dma_start3A_24 = arith.constant 0 : i32
    %dma_start3A_25 = tpu.memref_slice %arg6[%dma_start3A_23, %dma_start3A_24] : memref<288x128xf32, #tpu.memory_space<vmem>> -> memref<96x128xf32, #tpu.memory_space<vmem>>
    %dma_start3A_26 = arith.constant 0 : i32
    %dma_start3A_27 = tpu.memref_slice %arg5[%dma_start3A_22, %dma_start3A_26] : memref<3x96xi32, #tpu.memory_space<vmem>> -> memref<1x96xi32, #tpu.memory_space<vmem>>
    %dma_start3A_28 = tpu.memref_squeeze %dma_start3A_27 : memref<1x96xi32, #tpu.memory_space<vmem>> -> memref<96xi32, #tpu.memory_space<vmem>>
    %dma_start3A_29 = arith.constant 0 : i32
    %dma_start3A_30 = arith.constant 0 : i32
    %dma_start3A_31 = tpu.memref_slice %arg2[%dma_start3A_29, %dma_start3A_30] : memref<1024x128xf32, #tpu.memory_space<hbm>> -> memref<1024x128xf32, #tpu.memory_space<hbm>>
    tpu.enqueue_indirect_dma source(%dma_start3A_31 : memref<1024x128xf32, #tpu.memory_space<hbm>>) target(%dma_start3A_25 : memref<96x128xf32, #tpu.memory_space<vmem>>) offsets(%dma_start3A_28 : memref<96xi32, #tpu.memory_space<vmem>>) semaphore(%arg7 : memref<!tpu.dma_semaphore, #tpu.memory_space<semaphore_mem>>)
    %dma_wait3A = arith.constant 0 : i32
    %dma_wait3A_32 = arith.constant 0 : i32
    %dma_wait3A_33 = arith.constant 0 : i32
    %dma_wait3A_34 = tpu.memref_slice %arg6[%dma_wait3A_32, %dma_wait3A_33] : memref<288x128xf32, #tpu.memory_space<vmem>> -> memref<96x128xf32, #tpu.memory_space<vmem>>
    %dma_wait3A_35 = arith.constant 0 : i32
    %dma_wait3A_36 = tpu.memref_slice %arg5[%dma_wait3A, %dma_wait3A_35] : memref<3x96xi32, #tpu.memory_space<vmem>> -> memref<1x96xi32, #tpu.memory_space<vmem>>
    %dma_wait3A_37 = tpu.memref_squeeze %dma_wait3A_36 : memref<1x96xi32, #tpu.memory_space<vmem>> -> memref<96xi32, #tpu.memory_space<vmem>>
    %dma_wait3A_38 = arith.constant 0 : i32
    %dma_wait3A_39 = arith.constant 0 : i32
    %dma_wait3A_40 = tpu.memref_slice %arg2[%dma_wait3A_38, %dma_wait3A_39] : memref<1024x128xf32, #tpu.memory_space<hbm>> -> memref<1024x128xf32, #tpu.memory_space<hbm>>
    tpu.wait_indirect_dma semaphore(%arg7 : memref<!tpu.dma_semaphore, #tpu.memory_space<semaphore_mem>>) src(%dma_wait3A_40 : memref<1024x128xf32, #tpu.memory_space<hbm>>) dst(%dma_wait3A_34 : memref<96x128xf32, #tpu.memory_space<vmem>>)
    %dma_wait3A_41 = arith.constant 1 : i32
    %dma_wait3A_42 = arith.constant 96 : i32
    %dma_wait3A_43 = arith.constant 0 : i32
    %dma_wait3A_44 = tpu.memref_slice %arg6[%dma_wait3A_42, %dma_wait3A_43] : memref<288x128xf32, #tpu.memory_space<vmem>> -> memref<96x128xf32, #tpu.memory_space<vmem>>
    %dma_wait3A_45 = arith.constant 0 : i32
    %dma_wait3A_46 = tpu.memref_slice %arg5[%dma_wait3A_41, %dma_wait3A_45] : memref<3x96xi32, #tpu.memory_space<vmem>> -> memref<1x96xi32, #tpu.memory_space<vmem>>
    %dma_wait3A_47 = tpu.memref_squeeze %dma_wait3A_46 : memref<1x96xi32, #tpu.memory_space<vmem>> -> memref<96xi32, #tpu.memory_space<vmem>>
    %dma_wait3A_48 = arith.constant 0 : i32
    %dma_wait3A_49 = arith.constant 0 : i32
    %dma_wait3A_50 = tpu.memref_slice %arg2[%dma_wait3A_48, %dma_wait3A_49] : memref<1024x128xf32, #tpu.memory_space<hbm>> -> memref<1024x128xf32, #tpu.memory_space<hbm>>
    tpu.wait_indirect_dma semaphore(%arg7 : memref<!tpu.dma_semaphore, #tpu.memory_space<semaphore_mem>>) src(%dma_wait3A_50 : memref<1024x128xf32, #tpu.memory_space<hbm>>) dst(%dma_wait3A_44 : memref<96x128xf32, #tpu.memory_space<vmem>>)
    %dma_wait3A_51 = arith.constant 2 : i32
    %dma_wait3A_52 = arith.constant 192 : i32
    %dma_wait3A_53 = arith.constant 0 : i32
    %dma_wait3A_54 = tpu.memref_slice %arg6[%dma_wait3A_52, %dma_wait3A_53] : memref<288x128xf32, #tpu.memory_space<vmem>> -> memref<96x128xf32, #tpu.memory_space<vmem>>
    %dma_wait3A_55 = arith.constant 0 : i32
    %dma_wait3A_56 = tpu.memref_slice %arg5[%dma_wait3A_51, %dma_wait3A_55] : memref<3x96xi32, #tpu.memory_space<vmem>> -> memref<1x96xi32, #tpu.memory_space<vmem>>
    %dma_wait3A_57 = tpu.memref_squeeze %dma_wait3A_56 : memref<1x96xi32, #tpu.memory_space<vmem>> -> memref<96xi32, #tpu.memory_space<vmem>>
    %dma_wait3A_58 = arith.constant 0 : i32
    %dma_wait3A_59 = arith.constant 0 : i32
    %dma_wait3A_60 = tpu.memref_slice %arg2[%dma_wait3A_58, %dma_wait3A_59] : memref<1024x128xf32, #tpu.memory_space<hbm>> -> memref<1024x128xf32, #tpu.memory_space<hbm>>
    tpu.wait_indirect_dma semaphore(%arg7 : memref<!tpu.dma_semaphore, #tpu.memory_space<semaphore_mem>>) src(%dma_wait3A_60 : memref<1024x128xf32, #tpu.memory_space<hbm>>) dst(%dma_wait3A_54 : memref<96x128xf32, #tpu.memory_space<vmem>>)
    "tpu.region"() ({
      %run_scoped3A = tpu.sem_alloc : memref<!tpu.dma_semaphore, #tpu.memory_space<semaphore_mem>>
      %dma_start3A_61 = arith.constant 0 : i32
      %dma_start3A_62 = tpu.memref_slice %arg4[%mul3A_2, %dma_start3A_61] : memref<9216x128xf32, #tpu.memory_space<hbm>> -> memref<288x128xf32, #tpu.memory_space<hbm>>
      %dma_start3A_63 = arith.constant 0 : i32
      %dma_start3A_64 = tpu.memref_slice %arg4[%mul3A_2, %dma_start3A_63] : memref<9216x128xf32, #tpu.memory_space<hbm>> -> memref<288x128xf32, #tpu.memory_space<hbm>>
      tpu.enqueue_dma source(%arg6 : memref<288x128xf32, #tpu.memory_space<vmem>>) target(%dma_start3A_64 : memref<288x128xf32, #tpu.memory_space<hbm>>) target_semaphore(%run_scoped3A : memref<!tpu.dma_semaphore, #tpu.memory_space<semaphore_mem>>)
      %dma_wait3A_65 = arith.constant 0 : i32
      %dma_wait3A_66 = tpu.memref_slice %arg4[%mul3A_2, %dma_wait3A_65] : memref<9216x128xf32, #tpu.memory_space<hbm>> -> memref<288x128xf32, #tpu.memory_space<hbm>>
      %dma_wait3A_67 = arith.constant 0 : i32
      %dma_wait3A_68 = tpu.memref_slice %arg4[%mul3A_2, %dma_wait3A_67] : memref<9216x128xf32, #tpu.memory_space<hbm>> -> memref<288x128xf32, #tpu.memory_space<hbm>>
      tpu.wait_dma2 semaphore(%run_scoped3A : memref<!tpu.dma_semaphore, #tpu.memory_space<semaphore_mem>>) src(%arg6 : memref<288x128xf32, #tpu.memory_space<vmem>>) dst(%dma_wait3A_68 : memref<288x128xf32, #tpu.memory_space<hbm>>)
      tpu.yield
    }) : () -> ()
    return
  }
}

#map = affine_map<(d0, d1) -> (0, 0)>
#map1 = affine_map<(d0, d1) -> (0, 0, 0)>
module attributes {stable_mosaic.version = 14 : i64} {
  func.func @gather(%arg0: i32, %arg1: i32, %arg2: memref<1024x128xf32, #tpu.memory_space<hbm>>, %arg3: memref<32x3x96xi32, #tpu.memory_space<hbm>>, %arg4: memref<9216x128xf32, #tpu.memory_space<hbm>>, %arg5: memref<3x96xi32, #tpu.memory_space<vmem>>, %arg6: memref<288x128xf32, #tpu.memory_space<vmem>>, %arg7: memref<!tpu.dma_semaphore, #tpu.memory_space<semaphore_mem>>) attributes {dimension_semantics = [#tpu.dimension_semantics<core_parallel>, #tpu.dimension_semantics<subcore_parallel>], iteration_bounds = array<i64: 2, 16>, scalar_prefetch = 0 : i64, scratch_operands = 3 : i64, tpu.core_type = #tpu.core_type<sc_vector_subcore>, window_params = [{transform_indices = #map}, {transform_indices = #map1}, {transform_indices = #map}]} {
    %mul3A = arith.constant 2 : i32
    %mul3A_0 = arith.muli %arg1, %mul3A : i32
    %add3A = arith.addi %mul3A_0, %arg0 : i32
    %mul3A_1 = arith.constant 288 : i32
    %mul3A_2 = arith.muli %add3A, %mul3A_1 : i32
    "tpu.region"() ({
      %run_scoped3A = tpu.sem_alloc : memref<!tpu.dma_semaphore, #tpu.memory_space<semaphore_mem>>
      %dma_start3A_61 = arith.constant 0 : i32
      %dma_start3A_62 = arith.constant 0 : i32
      %dma_start3A_63 = tpu.memref_slice %arg3[%add3A, %dma_start3A_61, %dma_start3A_62] : memref<32x3x96xi32, #tpu.memory_space<hbm>> -> memref<1x3x96xi32, #tpu.memory_space<hbm>>
      %dma_start3A_64 = tpu.memref_squeeze %dma_start3A_63 : memref<1x3x96xi32, #tpu.memory_space<hbm>> -> memref<3x96xi32, #tpu.memory_space<hbm>>
      %dma_start3A_65 = arith.constant 0 : i32
      %dma_start3A_66 = arith.constant 0 : i32
      %dma_start3A_67 = tpu.memref_slice %arg3[%add3A, %dma_start3A_65, %dma_start3A_66] : memref<32x3x96xi32, #tpu.memory_space<hbm>> -> memref<1x3x96xi32, #tpu.memory_space<hbm>>
      %dma_start3A_68 = tpu.memref_squeeze %dma_start3A_67 : memref<1x3x96xi32, #tpu.memory_space<hbm>> -> memref<3x96xi32, #tpu.memory_space<hbm>>
      tpu.enqueue_dma source(%dma_start3A_68 : memref<3x96xi32, #tpu.memory_space<hbm>>) target(%arg5 : memref<3x96xi32, #tpu.memory_space<vmem>>) target_semaphore(%run_scoped3A : memref<!tpu.dma_semaphore, #tpu.memory_space<semaphore_mem>>)
      %dma_wait3A_69 = arith.constant 0 : i32
      %dma_wait3A_70 = arith.constant 0 : i32
      %dma_wait3A_71 = tpu.memref_slice %arg3[%add3A, %dma_wait3A_69, %dma_wait3A_70] : memref<32x3x96xi32, #tpu.memory_space<hbm>> -> memref<1x3x96xi32, #tpu.memory_space<hbm>>
      %dma_wait3A_72 = tpu.memref_squeeze %dma_wait3A_71 : memref<1x3x96xi32, #tpu.memory_space<hbm>> -> memref<3x96xi32, #tpu.memory_space<hbm>>
      %dma_wait3A_73 = arith.constant 0 : i32
      %dma_wait3A_74 = arith.constant 0 : i32
      %dma_wait3A_75 = tpu.memref_slice %arg3[%add3A, %dma_wait3A_73, %dma_wait3A_74] : memref<32x3x96xi32, #tpu.memory_space<hbm>> -> memref<1x3x96xi32, #tpu.memory_space<hbm>>
      %dma_wait3A_76 = tpu.memref_squeeze %dma_wait3A_75 : memref<1x3x96xi32, #tpu.memory_space<hbm>> -> memref<3x96xi32, #tpu.memory_space<hbm>>
      tpu.wait_dma2 semaphore(%run_scoped3A : memref<!tpu.dma_semaphore, #tpu.memory_space<semaphore_mem>>) src(%dma_wait3A_76 : memref<3x96xi32, #tpu.memory_space<hbm>>) dst(%arg5 : memref<3x96xi32, #tpu.memory_space<vmem>>)
      tpu.yield
    }) : () -> ()
    %dma_start3A = arith.constant 0 : i32
    %dma_start3A_3 = arith.constant 0 : i32
    %dma_start3A_4 = arith.constant 0 : i32
    %dma_start3A_5 = tpu.memref_slice %arg6[%dma_start3A_3, %dma_start3A_4] : memref<288x128xf32, #tpu.memory_space<vmem>> -> memref<96x128xf32, #tpu.memory_space<vmem>>
    %dma_start3A_6 = arith.constant 0 : i32
    %dma_start3A_7 = tpu.memref_slice %arg5[%dma_start3A, %dma_start3A_6] : memref<3x96xi32, #tpu.memory_space<vmem>> -> memref<1x96xi32, #tpu.memory_space<vmem>>
    %dma_start3A_8 = tpu.memref_squeeze %dma_start3A_7 : memref<1x96xi32, #tpu.memory_space<vmem>> -> memref<96xi32, #tpu.memory_space<vmem>>
    %dma_start3A_9 = arith.constant 0 : i32
    %dma_start3A_10 = arith.constant 0 : i32
    %dma_start3A_11 = tpu.memref_slice %arg2[%dma_start3A_9, %dma_start3A_10] : memref<1024x128xf32, #tpu.memory_space<hbm>> -> memref<1024x128xf32, #tpu.memory_space<hbm>>
    tpu.enqueue_indirect_dma source(%dma_start3A_11 : memref<1024x128xf32, #tpu.memory_space<hbm>>) target(%dma_start3A_5 : memref<96x128xf32, #tpu.memory_space<vmem>>) offsets(%dma_start3A_8 : memref<96xi32, #tpu.memory_space<vmem>>) semaphore(%arg7 : memref<!tpu.dma_semaphore, #tpu.memory_space<semaphore_mem>>)
    %dma_start3A_12 = arith.constant 1 : i32
    %dma_start3A_13 = arith.constant 96 : i32
    %dma_start3A_14 = arith.constant 0 : i32
    %dma_start3A_15 = tpu.memref_slice %arg6[%dma_start3A_13, %dma_start3A_14] : memref<288x128xf32, #tpu.memory_space<vmem>> -> memref<96x128xf32, #tpu.memory_space<vmem>>
    %dma_start3A_16 = arith.constant 0 : i32
    %dma_start3A_17 = tpu.memref_slice %arg5[%dma_start3A_12, %dma_start3A_16] : memref<3x96xi32, #tpu.memory_space<vmem>> -> memref<1x96xi32, #tpu.memory_space<vmem>>
    %dma_start3A_18 = tpu.memref_squeeze %dma_start3A_17 : memref<1x96xi32, #tpu.memory_space<vmem>> -> memref<96xi32, #tpu.memory_space<vmem>>
    %dma_start3A_19 = arith.constant 0 : i32
    %dma_start3A_20 = arith.constant 0 : i32
    %dma_start3A_21 = tpu.memref_slice %arg2[%dma_start3A_19, %dma_start3A_20] : memref<1024x128xf32, #tpu.memory_space<hbm>> -> memref<1024x128xf32, #tpu.memory_space<hbm>>
    tpu.enqueue_indirect_dma source(%dma_start3A_21 : memref<1024x128xf32, #tpu.memory_space<hbm>>) target(%dma_start3A_15 : memref<96x128xf32, #tpu.memory_space<vmem>>) offsets(%dma_start3A_18 : memref<96xi32, #tpu.memory_space<vmem>>) semaphore(%arg7 : memref<!tpu.dma_semaphore, #tpu.memory_space<semaphore_mem>>)
    %dma_start3A_22 = arith.constant 2 : i32
    %dma_start3A_23 = arith.constant 192 : i32
    %dma_start3A_24 = arith.constant 0 : i32
    %dma_start3A_25 = tpu.memref_slice %arg6[%dma_start3A_23, %dma_start3A_24] : memref<288x128xf32, #tpu.memory_space<vmem>> -> memref<96x128xf32, #tpu.memory_space<vmem>>
    %dma_start3A_26 = arith.constant 0 : i32
    %dma_start3A_27 = tpu.memref_slice %arg5[%dma_start3A_22, %dma_start3A_26] : memref<3x96xi32, #tpu.memory_space<vmem>> -> memref<1x96xi32, #tpu.memory_space<vmem>>
    %dma_start3A_28 = tpu.memref_squeeze %dma_start3A_27 : memref<1x96xi32, #tpu.memory_space<vmem>> -> memref<96xi32, #tpu.memory_space<vmem>>
    %dma_start3A_29 = arith.constant 0 : i32
    %dma_start3A_30 = arith.constant 0 : i32
    %dma_start3A_31 = tpu.memref_slice %arg2[%dma_start3A_29, %dma_start3A_30] : memref<1024x128xf32, #tpu.memory_space<hbm>> -> memref<1024x128xf32, #tpu.memory_space<hbm>>
    tpu.enqueue_indirect_dma source(%dma_start3A_31 : memref<1024x128xf32, #tpu.memory_space<hbm>>) target(%dma_start3A_25 : memref<96x128xf32, #tpu.memory_space<vmem>>) offsets(%dma_start3A_28 : memref<96xi32, #tpu.memory_space<vmem>>) semaphore(%arg7 : memref<!tpu.dma_semaphore, #tpu.memory_space<semaphore_mem>>)
    %dma_wait3A = arith.constant 0 : i32
    %dma_wait3A_32 = arith.constant 0 : i32
    %dma_wait3A_33 = arith.constant 0 : i32
    %dma_wait3A_34 = tpu.memref_slice %arg6[%dma_wait3A_32, %dma_wait3A_33] : memref<288x128xf32, #tpu.memory_space<vmem>> -> memref<96x128xf32, #tpu.memory_space<vmem>>
    %dma_wait3A_35 = arith.constant 0 : i32
    %dma_wait3A_36 = tpu.memref_slice %arg5[%dma_wait3A, %dma_wait3A_35] : memref<3x96xi32, #tpu.memory_space<vmem>> -> memref<1x96xi32, #tpu.memory_space<vmem>>
    %dma_wait3A_37 = tpu.memref_squeeze %dma_wait3A_36 : memref<1x96xi32, #tpu.memory_space<vmem>> -> memref<96xi32, #tpu.memory_space<vmem>>
    %dma_wait3A_38 = arith.constant 0 : i32
    %dma_wait3A_39 = arith.constant 0 : i32
    %dma_wait3A_40 = tpu.memref_slice %arg2[%dma_wait3A_38, %dma_wait3A_39] : memref<1024x128xf32, #tpu.memory_space<hbm>> -> memref<1024x128xf32, #tpu.memory_space<hbm>>
    tpu.wait_indirect_dma semaphore(%arg7 : memref<!tpu.dma_semaphore, #tpu.memory_space<semaphore_mem>>) src(%dma_wait3A_40 : memref<1024x128xf32, #tpu.memory_space<hbm>>) dst(%dma_wait3A_34 : memref<96x128xf32, #tpu.memory_space<vmem>>)
    %dma_wait3A_41 = arith.constant 1 : i32
    %dma_wait3A_42 = arith.constant 96 : i32
    %dma_wait3A_43 = arith.constant 0 : i32
    %dma_wait3A_44 = tpu.memref_slice %arg6[%dma_wait3A_42, %dma_wait3A_43] : memref<288x128xf32, #tpu.memory_space<vmem>> -> memref<96x128xf32, #tpu.memory_space<vmem>>
    %dma_wait3A_45 = arith.constant 0 : i32
    %dma_wait3A_46 = tpu.memref_slice %arg5[%dma_wait3A_41, %dma_wait3A_45] : memref<3x96xi32, #tpu.memory_space<vmem>> -> memref<1x96xi32, #tpu.memory_space<vmem>>
    %dma_wait3A_47 = tpu.memref_squeeze %dma_wait3A_46 : memref<1x96xi32, #tpu.memory_space<vmem>> -> memref<96xi32, #tpu.memory_space<vmem>>
    %dma_wait3A_48 = arith.constant 0 : i32
    %dma_wait3A_49 = arith.constant 0 : i32
    %dma_wait3A_50 = tpu.memref_slice %arg2[%dma_wait3A_48, %dma_wait3A_49] : memref<1024x128xf32, #tpu.memory_space<hbm>> -> memref<1024x128xf32, #tpu.memory_space<hbm>>
    tpu.wait_indirect_dma semaphore(%arg7 : memref<!tpu.dma_semaphore, #tpu.memory_space<semaphore_mem>>) src(%dma_wait3A_50 : memref<1024x128xf32, #tpu.memory_space<hbm>>) dst(%dma_wait3A_44 : memref<96x128xf32, #tpu.memory_space<vmem>>)
    %dma_wait3A_51 = arith.constant 2 : i32
    %dma_wait3A_52 = arith.constant 192 : i32
    %dma_wait3A_53 = arith.constant 0 : i32
    %dma_wait3A_54 = tpu.memref_slice %arg6[%dma_wait3A_52, %dma_wait3A_53] : memref<288x128xf32, #tpu.memory_space<vmem>> -> memref<96x128xf32, #tpu.memory_space<vmem>>
    %dma_wait3A_55 = arith.constant 0 : i32
    %dma_wait3A_56 = tpu.memref_slice %arg5[%dma_wait3A_51, %dma_wait3A_55] : memref<3x96xi32, #tpu.memory_space<vmem>> -> memref<1x96xi32, #tpu.memory_space<vmem>>
    %dma_wait3A_57 = tpu.memref_squeeze %dma_wait3A_56 : memref<1x96xi32, #tpu.memory_space<vmem>> -> memref<96xi32, #tpu.memory_space<vmem>>
    %dma_wait3A_58 = arith.constant 0 : i32
    %dma_wait3A_59 = arith.constant 0 : i32
    %dma_wait3A_60 = tpu.memref_slice %arg2[%dma_wait3A_58, %dma_wait3A_59] : memref<1024x128xf32, #tpu.memory_space<hbm>> -> memref<1024x128xf32, #tpu.memory_space<hbm>>
    tpu.wait_indirect_dma semaphore(%arg7 : memref<!tpu.dma_semaphore, #tpu.memory_space<semaphore_mem>>) src(%dma_wait3A_60 : memref<1024x128xf32, #tpu.memory_space<hbm>>) dst(%dma_wait3A_54 : memref<96x128xf32, #tpu.memory_space<vmem>>)
    "tpu.region"() ({
      %run_scoped3A = tpu.sem_alloc : memref<!tpu.dma_semaphore, #tpu.memory_space<semaphore_mem>>
      %dma_start3A_61 = arith.constant 0 : i32
      %dma_start3A_62 = tpu.memref_slice %arg4[%mul3A_2, %dma_start3A_61] : memref<9216x128xf32, #tpu.memory_space<hbm>> -> memref<288x128xf32, #tpu.memory_space<hbm>>
      %dma_start3A_63 = arith.constant 0 : i32
      %dma_start3A_64 = tpu.memref_slice %arg4[%mul3A_2, %dma_start3A_63] : memref<9216x128xf32, #tpu.memory_space<hbm>> -> memref<288x128xf32, #tpu.memory_space<hbm>>
      tpu.enqueue_dma source(%arg6 : memref<288x128xf32, #tpu.memory_space<vmem>>) target(%dma_start3A_64 : memref<288x128xf32, #tpu.memory_space<hbm>>) target_semaphore(%run_scoped3A : memref<!tpu.dma_semaphore, #tpu.memory_space<semaphore_mem>>)
      %dma_wait3A_65 = arith.constant 0 : i32
      %dma_wait3A_66 = tpu.memref_slice %arg4[%mul3A_2, %dma_wait3A_65] : memref<9216x128xf32, #tpu.memory_space<hbm>> -> memref<288x128xf32, #tpu.memory_space<hbm>>
      %dma_wait3A_67 = arith.constant 0 : i32
      %dma_wait3A_68 = tpu.memref_slice %arg4[%mul3A_2, %dma_wait3A_67] : memref<9216x128xf32, #tpu.memory_space<hbm>> -> memref<288x128xf32, #tpu.memory_space<hbm>>
      tpu.wait_dma2 semaphore(%run_scoped3A : memref<!tpu.dma_semaphore, #tpu.memory_space<semaphore_mem>>) src(%arg6 : memref<288x128xf32, #tpu.memory_space<vmem>>) dst(%dma_wait3A_68 : memref<288x128xf32, #tpu.memory_space<hbm>>)
      tpu.yield
    }) : () -> ()
    return
  }
}

#map = affine_map<(d0, d1) -> (0, 0)>
#map1 = affine_map<(d0, d1) -> (0, 0, 0)>
module attributes {stable_mosaic.version = 14 : i64} {
  func.func @gather(%arg0: i32, %arg1: i32, %arg2: memref<1024x128xf32, #tpu.memory_space<hbm>>, %arg3: memref<32x3x96xi32, #tpu.memory_space<hbm>>, %arg4: memref<9216x128xf32, #tpu.memory_space<hbm>>, %arg5: memref<3x96xi32, #tpu.memory_space<vmem>>, %arg6: memref<288x128xf32, #tpu.memory_space<vmem>>, %arg7: memref<!tpu.dma_semaphore, #tpu.memory_space<semaphore_mem>>) attributes {dimension_semantics = [#tpu.dimension_semantics<core_parallel>, #tpu.dimension_semantics<subcore_parallel>], iteration_bounds = array<i64: 2, 16>, scalar_prefetch = 0 : i64, scratch_operands = 3 : i64, tpu.core_type = #tpu.core_type<sc_vector_subcore>, window_params = [{transform_indices = #map}, {transform_indices = #map1}, {transform_indices = #map}]} {
    %mul3A = arith.constant 2 : i32
    %mul3A_0 = arith.muli %arg1, %mul3A : i32
    %add3A = arith.addi %mul3A_0, %arg0 : i32
    %mul3A_1 = arith.constant 288 : i32
    %mul3A_2 = arith.muli %add3A, %mul3A_1 : i32
    "tpu.region"() ({
      %run_scoped3A = tpu.sem_alloc : memref<!tpu.dma_semaphore, #tpu.memory_space<semaphore_mem>>
      %dma_start3A_61 = arith.constant 0 : i32
      %dma_start3A_62 = arith.constant 0 : i32
      %dma_start3A_63 = tpu.memref_slice %arg3[%add3A, %dma_start3A_61, %dma_start3A_62] : memref<32x3x96xi32, #tpu.memory_space<hbm>> -> memref<1x3x96xi32, #tpu.memory_space<hbm>>
      %dma_start3A_64 = tpu.memref_squeeze %dma_start3A_63 : memref<1x3x96xi32, #tpu.memory_space<hbm>> -> memref<3x96xi32, #tpu.memory_space<hbm>>
      %dma_start3A_65 = arith.constant 0 : i32
      %dma_start3A_66 = arith.constant 0 : i32
      %dma_start3A_67 = tpu.memref_slice %arg3[%add3A, %dma_start3A_65, %dma_start3A_66] : memref<32x3x96xi32, #tpu.memory_space<hbm>> -> memref<1x3x96xi32, #tpu.memory_space<hbm>>
      %dma_start3A_68 = tpu.memref_squeeze %dma_start3A_67 : memref<1x3x96xi32, #tpu.memory_space<hbm>> -> memref<3x96xi32, #tpu.memory_space<hbm>>
      tpu.enqueue_dma source(%dma_start3A_68 : memref<3x96xi32, #tpu.memory_space<hbm>>) target(%arg5 : memref<3x96xi32, #tpu.memory_space<vmem>>) target_semaphore(%run_scoped3A : memref<!tpu.dma_semaphore, #tpu.memory_space<semaphore_mem>>)
      %dma_wait3A_69 = arith.constant 0 : i32
      %dma_wait3A_70 = arith.constant 0 : i32
      %dma_wait3A_71 = tpu.memref_slice %arg3[%add3A, %dma_wait3A_69, %dma_wait3A_70] : memref<32x3x96xi32, #tpu.memory_space<hbm>> -> memref<1x3x96xi32, #tpu.memory_space<hbm>>
      %dma_wait3A_72 = tpu.memref_squeeze %dma_wait3A_71 : memref<1x3x96xi32, #tpu.memory_space<hbm>> -> memref<3x96xi32, #tpu.memory_space<hbm>>
      %dma_wait3A_73 = arith.constant 0 : i32
      %dma_wait3A_74 = arith.constant 0 : i32
      %dma_wait3A_75 = tpu.memref_slice %arg3[%add3A, %dma_wait3A_73, %dma_wait3A_74] : memref<32x3x96xi32, #tpu.memory_space<hbm>> -> memref<1x3x96xi32, #tpu.memory_space<hbm>>
      %dma_wait3A_76 = tpu.memref_squeeze %dma_wait3A_75 : memref<1x3x96xi32, #tpu.memory_space<hbm>> -> memref<3x96xi32, #tpu.memory_space<hbm>>
      tpu.wait_dma2 semaphore(%run_scoped3A : memref<!tpu.dma_semaphore, #tpu.memory_space<semaphore_mem>>) src(%dma_wait3A_76 : memref<3x96xi32, #tpu.memory_space<hbm>>) dst(%arg5 : memref<3x96xi32, #tpu.memory_space<vmem>>)
      tpu.yield
    }) : () -> ()
    %dma_start3A = arith.constant 0 : i32
    %dma_start3A_3 = arith.constant 0 : i32
    %dma_start3A_4 = arith.constant 0 : i32
    %dma_start3A_5 = tpu.memref_slice %arg6[%dma_start3A_3, %dma_start3A_4] : memref<288x128xf32, #tpu.memory_space<vmem>> -> memref<96x128xf32, #tpu.memory_space<vmem>>
    %dma_start3A_6 = arith.constant 0 : i32
    %dma_start3A_7 = tpu.memref_slice %arg5[%dma_start3A, %dma_start3A_6] : memref<3x96xi32, #tpu.memory_space<vmem>> -> memref<1x96xi32, #tpu.memory_space<vmem>>
    %dma_start3A_8 = tpu.memref_squeeze %dma_start3A_7 : memref<1x96xi32, #tpu.memory_space<vmem>> -> memref<96xi32, #tpu.memory_space<vmem>>
    %dma_start3A_9 = arith.constant 0 : i32
    %dma_start3A_10 = arith.constant 0 : i32
    %dma_start3A_11 = tpu.memref_slice %arg2[%dma_start3A_9, %dma_start3A_10] : memref<1024x128xf32, #tpu.memory_space<hbm>> -> memref<1024x128xf32, #tpu.memory_space<hbm>>
    tpu.enqueue_indirect_dma source(%dma_start3A_11 : memref<1024x128xf32, #tpu.memory_space<hbm>>) target(%dma_start3A_5 : memref<96x128xf32, #tpu.memory_space<vmem>>) offsets(%dma_start3A_8 : memref<96xi32, #tpu.memory_space<vmem>>) semaphore(%arg7 : memref<!tpu.dma_semaphore, #tpu.memory_space<semaphore_mem>>)
    %dma_start3A_12 = arith.constant 1 : i32
    %dma_start3A_13 = arith.constant 96 : i32
    %dma_start3A_14 = arith.constant 0 : i32
    %dma_start3A_15 = tpu.memref_slice %arg6[%dma_start3A_13, %dma_start3A_14] : memref<288x128xf32, #tpu.memory_space<vmem>> -> memref<96x128xf32, #tpu.memory_space<vmem>>
    %dma_start3A_16 = arith.constant 0 : i32
    %dma_start3A_17 = tpu.memref_slice %arg5[%dma_start3A_12, %dma_start3A_16] : memref<3x96xi32, #tpu.memory_space<vmem>> -> memref<1x96xi32, #tpu.memory_space<vmem>>
    %dma_start3A_18 = tpu.memref_squeeze %dma_start3A_17 : memref<1x96xi32, #tpu.memory_space<vmem>> -> memref<96xi32, #tpu.memory_space<vmem>>
    %dma_start3A_19 = arith.constant 0 : i32
    %dma_start3A_20 = arith.constant 0 : i32
    %dma_start3A_21 = tpu.memref_slice %arg2[%dma_start3A_19, %dma_start3A_20] : memref<1024x128xf32, #tpu.memory_space<hbm>> -> memref<1024x128xf32, #tpu.memory_space<hbm>>
    tpu.enqueue_indirect_dma source(%dma_start3A_21 : memref<1024x128xf32, #tpu.memory_space<hbm>>) target(%dma_start3A_15 : memref<96x128xf32, #tpu.memory_space<vmem>>) offsets(%dma_start3A_18 : memref<96xi32, #tpu.memory_space<vmem>>) semaphore(%arg7 : memref<!tpu.dma_semaphore, #tpu.memory_space<semaphore_mem>>)
    %dma_start3A_22 = arith.constant 2 : i32
    %dma_start3A_23 = arith.constant 192 : i32
    %dma_start3A_24 = arith.constant 0 : i32
    %dma_start3A_25 = tpu.memref_slice %arg6[%dma_start3A_23, %dma_start3A_24] : memref<288x128xf32, #tpu.memory_space<vmem>> -> memref<96x128xf32, #tpu.memory_space<vmem>>
    %dma_start3A_26 = arith.constant 0 : i32
    %dma_start3A_27 = tpu.memref_slice %arg5[%dma_start3A_22, %dma_start3A_26] : memref<3x96xi32, #tpu.memory_space<vmem>> -> memref<1x96xi32, #tpu.memory_space<vmem>>
    %dma_start3A_28 = tpu.memref_squeeze %dma_start3A_27 : memref<1x96xi32, #tpu.memory_space<vmem>> -> memref<96xi32, #tpu.memory_space<vmem>>
    %dma_start3A_29 = arith.constant 0 : i32
    %dma_start3A_30 = arith.constant 0 : i32
    %dma_start3A_31 = tpu.memref_slice %arg2[%dma_start3A_29, %dma_start3A_30] : memref<1024x128xf32, #tpu.memory_space<hbm>> -> memref<1024x128xf32, #tpu.memory_space<hbm>>
    tpu.enqueue_indirect_dma source(%dma_start3A_31 : memref<1024x128xf32, #tpu.memory_space<hbm>>) target(%dma_start3A_25 : memref<96x128xf32, #tpu.memory_space<vmem>>) offsets(%dma_start3A_28 : memref<96xi32, #tpu.memory_space<vmem>>) semaphore(%arg7 : memref<!tpu.dma_semaphore, #tpu.memory_space<semaphore_mem>>)
    %dma_wait3A = arith.constant 0 : i32
    %dma_wait3A_32 = arith.constant 0 : i32
    %dma_wait3A_33 = arith.constant 0 : i32
    %dma_wait3A_34 = tpu.memref_slice %arg6[%dma_wait3A_32, %dma_wait3A_33] : memref<288x128xf32, #tpu.memory_space<vmem>> -> memref<96x128xf32, #tpu.memory_space<vmem>>
    %dma_wait3A_35 = arith.constant 0 : i32
    %dma_wait3A_36 = tpu.memref_slice %arg5[%dma_wait3A, %dma_wait3A_35] : memref<3x96xi32, #tpu.memory_space<vmem>> -> memref<1x96xi32, #tpu.memory_space<vmem>>
    %dma_wait3A_37 = tpu.memref_squeeze %dma_wait3A_36 : memref<1x96xi32, #tpu.memory_space<vmem>> -> memref<96xi32, #tpu.memory_space<vmem>>
    %dma_wait3A_38 = arith.constant 0 : i32
    %dma_wait3A_39 = arith.constant 0 : i32
    %dma_wait3A_40 = tpu.memref_slice %arg2[%dma_wait3A_38, %dma_wait3A_39] : memref<1024x128xf32, #tpu.memory_space<hbm>> -> memref<1024x128xf32, #tpu.memory_space<hbm>>
    tpu.wait_indirect_dma semaphore(%arg7 : memref<!tpu.dma_semaphore, #tpu.memory_space<semaphore_mem>>) src(%dma_wait3A_40 : memref<1024x128xf32, #tpu.memory_space<hbm>>) dst(%dma_wait3A_34 : memref<96x128xf32, #tpu.memory_space<vmem>>)
    %dma_wait3A_41 = arith.constant 1 : i32
    %dma_wait3A_42 = arith.constant 96 : i32
    %dma_wait3A_43 = arith.constant 0 : i32
    %dma_wait3A_44 = tpu.memref_slice %arg6[%dma_wait3A_42, %dma_wait3A_43] : memref<288x128xf32, #tpu.memory_space<vmem>> -> memref<96x128xf32, #tpu.memory_space<vmem>>
    %dma_wait3A_45 = arith.constant 0 : i32
    %dma_wait3A_46 = tpu.memref_slice %arg5[%dma_wait3A_41, %dma_wait3A_45] : memref<3x96xi32, #tpu.memory_space<vmem>> -> memref<1x96xi32, #tpu.memory_space<vmem>>
    %dma_wait3A_47 = tpu.memref_squeeze %dma_wait3A_46 : memref<1x96xi32, #tpu.memory_space<vmem>> -> memref<96xi32, #tpu.memory_space<vmem>>
    %dma_wait3A_48 = arith.constant 0 : i32
    %dma_wait3A_49 = arith.constant 0 : i32
    %dma_wait3A_50 = tpu.memref_slice %arg2[%dma_wait3A_48, %dma_wait3A_49] : memref<1024x128xf32, #tpu.memory_space<hbm>> -> memref<1024x128xf32, #tpu.memory_space<hbm>>
    tpu.wait_indirect_dma semaphore(%arg7 : memref<!tpu.dma_semaphore, #tpu.memory_space<semaphore_mem>>) src(%dma_wait3A_50 : memref<1024x128xf32, #tpu.memory_space<hbm>>) dst(%dma_wait3A_44 : memref<96x128xf32, #tpu.memory_space<vmem>>)
    %dma_wait3A_51 = arith.constant 2 : i32
    %dma_wait3A_52 = arith.constant 192 : i32
    %dma_wait3A_53 = arith.constant 0 : i32
    %dma_wait3A_54 = tpu.memref_slice %arg6[%dma_wait3A_52, %dma_wait3A_53] : memref<288x128xf32, #tpu.memory_space<vmem>> -> memref<96x128xf32, #tpu.memory_space<vmem>>
    %dma_wait3A_55 = arith.constant 0 : i32
    %dma_wait3A_56 = tpu.memref_slice %arg5[%dma_wait3A_51, %dma_wait3A_55] : memref<3x96xi32, #tpu.memory_space<vmem>> -> memref<1x96xi32, #tpu.memory_space<vmem>>
    %dma_wait3A_57 = tpu.memref_squeeze %dma_wait3A_56 : memref<1x96xi32, #tpu.memory_space<vmem>> -> memref<96xi32, #tpu.memory_space<vmem>>
    %dma_wait3A_58 = arith.constant 0 : i32
    %dma_wait3A_59 = arith.constant 0 : i32
    %dma_wait3A_60 = tpu.memref_slice %arg2[%dma_wait3A_58, %dma_wait3A_59] : memref<1024x128xf32, #tpu.memory_space<hbm>> -> memref<1024x128xf32, #tpu.memory_space<hbm>>
    tpu.wait_indirect_dma semaphore(%arg7 : memref<!tpu.dma_semaphore, #tpu.memory_space<semaphore_mem>>) src(%dma_wait3A_60 : memref<1024x128xf32, #tpu.memory_space<hbm>>) dst(%dma_wait3A_54 : memref<96x128xf32, #tpu.memory_space<vmem>>)
    "tpu.region"() ({
      %run_scoped3A = tpu.sem_alloc : memref<!tpu.dma_semaphore, #tpu.memory_space<semaphore_mem>>
      %dma_start3A_61 = arith.constant 0 : i32
      %dma_start3A_62 = tpu.memref_slice %arg4[%mul3A_2, %dma_start3A_61] : memref<9216x128xf32, #tpu.memory_space<hbm>> -> memref<288x128xf32, #tpu.memory_space<hbm>>
      %dma_start3A_63 = arith.constant 0 : i32
      %dma_start3A_64 = tpu.memref_slice %arg4[%mul3A_2, %dma_start3A_63] : memref<9216x128xf32, #tpu.memory_space<hbm>> -> memref<288x128xf32, #tpu.memory_space<hbm>>
      tpu.enqueue_dma source(%arg6 : memref<288x128xf32, #tpu.memory_space<vmem>>) target(%dma_start3A_64 : memref<288x128xf32, #tpu.memory_space<hbm>>) target_semaphore(%run_scoped3A : memref<!tpu.dma_semaphore, #tpu.memory_space<semaphore_mem>>)
      %dma_wait3A_65 = arith.constant 0 : i32
      %dma_wait3A_66 = tpu.memref_slice %arg4[%mul3A_2, %dma_wait3A_65] : memref<9216x128xf32, #tpu.memory_space<hbm>> -> memref<288x128xf32, #tpu.memory_space<hbm>>
      %dma_wait3A_67 = arith.constant 0 : i32
      %dma_wait3A_68 = tpu.memref_slice %arg4[%mul3A_2, %dma_wait3A_67] : memref<9216x128xf32, #tpu.memory_space<hbm>> -> memref<288x128xf32, #tpu.memory_space<hbm>>
      tpu.wait_dma2 semaphore(%run_scoped3A : memref<!tpu.dma_semaphore, #tpu.memory_space<semaphore_mem>>) src(%arg6 : memref<288x128xf32, #tpu.memory_space<vmem>>) dst(%dma_wait3A_68 : memref<288x128xf32, #tpu.memory_space<hbm>>)
      tpu.yield
    }) : () -> ()
    return
  }
}

#map = affine_map<(d0, d1) -> (0, 0)>
#map1 = affine_map<(d0, d1) -> (0, 0, 0)>
module attributes {stable_mosaic.version = 14 : i64} {
  func.func @gather(%arg0: i32, %arg1: i32, %arg2: memref<1024x128xf32, #tpu.memory_space<hbm>>, %arg3: memref<32x3x96xi32, #tpu.memory_space<hbm>>, %arg4: memref<9216x128xf32, #tpu.memory_space<hbm>>, %arg5: memref<3x96xi32, #tpu.memory_space<vmem>>, %arg6: memref<288x128xf32, #tpu.memory_space<vmem>>, %arg7: memref<!tpu.dma_semaphore, #tpu.memory_space<semaphore_mem>>) attributes {dimension_semantics = [#tpu.dimension_semantics<core_parallel>, #tpu.dimension_semantics<subcore_parallel>], iteration_bounds = array<i64: 2, 16>, scalar_prefetch = 0 : i64, scratch_operands = 3 : i64, tpu.core_type = #tpu.core_type<sc_vector_subcore>, window_params = [{transform_indices = #map}, {transform_indices = #map1}, {transform_indices = #map}]} {
    %mul3A = arith.constant 2 : i32
    %mul3A_0 = arith.muli %arg1, %mul3A : i32
    %add3A = arith.addi %mul3A_0, %arg0 : i32
    %mul3A_1 = arith.constant 288 : i32
    %mul3A_2 = arith.muli %add3A, %mul3A_1 : i32
    "tpu.region"() ({
      %run_scoped3A = tpu.sem_alloc : memref<!tpu.dma_semaphore, #tpu.memory_space<semaphore_mem>>
      %dma_start3A_61 = arith.constant 0 : i32
      %dma_start3A_62 = arith.constant 0 : i32
      %dma_start3A_63 = tpu.memref_slice %arg3[%add3A, %dma_start3A_61, %dma_start3A_62] : memref<32x3x96xi32, #tpu.memory_space<hbm>> -> memref<1x3x96xi32, #tpu.memory_space<hbm>>
      %dma_start3A_64 = tpu.memref_squeeze %dma_start3A_63 : memref<1x3x96xi32, #tpu.memory_space<hbm>> -> memref<3x96xi32, #tpu.memory_space<hbm>>
      %dma_start3A_65 = arith.constant 0 : i32
      %dma_start3A_66 = arith.constant 0 : i32
      %dma_start3A_67 = tpu.memref_slice %arg3[%add3A, %dma_start3A_65, %dma_start3A_66] : memref<32x3x96xi32, #tpu.memory_space<hbm>> -> memref<1x3x96xi32, #tpu.memory_space<hbm>>
      %dma_start3A_68 = tpu.memref_squeeze %dma_start3A_67 : memref<1x3x96xi32, #tpu.memory_space<hbm>> -> memref<3x96xi32, #tpu.memory_space<hbm>>
      tpu.enqueue_dma source(%dma_start3A_68 : memref<3x96xi32, #tpu.memory_space<hbm>>) target(%arg5 : memref<3x96xi32, #tpu.memory_space<vmem>>) target_semaphore(%run_scoped3A : memref<!tpu.dma_semaphore, #tpu.memory_space<semaphore_mem>>)
      %dma_wait3A_69 = arith.constant 0 : i32
      %dma_wait3A_70 = arith.constant 0 : i32
      %dma_wait3A_71 = tpu.memref_slice %arg3[%add3A, %dma_wait3A_69, %dma_wait3A_70] : memref<32x3x96xi32, #tpu.memory_space<hbm>> -> memref<1x3x96xi32, #tpu.memory_space<hbm>>
      %dma_wait3A_72 = tpu.memref_squeeze %dma_wait3A_71 : memref<1x3x96xi32, #tpu.memory_space<hbm>> -> memref<3x96xi32, #tpu.memory_space<hbm>>
      %dma_wait3A_73 = arith.constant 0 : i32
      %dma_wait3A_74 = arith.constant 0 : i32
      %dma_wait3A_75 = tpu.memref_slice %arg3[%add3A, %dma_wait3A_73, %dma_wait3A_74] : memref<32x3x96xi32, #tpu.memory_space<hbm>> -> memref<1x3x96xi32, #tpu.memory_space<hbm>>
      %dma_wait3A_76 = tpu.memref_squeeze %dma_wait3A_75 : memref<1x3x96xi32, #tpu.memory_space<hbm>> -> memref<3x96xi32, #tpu.memory_space<hbm>>
      tpu.wait_dma2 semaphore(%run_scoped3A : memref<!tpu.dma_semaphore, #tpu.memory_space<semaphore_mem>>) src(%dma_wait3A_76 : memref<3x96xi32, #tpu.memory_space<hbm>>) dst(%arg5 : memref<3x96xi32, #tpu.memory_space<vmem>>)
      tpu.yield
    }) : () -> ()
    %dma_start3A = arith.constant 0 : i32
    %dma_start3A_3 = arith.constant 0 : i32
    %dma_start3A_4 = arith.constant 0 : i32
    %dma_start3A_5 = tpu.memref_slice %arg6[%dma_start3A_3, %dma_start3A_4] : memref<288x128xf32, #tpu.memory_space<vmem>> -> memref<96x128xf32, #tpu.memory_space<vmem>>
    %dma_start3A_6 = arith.constant 0 : i32
    %dma_start3A_7 = tpu.memref_slice %arg5[%dma_start3A, %dma_start3A_6] : memref<3x96xi32, #tpu.memory_space<vmem>> -> memref<1x96xi32, #tpu.memory_space<vmem>>
    %dma_start3A_8 = tpu.memref_squeeze %dma_start3A_7 : memref<1x96xi32, #tpu.memory_space<vmem>> -> memref<96xi32, #tpu.memory_space<vmem>>
    %dma_start3A_9 = arith.constant 0 : i32
    %dma_start3A_10 = arith.constant 0 : i32
    %dma_start3A_11 = tpu.memref_slice %arg2[%dma_start3A_9, %dma_start3A_10] : memref<1024x128xf32, #tpu.memory_space<hbm>> -> memref<1024x128xf32, #tpu.memory_space<hbm>>
    tpu.enqueue_indirect_dma source(%dma_start3A_11 : memref<1024x128xf32, #tpu.memory_space<hbm>>) target(%dma_start3A_5 : memref<96x128xf32, #tpu.memory_space<vmem>>) offsets(%dma_start3A_8 : memref<96xi32, #tpu.memory_space<vmem>>) semaphore(%arg7 : memref<!tpu.dma_semaphore, #tpu.memory_space<semaphore_mem>>)
    %dma_start3A_12 = arith.constant 1 : i32
    %dma_start3A_13 = arith.constant 96 : i32
    %dma_start3A_14 = arith.constant 0 : i32
    %dma_start3A_15 = tpu.memref_slice %arg6[%dma_start3A_13, %dma_start3A_14] : memref<288x128xf32, #tpu.memory_space<vmem>> -> memref<96x128xf32, #tpu.memory_space<vmem>>
    %dma_start3A_16 = arith.constant 0 : i32
    %dma_start3A_17 = tpu.memref_slice %arg5[%dma_start3A_12, %dma_start3A_16] : memref<3x96xi32, #tpu.memory_space<vmem>> -> memref<1x96xi32, #tpu.memory_space<vmem>>
    %dma_start3A_18 = tpu.memref_squeeze %dma_start3A_17 : memref<1x96xi32, #tpu.memory_space<vmem>> -> memref<96xi32, #tpu.memory_space<vmem>>
    %dma_start3A_19 = arith.constant 0 : i32
    %dma_start3A_20 = arith.constant 0 : i32
    %dma_start3A_21 = tpu.memref_slice %arg2[%dma_start3A_19, %dma_start3A_20] : memref<1024x128xf32, #tpu.memory_space<hbm>> -> memref<1024x128xf32, #tpu.memory_space<hbm>>
    tpu.enqueue_indirect_dma source(%dma_start3A_21 : memref<1024x128xf32, #tpu.memory_space<hbm>>) target(%dma_start3A_15 : memref<96x128xf32, #tpu.memory_space<vmem>>) offsets(%dma_start3A_18 : memref<96xi32, #tpu.memory_space<vmem>>) semaphore(%arg7 : memref<!tpu.dma_semaphore, #tpu.memory_space<semaphore_mem>>)
    %dma_start3A_22 = arith.constant 2 : i32
    %dma_start3A_23 = arith.constant 192 : i32
    %dma_start3A_24 = arith.constant 0 : i32
    %dma_start3A_25 = tpu.memref_slice %arg6[%dma_start3A_23, %dma_start3A_24] : memref<288x128xf32, #tpu.memory_space<vmem>> -> memref<96x128xf32, #tpu.memory_space<vmem>>
    %dma_start3A_26 = arith.constant 0 : i32
    %dma_start3A_27 = tpu.memref_slice %arg5[%dma_start3A_22, %dma_start3A_26] : memref<3x96xi32, #tpu.memory_space<vmem>> -> memref<1x96xi32, #tpu.memory_space<vmem>>
    %dma_start3A_28 = tpu.memref_squeeze %dma_start3A_27 : memref<1x96xi32, #tpu.memory_space<vmem>> -> memref<96xi32, #tpu.memory_space<vmem>>
    %dma_start3A_29 = arith.constant 0 : i32
    %dma_start3A_30 = arith.constant 0 : i32
    %dma_start3A_31 = tpu.memref_slice %arg2[%dma_start3A_29, %dma_start3A_30] : memref<1024x128xf32, #tpu.memory_space<hbm>> -> memref<1024x128xf32, #tpu.memory_space<hbm>>
    tpu.enqueue_indirect_dma source(%dma_start3A_31 : memref<1024x128xf32, #tpu.memory_space<hbm>>) target(%dma_start3A_25 : memref<96x128xf32, #tpu.memory_space<vmem>>) offsets(%dma_start3A_28 : memref<96xi32, #tpu.memory_space<vmem>>) semaphore(%arg7 : memref<!tpu.dma_semaphore, #tpu.memory_space<semaphore_mem>>)
    %dma_wait3A = arith.constant 0 : i32
    %dma_wait3A_32 = arith.constant 0 : i32
    %dma_wait3A_33 = arith.constant 0 : i32
    %dma_wait3A_34 = tpu.memref_slice %arg6[%dma_wait3A_32, %dma_wait3A_33] : memref<288x128xf32, #tpu.memory_space<vmem>> -> memref<96x128xf32, #tpu.memory_space<vmem>>
    %dma_wait3A_35 = arith.constant 0 : i32
    %dma_wait3A_36 = tpu.memref_slice %arg5[%dma_wait3A, %dma_wait3A_35] : memref<3x96xi32, #tpu.memory_space<vmem>> -> memref<1x96xi32, #tpu.memory_space<vmem>>
    %dma_wait3A_37 = tpu.memref_squeeze %dma_wait3A_36 : memref<1x96xi32, #tpu.memory_space<vmem>> -> memref<96xi32, #tpu.memory_space<vmem>>
    %dma_wait3A_38 = arith.constant 0 : i32
    %dma_wait3A_39 = arith.constant 0 : i32
    %dma_wait3A_40 = tpu.memref_slice %arg2[%dma_wait3A_38, %dma_wait3A_39] : memref<1024x128xf32, #tpu.memory_space<hbm>> -> memref<1024x128xf32, #tpu.memory_space<hbm>>
    tpu.wait_indirect_dma semaphore(%arg7 : memref<!tpu.dma_semaphore, #tpu.memory_space<semaphore_mem>>) src(%dma_wait3A_40 : memref<1024x128xf32, #tpu.memory_space<hbm>>) dst(%dma_wait3A_34 : memref<96x128xf32, #tpu.memory_space<vmem>>)
    %dma_wait3A_41 = arith.constant 1 : i32
    %dma_wait3A_42 = arith.constant 96 : i32
    %dma_wait3A_43 = arith.constant 0 : i32
    %dma_wait3A_44 = tpu.memref_slice %arg6[%dma_wait3A_42, %dma_wait3A_43] : memref<288x128xf32, #tpu.memory_space<vmem>> -> memref<96x128xf32, #tpu.memory_space<vmem>>
    %dma_wait3A_45 = arith.constant 0 : i32
    %dma_wait3A_46 = tpu.memref_slice %arg5[%dma_wait3A_41, %dma_wait3A_45] : memref<3x96xi32, #tpu.memory_space<vmem>> -> memref<1x96xi32, #tpu.memory_space<vmem>>
    %dma_wait3A_47 = tpu.memref_squeeze %dma_wait3A_46 : memref<1x96xi32, #tpu.memory_space<vmem>> -> memref<96xi32, #tpu.memory_space<vmem>>
    %dma_wait3A_48 = arith.constant 0 : i32
    %dma_wait3A_49 = arith.constant 0 : i32
    %dma_wait3A_50 = tpu.memref_slice %arg2[%dma_wait3A_48, %dma_wait3A_49] : memref<1024x128xf32, #tpu.memory_space<hbm>> -> memref<1024x128xf32, #tpu.memory_space<hbm>>
    tpu.wait_indirect_dma semaphore(%arg7 : memref<!tpu.dma_semaphore, #tpu.memory_space<semaphore_mem>>) src(%dma_wait3A_50 : memref<1024x128xf32, #tpu.memory_space<hbm>>) dst(%dma_wait3A_44 : memref<96x128xf32, #tpu.memory_space<vmem>>)
    %dma_wait3A_51 = arith.constant 2 : i32
    %dma_wait3A_52 = arith.constant 192 : i32
    %dma_wait3A_53 = arith.constant 0 : i32
    %dma_wait3A_54 = tpu.memref_slice %arg6[%dma_wait3A_52, %dma_wait3A_53] : memref<288x128xf32, #tpu.memory_space<vmem>> -> memref<96x128xf32, #tpu.memory_space<vmem>>
    %dma_wait3A_55 = arith.constant 0 : i32
    %dma_wait3A_56 = tpu.memref_slice %arg5[%dma_wait3A_51, %dma_wait3A_55] : memref<3x96xi32, #tpu.memory_space<vmem>> -> memref<1x96xi32, #tpu.memory_space<vmem>>
    %dma_wait3A_57 = tpu.memref_squeeze %dma_wait3A_56 : memref<1x96xi32, #tpu.memory_space<vmem>> -> memref<96xi32, #tpu.memory_space<vmem>>
    %dma_wait3A_58 = arith.constant 0 : i32
    %dma_wait3A_59 = arith.constant 0 : i32
    %dma_wait3A_60 = tpu.memref_slice %arg2[%dma_wait3A_58, %dma_wait3A_59] : memref<1024x128xf32, #tpu.memory_space<hbm>> -> memref<1024x128xf32, #tpu.memory_space<hbm>>
    tpu.wait_indirect_dma semaphore(%arg7 : memref<!tpu.dma_semaphore, #tpu.memory_space<semaphore_mem>>) src(%dma_wait3A_60 : memref<1024x128xf32, #tpu.memory_space<hbm>>) dst(%dma_wait3A_54 : memref<96x128xf32, #tpu.memory_space<vmem>>)
    "tpu.region"() ({
      %run_scoped3A = tpu.sem_alloc : memref<!tpu.dma_semaphore, #tpu.memory_space<semaphore_mem>>
      %dma_start3A_61 = arith.constant 0 : i32
      %dma_start3A_62 = tpu.memref_slice %arg4[%mul3A_2, %dma_start3A_61] : memref<9216x128xf32, #tpu.memory_space<hbm>> -> memref<288x128xf32, #tpu.memory_space<hbm>>
      %dma_start3A_63 = arith.constant 0 : i32
      %dma_start3A_64 = tpu.memref_slice %arg4[%mul3A_2, %dma_start3A_63] : memref<9216x128xf32, #tpu.memory_space<hbm>> -> memref<288x128xf32, #tpu.memory_space<hbm>>
      tpu.enqueue_dma source(%arg6 : memref<288x128xf32, #tpu.memory_space<vmem>>) target(%dma_start3A_64 : memref<288x128xf32, #tpu.memory_space<hbm>>) target_semaphore(%run_scoped3A : memref<!tpu.dma_semaphore, #tpu.memory_space<semaphore_mem>>)
      %dma_wait3A_65 = arith.constant 0 : i32
      %dma_wait3A_66 = tpu.memref_slice %arg4[%mul3A_2, %dma_wait3A_65] : memref<9216x128xf32, #tpu.memory_space<hbm>> -> memref<288x128xf32, #tpu.memory_space<hbm>>
      %dma_wait3A_67 = arith.constant 0 : i32
      %dma_wait3A_68 = tpu.memref_slice %arg4[%mul3A_2, %dma_wait3A_67] : memref<9216x128xf32, #tpu.memory_space<hbm>> -> memref<288x128xf32, #tpu.memory_space<hbm>>
      tpu.wait_dma2 semaphore(%run_scoped3A : memref<!tpu.dma_semaphore, #tpu.memory_space<semaphore_mem>>) src(%arg6 : memref<288x128xf32, #tpu.memory_space<vmem>>) dst(%dma_wait3A_68 : memref<288x128xf32, #tpu.memory_space<hbm>>)
      tpu.yield
    }) : () -> ()
    return
  }
}

module attributes {stable_mosaic.version = 14 : i64} {
  func.func @_round0_body(%arg0: i32, %arg1: memref<512x64xf32, #tpu.memory_space<vmem>>, %arg2: memref<1x1024x64xf32, #tpu.memory_space<vmem>>, %arg3: memref<1x1x512xi32, #tpu.memory_space<vmem>>) attributes {dimension_semantics = [#tpu.dimension_semantics<arbitrary>], iteration_bounds = array<i64: 18>, scalar_prefetch = 0 : i64, scratch_operands = 0 : i64, tpu.core_type = #tpu.core_type<tc>, window_params = [{transform_indices = @transform_0, window_bounds = array<i64: 512, 64>}, {pipeline_mode = #tpu.pipeline_mode<synchronous>, transform_indices = @transform_1, window_bounds = array<i64: 1, 1024, 64>}, {transform_indices = @transform_2, window_bounds = array<i64: 1, 1, 512>}]} {
    %get3A = arith.constant 0 : index
    %get3A_0 = arith.constant 0 : index
    %get3A_1 = vector.load %arg1[%get3A, %get3A_0] : memref<512x64xf32, #tpu.memory_space<vmem>>, vector<512x64xf32>
    %get3A_2 = arith.constant 0 : index
    %get3A_3 = arith.constant 0 : index
    %get3A_4 = arith.constant 0 : index
    %get3A_5 = vector.load %arg2[%get3A_2, %get3A_3, %get3A_4] : memref<1x1024x64xf32, #tpu.memory_space<vmem>>, vector<1x1024x64xf32>
    %get3A_6 = vector.shape_cast %get3A_5 : vector<1x1024x64xf32> to vector<1024x64xf32>
    %mul3A = arith.mulf %get3A_1, %get3A_1 : vector<512x64xf32>
    %reduce_sum3A = arith.constant dense<0.000000e+00> : vector<512xf32>
    %reduce_sum3A_7 = vector.multi_reduction <add>, %mul3A, %reduce_sum3A [1] : vector<512x64xf32> to vector<512xf32>
    %broadcast_in_dim3A = vector.shape_cast %reduce_sum3A_7 : vector<512xf32> to vector<512x1xf32>
    %mul3A_8 = arith.mulf %get3A_6, %get3A_6 : vector<1024x64xf32>
    %reduce_sum3A_9 = arith.constant dense<0.000000e+00> : vector<1024xf32>
    %reduce_sum3A_10 = vector.multi_reduction <add>, %mul3A_8, %reduce_sum3A_9 [1] : vector<1024x64xf32> to vector<1024xf32>
    %dot_general3A = arith.constant dense<0.000000e+00> : vector<512x1024xf32>
    %dot_general3A_11 = tpu.matmul %get3A_1, %get3A_6, %dot_general3A {dimension_numbers = #tpu.dot_dimension_numbers<[1], [1], [0], [0], [0, 0, 1, 0], [], []>, transpose_lhs_hint = false} : vector<512x64xf32>, vector<1024x64xf32>, vector<512x1024xf32> -> vector<512x1024xf32>
    %mul3A_12 = arith.constant 2.000000e+00 : f32
    %mul3A_13 = vector.broadcast %mul3A_12 : f32 to vector<512x1024xf32>
    %mul3A_14 = arith.mulf %mul3A_13, %dot_general3A_11 : vector<512x1024xf32>
    %sub3A = vector.broadcast %broadcast_in_dim3A : vector<512x1xf32> to vector<512x1024xf32>
    %sub3A_15 = arith.subf %sub3A, %mul3A_14 : vector<512x1024xf32>
    %broadcast_in_dim3A_16 = vector.shape_cast %reduce_sum3A_10 : vector<1024xf32> to vector<1x1024xf32>
    %add3A = vector.broadcast %broadcast_in_dim3A_16 : vector<1x1024xf32> to vector<512x1024xf32>
    %add3A_17 = arith.addf %sub3A_15, %add3A : vector<512x1024xf32>
    %argmin3A = tpu.reduce_index %add3A_17 {axis = 1 : i32, kind = #tpu.reduction_kind<arg_min>} : vector<512x1024xf32> -> vector<512xi32>
    %swap3A = arith.constant 0 : index
    %swap3A_18 = arith.constant 0 : index
    %swap3A_19 = arith.constant 0 : index
    %swap3A_20 = vector.load %arg3[%swap3A, %swap3A_18, %swap3A_19] : memref<1x1x512xi32, #tpu.memory_space<vmem>>, vector<1x1x512xi32>
    %swap3A_21 = vector.shape_cast %swap3A_20 : vector<1x1x512xi32> to vector<512xi32>
    %swap3A_22 = vector.shape_cast %argmin3A : vector<512xi32> to vector<1x1x512xi32>
    tpu.vector_store %arg3[%swap3A, %swap3A_18, %swap3A_19], %swap3A_22 {strides = array<i32>} : memref<1x1x512xi32, #tpu.memory_space<vmem>>, vector<1x1x512xi32>,
    return
  }
  func.func @transform_0(%arg0: i32) -> (i32, i32) {
    %c0_i32 = arith.constant 0 : i32
    %c0_i32_0 = arith.constant 0 : i32
    return %arg0, %c0_i32 : i32, i32
  }
  func.func @transform_1(%arg0: i32) -> (i32, i32, i32) {
    %c0_i32 = arith.constant 0 : i32
    %c0_i32_0 = arith.constant 0 : i32
    %c0_i32_1 = arith.constant 0 : i32
    %c0_i32_2 = arith.constant 0 : i32
    return %c0_i32, %c0_i32_0, %c0_i32_1 : i32, i32, i32
  }
  func.func @transform_2(%arg0: i32) -> (i32, i32, i32) {
    %c0_i32 = arith.constant 0 : i32
    %c0_i32_0 = arith.constant 0 : i32
    %c0_i32_1 = arith.constant 0 : i32
    return %arg0, %c0_i32, %c0_i32_0 : i32, i32, i32
  }
}

module attributes {stable_mosaic.version = 14 : i64} {
  func.func @_round_body(%arg0: i32, %arg1: memref<512x64xf32, #tpu.memory_space<vmem>>, %arg2: memref<512x128xf32, #tpu.memory_space<vmem>>, %arg3: memref<1x1024x64xf32, #tpu.memory_space<vmem>>, %arg4: memref<512x64xf32, #tpu.memory_space<vmem>>, %arg5: memref<1x1x512xi32, #tpu.memory_space<vmem>>) attributes {dimension_semantics = [#tpu.dimension_semantics<arbitrary>], iteration_bounds = array<i64: 18>, scalar_prefetch = 0 : i64, scratch_operands = 0 : i64, tpu.core_type = #tpu.core_type<tc>, window_params = [{transform_indices = @transform_0, window_bounds = array<i64: 512, 64>}, {transform_indices = @transform_1, window_bounds = array<i64: 512, 128>}, {pipeline_mode = #tpu.pipeline_mode<synchronous>, transform_indices = @transform_2, window_bounds = array<i64: 1, 1024, 64>}, {transform_indices = @transform_3, window_bounds = array<i64: 512, 64>}, {transform_indices = @transform_4, window_bounds = array<i64: 1, 1, 512>}]} {
    %get3A = arith.constant 0 : index
    %get3A_0 = arith.constant 0 : index
    %get3A_1 = vector.load %arg1[%get3A, %get3A_0] : memref<512x64xf32, #tpu.memory_space<vmem>>, vector<512x64xf32>
    %get3A_2 = arith.constant 0 : index
    %get3A_3 = arith.constant 0 : index
    %get3A_4 = vector.load %arg2[%get3A_2, %get3A_3] : memref<512x128xf32, #tpu.memory_space<vmem>>, vector<512x64xf32>
    %sub3A = arith.subf %get3A_1, %get3A_4 : vector<512x64xf32>
    %swap3A = arith.constant 0 : index
    %swap3A_5 = arith.constant 0 : index
    %swap3A_6 = vector.load %arg4[%swap3A, %swap3A_5] : memref<512x64xf32, #tpu.memory_space<vmem>>, vector<512x64xf32>
    tpu.vector_store %arg4[%swap3A, %swap3A_5], %sub3A {strides = array<i32>} : memref<512x64xf32, #tpu.memory_space<vmem>>, vector<512x64xf32>,
    %get3A_7 = arith.constant 0 : index
    %get3A_8 = arith.constant 0 : index
    %get3A_9 = arith.constant 0 : index
    %get3A_10 = vector.load %arg3[%get3A_7, %get3A_8, %get3A_9] : memref<1x1024x64xf32, #tpu.memory_space<vmem>>, vector<1x1024x64xf32>
    %get3A_11 = vector.shape_cast %get3A_10 : vector<1x1024x64xf32> to vector<1024x64xf32>
    %mul3A = arith.mulf %sub3A, %sub3A : vector<512x64xf32>
    %reduce_sum3A = arith.constant dense<0.000000e+00> : vector<512xf32>
    %reduce_sum3A_12 = vector.multi_reduction <add>, %mul3A, %reduce_sum3A [1] : vector<512x64xf32> to vector<512xf32>
    %broadcast_in_dim3A = vector.shape_cast %reduce_sum3A_12 : vector<512xf32> to vector<512x1xf32>
    %mul3A_13 = arith.mulf %get3A_11, %get3A_11 : vector<1024x64xf32>
    %reduce_sum3A_14 = arith.constant dense<0.000000e+00> : vector<1024xf32>
    %reduce_sum3A_15 = vector.multi_reduction <add>, %mul3A_13, %reduce_sum3A_14 [1] : vector<1024x64xf32> to vector<1024xf32>
    %dot_general3A = arith.constant dense<0.000000e+00> : vector<512x1024xf32>
    %dot_general3A_16 = tpu.matmul %sub3A, %get3A_11, %dot_general3A {dimension_numbers = #tpu.dot_dimension_numbers<[1], [1], [0], [0], [0, 0, 1, 0], [], []>, transpose_lhs_hint = false} : vector<512x64xf32>, vector<1024x64xf32>, vector<512x1024xf32> -> vector<512x1024xf32>
    %mul3A_17 = arith.constant 2.000000e+00 : f32
    %mul3A_18 = vector.broadcast %mul3A_17 : f32 to vector<512x1024xf32>
    %mul3A_19 = arith.mulf %mul3A_18, %dot_general3A_16 : vector<512x1024xf32>
    %sub3A_20 = vector.broadcast %broadcast_in_dim3A : vector<512x1xf32> to vector<512x1024xf32>
    %sub3A_21 = arith.subf %sub3A_20, %mul3A_19 : vector<512x1024xf32>
    %broadcast_in_dim3A_22 = vector.shape_cast %reduce_sum3A_15 : vector<1024xf32> to vector<1x1024xf32>
    %add3A = vector.broadcast %broadcast_in_dim3A_22 : vector<1x1024xf32> to vector<512x1024xf32>
    %add3A_23 = arith.addf %sub3A_21, %add3A : vector<512x1024xf32>
    %argmin3A = tpu.reduce_index %add3A_23 {axis = 1 : i32, kind = #tpu.reduction_kind<arg_min>} : vector<512x1024xf32> -> vector<512xi32>
    %swap3A_24 = arith.constant 0 : index
    %swap3A_25 = arith.constant 0 : index
    %swap3A_26 = arith.constant 0 : index
    %swap3A_27 = vector.load %arg5[%swap3A_24, %swap3A_25, %swap3A_26] : memref<1x1x512xi32, #tpu.memory_space<vmem>>, vector<1x1x512xi32>
    %swap3A_28 = vector.shape_cast %swap3A_27 : vector<1x1x512xi32> to vector<512xi32>
    %swap3A_29 = vector.shape_cast %argmin3A : vector<512xi32> to vector<1x1x512xi32>
    tpu.vector_store %arg5[%swap3A_24, %swap3A_25, %swap3A_26], %swap3A_29 {strides = array<i32>} : memref<1x1x512xi32, #tpu.memory_space<vmem>>, vector<1x1x512xi32>,
    return
  }
  func.func @transform_0(%arg0: i32) -> (i32, i32) {
    %c0_i32 = arith.constant 0 : i32
    %c0_i32_0 = arith.constant 0 : i32
    return %arg0, %c0_i32 : i32, i32
  }
  func.func @transform_1(%arg0: i32) -> (i32, i32) {
    %c0_i32 = arith.constant 0 : i32
    %c0_i32_0 = arith.constant 0 : i32
    return %arg0, %c0_i32 : i32, i32
  }
  func.func @transform_2(%arg0: i32) -> (i32, i32, i32) {
    %c0_i32 = arith.constant 0 : i32
    %c0_i32_0 = arith.constant 0 : i32
    %c0_i32_1 = arith.constant 0 : i32
    %c0_i32_2 = arith.constant 0 : i32
    return %c0_i32, %c0_i32_0, %c0_i32_1 : i32, i32, i32
  }
  func.func @transform_3(%arg0: i32) -> (i32, i32) {
    %c0_i32 = arith.constant 0 : i32
    %c0_i32_0 = arith.constant 0 : i32
    return %arg0, %c0_i32 : i32, i32
  }
  func.func @transform_4(%arg0: i32) -> (i32, i32, i32) {
    %c0_i32 = arith.constant 0 : i32
    %c0_i32_0 = arith.constant 0 : i32
    %c0_i32_1 = arith.constant 0 : i32
    return %arg0, %c0_i32, %c0_i32_0 : i32, i32, i32
  }
}

module attributes {stable_mosaic.version = 14 : i64} {
  func.func @_final_body(%arg0: i32, %arg1: memref<512x64xf32, #tpu.memory_space<vmem>>, %arg2: memref<512x64xf32, #tpu.memory_space<vmem>>, %arg3: memref<512x128xf32, #tpu.memory_space<vmem>>, %arg4: memref<512x64xf32, #tpu.memory_space<vmem>>) attributes {dimension_semantics = [#tpu.dimension_semantics<arbitrary>], iteration_bounds = array<i64: 18>, scalar_prefetch = 0 : i64, scratch_operands = 0 : i64, tpu.core_type = #tpu.core_type<tc>, window_params = [{transform_indices = @transform_0, window_bounds = array<i64: 512, 64>}, {transform_indices = @transform_1, window_bounds = array<i64: 512, 64>}, {transform_indices = @transform_2, window_bounds = array<i64: 512, 128>}, {transform_indices = @transform_3, window_bounds = array<i64: 512, 64>}]} {
    %get3A = arith.constant 0 : index
    %get3A_0 = arith.constant 0 : index
    %get3A_1 = vector.load %arg1[%get3A, %get3A_0] : memref<512x64xf32, #tpu.memory_space<vmem>>, vector<512x64xf32>
    %get3A_2 = arith.constant 0 : index
    %get3A_3 = arith.constant 0 : index
    %get3A_4 = vector.load %arg2[%get3A_2, %get3A_3] : memref<512x64xf32, #tpu.memory_space<vmem>>, vector<512x64xf32>
    %sub3A = arith.subf %get3A_1, %get3A_4 : vector<512x64xf32>
    %get3A_5 = arith.constant 0 : index
    %get3A_6 = arith.constant 0 : index
    %get3A_7 = vector.load %arg3[%get3A_5, %get3A_6] : memref<512x128xf32, #tpu.memory_space<vmem>>, vector<512x64xf32>
    %add3A = arith.addf %sub3A, %get3A_7 : vector<512x64xf32>
    %swap3A = arith.constant 0 : index
    %swap3A_8 = arith.constant 0 : index
    %swap3A_9 = vector.load %arg4[%swap3A, %swap3A_8] : memref<512x64xf32, #tpu.memory_space<vmem>>, vector<512x64xf32>
    tpu.vector_store %arg4[%swap3A, %swap3A_8], %add3A {strides = array<i32>} : memref<512x64xf32, #tpu.memory_space<vmem>>, vector<512x64xf32>,
    return
  }
  func.func @transform_0(%arg0: i32) -> (i32, i32) {
    %c0_i32 = arith.constant 0 : i32
    %c0_i32_0 = arith.constant 0 : i32
    return %arg0, %c0_i32 : i32, i32
  }
  func.func @transform_1(%arg0: i32) -> (i32, i32) {
    %c0_i32 = arith.constant 0 : i32
    %c0_i32_0 = arith.constant 0 : i32
    return %arg0, %c0_i32 : i32, i32
  }
  func.func @transform_2(%arg0: i32) -> (i32, i32) {
    %c0_i32 = arith.constant 0 : i32
    %c0_i32_0 = arith.constant 0 : i32
    return %arg0, %c0_i32 : i32, i32
  }
  func.func @transform_3(%arg0: i32) -> (i32, i32) {
    %c0_i32 = arith.constant 0 : i32
    %c0_i32_0 = arith.constant 0 : i32
    return %arg0, %c0_i32 : i32, i32
  }
}

</mosaic_0001>

<sc_bundles>
// kernel: kernel.20.cloned.1.call-start
scs
__scs_entry_jumppad:
0x0: {  	(pc) =	sbr.rel $0x88, $3  }
0x1: {  	(tag) =	ssettag $0x0;
	lr =	simm.s32 $0x1  }
0x2: {  	[smem:$0x3F9F] =	sst lr;
	_ =	strace $0xD0000000  }
0x3: {  	_ = 	snop  }
0x4: {  	_ = 	snop  }
0x5: {  	_ = 	snop  }
0x6: {  	_ = 	snop  }
0x7: {  	_ = 	snop  }
__scs_overlays_trampoline_lowered:
0x8: {  	[smem:$0x3FAE] =	sst s0  }
0x9: {  	[smem:$0x3FAF] =	sst s1  }
0xa: {  	[smem:$0x3FB0] =	sst s2  }
0xb: {  	[smem:$0x3FB1] =	sst s3  }
0xc: {  	[smem:$0x3FB2] =	sst s4  }
0xd: {  	[smem:$0x3FB3] =	sst s5  }
0xe: {  	[smem:$0x3FB4] =	sst s6  }
0xf: {  	[smem:$0x3FB5] =	sst s7  }
0x10: {  	[smem:$0x3FB6] =	sst s8  }
0x11: {  	[smem:$0x3FB7] =	sst s9;
	s0 =	simm.s32 @!p0 $0x0  }
0x12: {  	s1 =	sld [smem:$0x3F9D];
	s0 =	simm.s32 @p0 $0x1  }
0x13: {  	[smem:$0x3FB8] =	sst s0;
	s0 =	simm.s32 @!p1 $0x0  }
0x14: {  	s2 =	sld [smem:$0x3F9C];
	s0 =	simm.s32 @p1 $0x1  }
0x15: {  	[smem:$0x3FB9] =	sst s0;
	s0 =	simm.s32 @!p2 $0x0  }
0x16: {  	s3 =	sld [smem:$0x3FDB];
	s0 =	simm.s32 @p2 $0x1  }
0x17: {  	s4 =	simm.s32 $0x1BF5;
	[smem:$0x3FBB] =	sst s0  }
0x18: {  	s0 =	sld [smem:$0x3F9E];
	_ =	swait.ge [sflag:s4], $0x0  }
0x19: {  	s7 =	sld [smem:$0x3F9F]  }
0x1a: {  	s8 =	sadd.s32 $0xFFFFE003, lr  }
0x1b: {  	s9 =	sadd.s32 $0xFFFFFEF7, lr;
	s5 =	simm.s32 $0xFFFFFFFF;
	p2 =	slt.u32 s8, $0xFFFFF086  }
0x1c: {  	p1 =	slt.u32 s9, $0xF7A;
	s5 =	simm.s32 @!p2 $0x0  }
0x1d: {  	s5 =	simm.s32 @p1 $0x1;
	p0 =	seq.s32 s7, s2  }
0x1e: {  	s7 =	smul.u32 @!p0 $0xF7A, s2;
	p2 =	seq.s32 @!p0 s5, $0x0  }
0x1f: {  	s9 =	smul.u32 $0xF7A, s1;
	s8 =	simm.s32 @!p0 $0x1BF5;
	p2 =	por !p2, p0  }
0x20: {  	[sflag:s8] =	ssyncset.s32 @!p0 $0xFFFFF086;
	s6 =	sadd.s32 @!p0 s3, s7;
	s7 =	simm.s32 @!p0 $0x108  }
0x21: {  	s3 =	sadd.s32 s3, s9;
	s6 =	sadd.s32 @!p0 $0x88, s6;
	s7 =	simm.s32 @p2 $0x1082  }
0x22: {  	[simem:s7], [sflag:s8] =	dma.local @!p0 [hbm:s6], $0xF7A  }
0x23: {  	s9 =	sor.u32 $0xD0000000, s2;
	s6 =	simm.s32 $0x108;
	_ =	swait.ge @!p0 [sflag:s8], $0x0  }
0x24: {  	s3 =	sadd.s32 $0x88, s3;
	s6 =	simm.s32 @!p1 $0x1082;
	[sflag:s4] =	ssyncset.s32 $0xFFFFF086  }
0x25: {  	[simem:s6], [sflag:s4] =	dma.local [hbm:s3], $0xF7A  }
0x26: {  	[smem:$0x3F9F] =	sst s1;
	(tag) =	ssettag s2;
	_ =	strace s9  }
0x27: {  	s1 =	sld [smem:$0x3FAF]  }
0x28: {  	s2 =	sld [smem:$0x3FB0]  }
0x29: {  	s4 =	sld [smem:$0x3FB2]  }
0x2a: {  	p0 =	seq.s32 s5, $0x0;
	s5 =	sld [smem:$0x3FB3]  }
0x2b: {  	s6 =	sld [smem:$0x3FB4]  }
0x2c: {  	s7 =	sld [smem:$0x3FB5]  }
0x2d: {  	s3 =	simm.s32 $0x108;
	s8 =	sld [smem:$0x3FB6]  }
0x2e: {  	s3 =	simm.s32 @!p0 $0x1082;
	s9 =	sld [smem:$0x3FB7]  }
0x2f: {  	lr =	sadd.s32 s0, s3;
	s0 =	sld [smem:$0x3FAE]  }
0x30: {  	s3 =	sld [smem:$0x3FB1]  }
0x31: {  	[smem:$0x3FBA] =	sst s10  }
0x32: {  	s10 =	sld [smem:$0x3FB8];
	_ =	sdelay $0x3  }
0x33: {  	p0 =	seq.s32 s10, $0x1;
	s10 =	sld [smem:$0x3FBA];
	_ =	sdelay $0x3  }
0x34: {  	[smem:$0x3FBA] =	sst s10  }
0x35: {  	s10 =	sld [smem:$0x3FB9];
	_ =	sdelay $0x3  }
0x36: {  	p1 =	seq.s32 s10, $0x1;
	s10 =	sld [smem:$0x3FBA];
	_ =	sdelay $0x3  }
0x37: {  	[smem:$0x3FBA] =	sst s10  }
0x38: {  	s10 =	sld [smem:$0x3FBB]  }
0x39: {  	_ = 	snop;
	(pc) =	sbr.ind lr, $3  }
0x3a: {  	_ = 	snop  }
0x3b: {  	_ = 	snop  }
0x3c: {  	p2 =	seq.s32 s10, $0x1;
	s10 =	sld [smem:$0x3FBA]  }
0x3d: {  	_ =	shalt  }
0x3e: {  	_ =	shalt  }
0x3f: {  	_ =	shalt  }
0x40: {  	_ =	shalt  }
0x41: {  	_ =	shalt  }
0x42: {  	_ =	shalt  }
0x43: {  	_ =	shalt  }
0x44: {  	_ =	shalt  }
0x45: {  	_ =	shalt  }
0x46: {  	_ =	shalt  }
0x47: {  	_ =	shalt  }
0x48: {  	_ =	shalt  }
0x49: {  	_ =	shalt  }
0x4a: {  	_ =	shalt  }
0x4b: {  	_ =	shalt  }
0x4c: {  	_ =	shalt  }
0x4d: {  	_ =	shalt  }
0x4e: {  	_ =	shalt  }
0x4f: {  	_ =	shalt  }
0x50: {  	_ =	shalt  }
0x51: {  	_ =	shalt  }
0x52: {  	_ =	shalt  }
0x53: {  	_ =	shalt  }
0x54: {  	_ =	shalt  }
0x55: {  	_ =	shalt  }
0x56: {  	_ =	shalt  }
0x57: {  	_ =	shalt  }
0x58: {  	_ =	shalt  }
0x59: {  	_ =	shalt  }
0x5a: {  	_ =	shalt  }
0x5b: {  	_ =	shalt  }
0x5c: {  	_ =	shalt  }
0x5d: {  	_ =	shalt  }
0x5e: {  	_ =	shalt  }
0x5f: {  	_ =	shalt  }
0x60: {  	_ =	shalt  }
0x61: {  	_ =	shalt  }
0x62: {  	_ =	shalt  }
0x63: {  	_ =	shalt  }
0x64: {  	_ =	shalt  }
0x65: {  	_ =	shalt  }
0x66: {  	_ =	shalt  }
0x67: {  	_ =	shalt  }
0x68: {  	_ =	shalt  }
0x69: {  	_ =	shalt  }
0x6a: {  	_ =	shalt  }
0x6b: {  	_ =	shalt  }
0x6c: {  	_ =	shalt  }
0x6d: {  	_ =	shalt  }
0x6e: {  	_ =	shalt  }
0x6f: {  	_ =	shalt  }
0x70: {  	_ =	shalt  }
0x71: {  	_ =	shalt  }
0x72: {  	_ =	shalt  }
0x73: {  	_ =	shalt  }
0x74: {  	_ =	shalt  }
0x75: {  	_ =	shalt  }
0x76: {  	_ =	shalt  }
0x77: {  	_ =	shalt  }
0x78: {  	_ =	shalt  }
0x79: {  	_ =	shalt  }
0x7a: {  	_ =	shalt  }
0x7b: {  	_ =	shalt  }
0x7c: {  	_ =	shalt  }
0x7d: {  	_ =	shalt  }
0x7e: {  	_ =	shalt  }
0x7f: {  	_ =	shalt  }
0x80: {  	_ =	shalt  }
0x81: {  	_ =	shalt  }
0x82: {  	_ =	shalt  }
0x83: {  	_ =	shalt  }
0x84: {  	_ =	shalt  }
0x85: {  	_ =	shalt  }
0x86: {  	_ =	shalt  }
0x87: {  	_ =	shalt  }
.Lfunc_end0:
.L_simem_size_0:
called_computation_lowered:
.L_overlay_start_0:
0x88: {  	s2 =	sld [smem:$0x3FD9]  }
0x89: {  	s3 =	sld [smem:$0x3FFE];
	_ =	sdelay $0x1  }
0x8a: {  	s1 =	srdreg.scid  }
0x8b: {  	s0 =	sand.u32 $0x1, s1  }
0x8c: {  	s16 =	sshll.u32 s0, $0xA;
	s2 =	sadd.s32 s3, s2  }
0x8d: {  	s2 =	sadd.s32 s2, s16  }
0x8e: {  	[smem:$0x3FC6] =	sst s2  }
0x8f: {  	_ = 	snop  }
0x90: {  	(tm) =	ssettm $0x1  }
0x91: {  	s17 =	sld [smem:$0x3FFB];
	_ =	sdelay $0x3  }
0x92: {  	_ =	strace s17  }
0x93: {  	s2 =	sld [smem:$0x3FFC];
	_ =	sdelay $0x3  }
0x94: {  	_ =	strace s2  }
0x95: {  	s2 =	sld [smem:$0x3FFD];
	_ =	sdelay $0x3  }
0x96: {  	_ =	strace s2  }
0x97: {  	_ =	strace $0x8FFFFFFF  }
0x98: {  	s18 =	sld [smem:$0x3FDB];
	_ =	sdelay $0x1  }
0x99: {  	s19 =	simm.s32 $_scs_section_size  }
0x9a: {  	s4 =	simm.s32 $_size__tile_overlayer_lowered;
	s5 =	simm.s32 $_tile_overlayer_lowered  }
0x9b: {  	s22 =	simm.s32 $0x1BFF;
	s21 =	sshll.u32 s5, $0x1;
	s2 =	sadd.s32 s19, s18  }
0x9c: {  	s6 =	simm.s32 $0x0;
	s20 =	sshll.u32 s4, $0x1;
	s4 =	sadd.s32 s21, s2  }
0x9d: {  	[timem:s6], [sflag:s22] =	dma.local [hbm:s4], s20  }
0x9e: {  	_ =	swait.ge [sflag:s22], s20  }
0x9f: {  	s3 =	ssub.s32 $0x0, s20;
	[sflag:s22] =	ssyncset.done $0x0  }
0xa0: {  	[sflag:s22] =	ssyncadd.s32 s3;
	_ =	sdelay $0x1  }
0xa1: {  	s23 =	simm.s32 $0x1B8B  }
0xa2: {  	_ =	swait.ge [sflag:s23], $0x1  }
0xa3: {  	[sflag:s23] =	ssyncset.done $0x0  }
0xa4: {  	s25 =	simm.s32 $0x1B8E;
	s24 =	sld [smem:$0x3FFE];
	[sflag:s23] =	ssyncadd.s32 $0xFFFFFFFF  }
0xa5: {  	s26 =	simm.s32 $execute0_lowered;
	[smem:$0x3FD2] =	sst s25  }
0xa6: {  	s4 =	sshll.u32 s26, $0x1;
	_ =	strace $0x80000046;
	[dreg:$0x1] =	wrdreg $0xFFFFFFFF  }
0xa7: {  	s28 =	simm.s32 $_size_execute0_lowered;
	s2 =	sadd.s32 s2, s4;
	[dreg:$0x0] =	wrdreg $0x0  }
0xa8: {  	s4 =	sshll.u32 s28, $0x1;
	[dreg:$0x2] =	wrdreg s2  }
0xa9: {  	[dreg:$0x3] =	wrdreg s4  }
0xaa: {  	[dreg:$0x4] =	wrdreg $0xC0  }
0xab: {  	_ =	task [dreg:s6], $0x5FFFF  }
0xac: {  	[dreg:$0x1] =	wrdreg $0xFFFFFFFF  }
0xad: {  	[dreg:$0x0] =	wrdreg $0x60  }
0xae: {  	[dreg:$0x2] =	wrdreg s24  }
0xaf: {  	[dreg:$0x3] =	wrdreg $0xA  }
0xb0: {  	_ =	task.clear_ibuf [dreg:s6], $0x4FFFF;
	_ =	strace $0x90000046  }
0xb1: {  	s29 =	simm.s32 $0xA;
	_ =	strace $0x80000048  }
0xb2: {  	_ =	swait.ge [sflag:s29], $0x1  }
0xb3: {  	[sflag:s29] =	ssyncadd.s32 $0xFFFFFFFF  }
0xb4: {  	_ =	strace $0x90000048  }
0xb5: {  	_ =	sfence  }
0xb6: {  	s30 =	sld [smem:$0x0];
	_ =	sdelay $0x2  }
0xb7: {  	s31 =	sshll.u32 s1, $0xD;
	s1 =	sshrl.u32 s1, $0x2  }
0xb8: {  	s3 =	sand.u32 $0x4000, s31;
	s1 =	sadd.s32 s1, s30  }
0xb9: {  	s0 =	sor.u32 s3, s0;
	s1 =	sshll.u32 s1, $0x11  }
0xba: {  	s0 =	sor.u32 s1, s0  }
0xbb: {  	s0 =	sadd.s32 $0x8F2B, s0  }
0xbc: {  	[sflag:s0] =	ssyncadd.remote.s32 $0x1  }
0xbd: {  	_ =	sfence.sel $0xFFFF  }
0xbe: {  	[dreg:$0x0] =	wrdreg $0xFFFFFFFF;
	(pc) =	sbr.abs _section_cstart, $3  }
0xbf: {  	[dreg:$0x1] =	wrdreg $0xFFFFFFFF  }
0xc0: {  	_ =	task.clear_ibuf [dreg:s6], $0x2FFFF;
	_ =	strace $0x9FFFFFFF  }
0xc1: {  	(tm) =	ssettm $0x7FFFFFFF  }
tec
execute0_lowered:
.L_overlay_start_1:
0x0: {  	(tag) =	ssettag $0x1  }
0x1: {  	s1 =	srdreg.scid;
	s0 =	stileid.u32  }
0x2: {  	s13 =	sand.u32 $0x1, s1;
	s29 =	sshll.u32 s0, $0x1  }
0x3: {  	s14 =	rddreg [dreg:$0x0];
	s15 =	sor.u32 s13, s29  }
0x4: {  	s2 =	simm.s32 $0x0;
	s1 =	rddreg [dreg:$0x1];
	s3 =	sshll.u32 s15, $0x6  }
0x5: {  	[smem:$0x7FF] =	sst s2;
	s3 =	sadd.s32 s3, s14  }
0x6: {  	_ =	strace $0x80000047;
	s4 =	sadd.s32 $0x13400, s3;
	s3 =	simm.s32 $0x2  }
0x7: {  	[tilespmem:s2], [sflag:$0x2] =	stream.linear.gather [hbm4b:s4+s2], $0x180, $0x38;
	[tilespmem:$0x9200] =	vst v63  }
0x8: {  	_ =	swait.ge [sflag:s3], $0x180  }
0x9: {  	s6 =	simm.s32 $0x60;
	[sflag:s3] =	ssyncset.done $0x0  }
0xa: {  	s7 =	simm.s32 $0x200;
	s5 =	sadd.s32 $0x3400, s14;
	[sflag:s3] =	ssyncadd.s32 $0xFFFFFE80  }
0xb: {  	[tilespmem:s7], [sflag:$0x1] =	stream.indirect.gather [hbm4b:s5+s6], $0x80, s2, s6, $0xb8;
	[tilespmem:$0x9200] =	vst v63  }
0xc: {  	s8 =	simm.s32 $0x80;
	s9 =	simm.s32 $0x3200  }
0xd: {  	[tilespmem:s9], [sflag:$0x1] =	stream.indirect.gather [hbm4b:s5+s6], $0x80, s8, s6, $0xb8;
	[tilespmem:$0x9200] =	vst v63  }
0xe: {  	s10 =	simm.s32 $0x100;
	s11 =	simm.s32 $0x6200;
	s12 =	simm.s32 $0x1  }
0xf: {  	[tilespmem:s11], [sflag:$0x1] =	stream.indirect.gather [hbm4b:s5+s6], $0x80, s10, s6, $0xb8;
	[tilespmem:$0x9200] =	vst v63  }
0x10: {  	_ =	swait.ge [sflag:s12], $0x3000  }
0x11: {  	[sflag:s12] =	ssyncset.done $0x0  }
0x12: {  	s13 =	ssub.s32 $0x2, s13;
	[sflag:s12] =	ssyncadd.s32 $0xFFFFD000  }
0x13: {  	s16 =	sshrl.u32 s13, $0x1;
	_ =	swait.ge [sflag:s12], $0x3000  }
0x14: {  	s30 =	ssub.s32 s13, s16;
	[sflag:s12] =	ssyncset.done $0x0  }
0x15: {  	s15 =	smul.u32 $0x1200, s15;
	s31 =	smax.u32 s30, $0x1;
	[sflag:s12] =	ssyncadd.s32 $0xFFFFD000  }
0x16: {  	p0 =	sne.s32 s31, $0x1;
	_ =	swait.ge [sflag:s12], $0x3000  }
.Ltmp0:
0x17: {  	s14 =	sadd.s32 s15, s14;
	[sflag:s12] =	ssyncset.done $0x0;
	(pc) =	sbr.rel @!p0 .LBB2_2-.Ltmp0, $4  }
0x18: {  	s13 =	sadd.s32 $0x13C00, s14;
	[sflag:s12] =	ssyncadd.s32 $0xFFFFD000  }
0x19: {  	[hbm4b:s13+s2] =	stream.linear.scatter [tilespmem:s7], [sflag:$0x2], $0x9000, $0x38;
	[tilespmem:$0x9200] =	vst v63  }
0x1a: {  	_ =	swait.ge [sflag:s3], $0x9000  }
0x1b: {  	s14 =	sadd.s32 $0xFFFFFFFF, s31;
	[sflag:s3] =	ssyncset.done $0x0  }
.LBB2_1:
0x1c: {  	p0 =	sne.s32 s14, $0x1;
	s14 =	sadd.s32 $0xFFFFFFFF, s14;
	[sflag:s3] =	ssyncadd.s32 $0xFFFF7000  }
0x1d: {  	[tilespmem:s2], [sflag:$0x2] =	stream.linear.gather [hbm4b:s4+s2], $0x180, $0x38;
	[tilespmem:$0x9200] =	vst v63  }
0x1e: {  	_ =	swait.ge [sflag:s3], $0x180  }
0x1f: {  	[sflag:s3] =	ssyncset.done $0x0  }
0x20: {  	[sflag:s3] =	ssyncadd.s32 $0xFFFFFE80  }
0x21: {  	[tilespmem:s7], [sflag:$0x1] =	stream.indirect.gather [hbm4b:s5+s6], $0x80, s2, s6, $0xb8;
	[tilespmem:$0x9200] =	vst v63  }
0x22: {  	_ = 	snop  }
0x23: {  	[tilespmem:s9], [sflag:$0x1] =	stream.indirect.gather [hbm4b:s5+s6], $0x80, s8, s6, $0xb8;
	[tilespmem:$0x9200] =	vst v63  }
0x24: {  	_ = 	snop  }
0x25: {  	[tilespmem:s11], [sflag:$0x1] =	stream.indirect.gather [hbm4b:s5+s6], $0x80, s10, s6, $0xb8;
	[tilespmem:$0x9200] =	vst v63  }
0x26: {  	_ =	swait.ge [sflag:s12], $0x3000  }
0x27: {  	[sflag:s12] =	ssyncset.done $0x0  }
0x28: {  	[sflag:s12] =	ssyncadd.s32 $0xFFFFD000  }
0x29: {  	_ =	swait.ge [sflag:s12], $0x3000  }
0x2a: {  	[sflag:s12] =	ssyncset.done $0x0  }
0x2b: {  	[sflag:s12] =	ssyncadd.s32 $0xFFFFD000  }
0x2c: {  	_ =	swait.ge [sflag:s12], $0x3000  }
.Ltmp1:
0x2d: {  	[sflag:s12] =	ssyncset.done $0x0;
	(pc) =	sbr.rel @p0 .LBB2_1-.Ltmp1, $4  }
0x2e: {  	[sflag:s12] =	ssyncadd.s32 $0xFFFFD000  }
0x2f: {  	[hbm4b:s13+s2] =	stream.linear.scatter [tilespmem:s7], [sflag:$0x2], $0x9000, $0x38;
	[tilespmem:$0x9200] =	vst v63  }
0x30: {  	_ =	swait.ge [sflag:s3], $0x9000  }
0x31: {  	[sflag:s3] =	ssyncset.done $0x0  }
.LBB2_2:
0x32: {  	[sflag:s3] =	ssyncadd.s32 $0xFFFF7000  }
0x33: {  	_ =	sfence.sel $0x180000  }
0x34: {  	[bflag:$0x0] =	sbarrier.arrive $0xFFFF  }
0x35: {  	p0 =	sne.s32 s0, $0x0;
	_ =	strace $0x90000047  }
0x36: {  	s0 =	sadd.s32 @!p0 $0x100000, s1;
	[bflag:$0x2] =	sbarrier.arrive $0xFFFF  }
0x37: {  	[sflag:s0] =	ssyncadd.tile.s32 @!p0 $0x1;
	_ =	shalt  }
.Lfunc_end2:
_tile_overlayer_lowered:
.L_overlay_start_2:
0x38: {  	(tag) =	ssettag $0x2  }
0x39: {  	s0 =	rddreg [dreg:$0x0];
	s2 =	stileid.u32  }
0x3a: {  	s1 =	rddreg [dreg:$0x1];
	p0 =	sne.s32 s2, $0x0  }
0x3b: {  	s3 =	rddreg [dreg:$0x2];
	[bflag:$0x3] =	sbarrier.arrive $0xFFFF;
	s2 =	simm.s32 @!p0 $0x1C02  }
0x3c: {  	[timem:s3], [sflag:s2] =	dma.local @!p0 [hbm:s0], s1  }
0x3d: {  	s0 =	simm.s32 @!p0 $0x2  }
0x3e: {  	_ =	swait.ge @!p0 [sflag:s0], s1  }
0x3f: {  	s1 =	ssub.s32 @!p0 $0x0, s1;
	[sflag:s0] =	ssyncset.done @!p0 $0x0  }
0x40: {  	[sflag:s0] =	ssyncadd.s32 @!p0 s1  }
0x41: {  	[bflag:$0x3] =	sbarrier.arrive $0xFFFF  }
0x42: {  	_ =	shalt  }

// kernel: kernel.23.cloned.1.call-start
scs
__scs_entry_jumppad:
0x0: {  	(pc) =	sbr.rel $0x88, $3  }
0x1: {  	(tag) =	ssettag $0x0;
	lr =	simm.s32 $0x1  }
0x2: {  	[smem:$0x3F9F] =	sst lr;
	_ =	strace $0xD0000000  }
0x3: {  	_ = 	snop  }
0x4: {  	_ = 	snop  }
0x5: {  	_ = 	snop  }
0x6: {  	_ = 	snop  }
0x7: {  	_ = 	snop  }
__scs_overlays_trampoline_lowered:
0x8: {  	[smem:$0x3FAE] =	sst s0  }
0x9: {  	[smem:$0x3FAF] =	sst s1  }
0xa: {  	[smem:$0x3FB0] =	sst s2  }
0xb: {  	[smem:$0x3FB1] =	sst s3  }
0xc: {  	[smem:$0x3FB2] =	sst s4  }
0xd: {  	[smem:$0x3FB3] =	sst s5  }
0xe: {  	[smem:$0x3FB4] =	sst s6  }
0xf: {  	[smem:$0x3FB5] =	sst s7  }
0x10: {  	[smem:$0x3FB6] =	sst s8  }
0x11: {  	[smem:$0x3FB7] =	sst s9;
	s0 =	simm.s32 @!p0 $0x0  }
0x12: {  	s1 =	sld [smem:$0x3F9D];
	s0 =	simm.s32 @p0 $0x1  }
0x13: {  	[smem:$0x3FB8] =	sst s0;
	s0 =	simm.s32 @!p1 $0x0  }
0x14: {  	s2 =	sld [smem:$0x3F9C];
	s0 =	simm.s32 @p1 $0x1  }
0x15: {  	[smem:$0x3FB9] =	sst s0;
	s0 =	simm.s32 @!p2 $0x0  }
0x16: {  	s3 =	sld [smem:$0x3FDB];
	s0 =	simm.s32 @p2 $0x1  }
0x17: {  	s4 =	simm.s32 $0x1BF5;
	[smem:$0x3FBB] =	sst s0  }
0x18: {  	s0 =	sld [smem:$0x3F9E];
	_ =	swait.ge [sflag:s4], $0x0  }
0x19: {  	s7 =	sld [smem:$0x3F9F]  }
0x1a: {  	s8 =	sadd.s32 $0xFFFFE003, lr  }
0x1b: {  	s9 =	sadd.s32 $0xFFFFFEF7, lr;
	s5 =	simm.s32 $0xFFFFFFFF;
	p2 =	slt.u32 s8, $0xFFFFF086  }
0x1c: {  	p1 =	slt.u32 s9, $0xF7A;
	s5 =	simm.s32 @!p2 $0x0  }
0x1d: {  	s5 =	simm.s32 @p1 $0x1;
	p0 =	seq.s32 s7, s2  }
0x1e: {  	s7 =	smul.u32 @!p0 $0xF7A, s2;
	p2 =	seq.s32 @!p0 s5, $0x0  }
0x1f: {  	s9 =	smul.u32 $0xF7A, s1;
	s8 =	simm.s32 @!p0 $0x1BF5;
	p2 =	por !p2, p0  }
0x20: {  	[sflag:s8] =	ssyncset.s32 @!p0 $0xFFFFF086;
	s6 =	sadd.s32 @!p0 s3, s7;
	s7 =	simm.s32 @!p0 $0x108  }
0x21: {  	s3 =	sadd.s32 s3, s9;
	s6 =	sadd.s32 @!p0 $0x88, s6;
	s7 =	simm.s32 @p2 $0x1082  }
0x22: {  	[simem:s7], [sflag:s8] =	dma.local @!p0 [hbm:s6], $0xF7A  }
0x23: {  	s9 =	sor.u32 $0xD0000000, s2;
	s6 =	simm.s32 $0x108;
	_ =	swait.ge @!p0 [sflag:s8], $0x0  }
0x24: {  	s3 =	sadd.s32 $0x88, s3;
	s6 =	simm.s32 @!p1 $0x1082;
	[sflag:s4] =	ssyncset.s32 $0xFFFFF086  }
0x25: {  	[simem:s6], [sflag:s4] =	dma.local [hbm:s3], $0xF7A  }
0x26: {  	[smem:$0x3F9F] =	sst s1;
	(tag) =	ssettag s2;
	_ =	strace s9  }
0x27: {  	s1 =	sld [smem:$0x3FAF]  }
0x28: {  	s2 =	sld [smem:$0x3FB0]  }
0x29: {  	s4 =	sld [smem:$0x3FB2]  }
0x2a: {  	p0 =	seq.s32 s5, $0x0;
	s5 =	sld [smem:$0x3FB3]  }
0x2b: {  	s6 =	sld [smem:$0x3FB4]  }
0x2c: {  	s7 =	sld [smem:$0x3FB5]  }
0x2d: {  	s3 =	simm.s32 $0x108;
	s8 =	sld [smem:$0x3FB6]  }
0x2e: {  	s3 =	simm.s32 @!p0 $0x1082;
	s9 =	sld [smem:$0x3FB7]  }
0x2f: {  	lr =	sadd.s32 s0, s3;
	s0 =	sld [smem:$0x3FAE]  }
0x30: {  	s3 =	sld [smem:$0x3FB1]  }
0x31: {  	[smem:$0x3FBA] =	sst s10  }
0x32: {  	s10 =	sld [smem:$0x3FB8];
	_ =	sdelay $0x3  }
0x33: {  	p0 =	seq.s32 s10, $0x1;
	s10 =	sld [smem:$0x3FBA];
	_ =	sdelay $0x3  }
0x34: {  	[smem:$0x3FBA] =	sst s10  }
0x35: {  	s10 =	sld [smem:$0x3FB9];
	_ =	sdelay $0x3  }
0x36: {  	p1 =	seq.s32 s10, $0x1;
	s10 =	sld [smem:$0x3FBA];
	_ =	sdelay $0x3  }
0x37: {  	[smem:$0x3FBA] =	sst s10  }
0x38: {  	s10 =	sld [smem:$0x3FBB]  }
0x39: {  	_ = 	snop;
	(pc) =	sbr.ind lr, $3  }
0x3a: {  	_ = 	snop  }
0x3b: {  	_ = 	snop  }
0x3c: {  	p2 =	seq.s32 s10, $0x1;
	s10 =	sld [smem:$0x3FBA]  }
0x3d: {  	_ =	shalt  }
0x3e: {  	_ =	shalt  }
0x3f: {  	_ =	shalt  }
0x40: {  	_ =	shalt  }
0x41: {  	_ =	shalt  }
0x42: {  	_ =	shalt  }
0x43: {  	_ =	shalt  }
0x44: {  	_ =	shalt  }
0x45: {  	_ =	shalt  }
0x46: {  	_ =	shalt  }
0x47: {  	_ =	shalt  }
0x48: {  	_ =	shalt  }
0x49: {  	_ =	shalt  }
0x4a: {  	_ =	shalt  }
0x4b: {  	_ =	shalt  }
0x4c: {  	_ =	shalt  }
0x4d: {  	_ =	shalt  }
0x4e: {  	_ =	shalt  }
0x4f: {  	_ =	shalt  }
0x50: {  	_ =	shalt  }
0x51: {  	_ =	shalt  }
0x52: {  	_ =	shalt  }
0x53: {  	_ =	shalt  }
0x54: {  	_ =	shalt  }
0x55: {  	_ =	shalt  }
0x56: {  	_ =	shalt  }
0x57: {  	_ =	shalt  }
0x58: {  	_ =	shalt  }
0x59: {  	_ =	shalt  }
0x5a: {  	_ =	shalt  }
0x5b: {  	_ =	shalt  }
0x5c: {  	_ =	shalt  }
0x5d: {  	_ =	shalt  }
0x5e: {  	_ =	shalt  }
0x5f: {  	_ =	shalt  }
0x60: {  	_ =	shalt  }
0x61: {  	_ =	shalt  }
0x62: {  	_ =	shalt  }
0x63: {  	_ =	shalt  }
0x64: {  	_ =	shalt  }
0x65: {  	_ =	shalt  }
0x66: {  	_ =	shalt  }
0x67: {  	_ =	shalt  }
0x68: {  	_ =	shalt  }
0x69: {  	_ =	shalt  }
0x6a: {  	_ =	shalt  }
0x6b: {  	_ =	shalt  }
0x6c: {  	_ =	shalt  }
0x6d: {  	_ =	shalt  }
0x6e: {  	_ =	shalt  }
0x6f: {  	_ =	shalt  }
0x70: {  	_ =	shalt  }
0x71: {  	_ =	shalt  }
0x72: {  	_ =	shalt  }
0x73: {  	_ =	shalt  }
0x74: {  	_ =	shalt  }
0x75: {  	_ =	shalt  }
0x76: {  	_ =	shalt  }
0x77: {  	_ =	shalt  }
0x78: {  	_ =	shalt  }
0x79: {  	_ =	shalt  }
0x7a: {  	_ =	shalt  }
0x7b: {  	_ =	shalt  }
0x7c: {  	_ =	shalt  }
0x7d: {  	_ =	shalt  }
0x7e: {  	_ =	shalt  }
0x7f: {  	_ =	shalt  }
0x80: {  	_ =	shalt  }
0x81: {  	_ =	shalt  }
0x82: {  	_ =	shalt  }
0x83: {  	_ =	shalt  }
0x84: {  	_ =	shalt  }
0x85: {  	_ =	shalt  }
0x86: {  	_ =	shalt  }
0x87: {  	_ =	shalt  }
.Lfunc_end0:
.L_simem_size_0:
called_computation.1_lowered:
.L_overlay_start_0:
0x88: {  	s2 =	sld [smem:$0x3FD9]  }
0x89: {  	s3 =	sld [smem:$0x3FFE];
	_ =	sdelay $0x1  }
0x8a: {  	s1 =	srdreg.scid  }
0x8b: {  	s0 =	sand.u32 $0x1, s1  }
0x8c: {  	s17 =	sshll.u32 s0, $0xA;
	s2 =	sadd.s32 s3, s2  }
0x8d: {  	s2 =	sadd.s32 s2, s17  }
0x8e: {  	[smem:$0x3FC6] =	sst s2  }
0x8f: {  	_ = 	snop  }
0x90: {  	s18 =	sld [smem:$0x3FD0];
	(tm) =	ssettm $0x1  }
0x91: {  	s19 =	sld [smem:$0x3FFB];
	_ =	sdelay $0x3  }
0x92: {  	_ =	strace s19  }
0x93: {  	s2 =	sld [smem:$0x3FFC];
	_ =	sdelay $0x3  }
0x94: {  	_ =	strace s2  }
0x95: {  	s2 =	sld [smem:$0x3FFD];
	_ =	sdelay $0x3  }
0x96: {  	_ =	strace s2  }
0x97: {  	_ =	strace $0x8FFFFFFF  }
0x98: {  	s20 =	sld [smem:$0x3FDB];
	_ =	sdelay $0x1  }
0x99: {  	s4 =	simm.s32 $_scs_section_size  }
0x9a: {  	s5 =	simm.s32 $_size__tile_overlayer_lowered;
	s6 =	simm.s32 $_tile_overlayer_lowered  }
0x9b: {  	s7 =	simm.s32 $0x1BFF;
	s21 =	sshll.u32 s6, $0x1;
	s4 =	sadd.s32 s4, s20  }
0x9c: {  	s22 =	simm.s32 $0x0;
	s5 =	sshll.u32 s5, $0x1;
	s6 =	sadd.s32 s21, s4  }
0x9d: {  	[timem:s22], [sflag:s7] =	dma.local [hbm:s6], s5  }
0x9e: {  	_ =	swait.ge [sflag:s7], s5  }
0x9f: {  	s5 =	ssub.s32 $0x0, s5;
	[sflag:s7] =	ssyncset.done $0x0  }
0xa0: {  	[sflag:s7] =	ssyncadd.s32 s5;
	_ =	sdelay $0x1  }
0xa1: {  	s23 =	simm.s32 $0x1B8B  }
0xa2: {  	_ =	swait.ge [sflag:s23], $0x1  }
0xa3: {  	[sflag:s23] =	ssyncset.done $0x0  }
0xa4: {  	[sflag:s23] =	ssyncadd.s32 $0xFFFFFFFF  }
0xa5: {  	s5 =	sld [smem:$0x0]  }
0xa6: {  	s6 =	sand.u32 $0xFFFFFFFE, s1  }
0xa7: {  	p0 =	sne.s32 s1, s6  }
0xa8: {  	s6 =	sshll.u32 @p0 s6, $0xE  }
0xa9: {  	s6 =	sadd.s32 @p0 $0x11B8D, s6;
	s7 =	sshll.u32 @p0 s5, $0x11  }
0xaa: {  	s6 =	sor.u32 @p0 s7, s6  }
0xab: {  	[sflag:s6] =	ssyncadd.remote.s32 @p0 $0x1;
	_ =	sdelay $0x1  }
0xac: {  	s6 =	simm.s32 @p0 $0x1B8D  }
0xad: {  	_ =	swait.eq @p0 [sflag:s6], $0x1  }
0xae: {  	[sflag:s6] =	ssyncadd.s32 @p0 $0xFFFFFFFF  }
0xaf: {  	s7 =	sshll.u32 @!p0 s1, $0xE  }
0xb0: {  	s7 =	sor.u32 @!p0 $0x4000, s7;
	s6 =	simm.s32 @!p0 $0x1B8D  }
0xb1: {  	s5 =	sshll.u32 @!p0 s5, $0x11;
	s7 =	sadd.s32 @!p0 $0x11B8D, s7;
	_ =	swait.eq @!p0 [sflag:s6], $0x1  }
0xb2: {  	s5 =	sor.u32 @!p0 s5, s7;
	[sflag:s6] =	ssyncadd.s32 @!p0 $0xFFFFFFFF  }
0xb3: {  	s25 =	simm.s32 $0x1B8E;
	s24 =	sld [smem:$0x3FFE];
	[sflag:s5] =	ssyncadd.remote.s32 @!p0 $0x1  }
0xb4: {  	s26 =	simm.s32 $execute0_lowered;
	[smem:$0x3FD2] =	sst s25  }
0xb5: {  	s6 =	sshll.u32 s26, $0x1;
	_ =	strace $0x80000049;
	[dreg:$0x1] =	wrdreg $0xFFFFFFFF  }
0xb6: {  	s28 =	simm.s32 $_size_execute0_lowered;
	s4 =	sadd.s32 s4, s6;
	[dreg:$0x0] =	wrdreg $0x0  }
0xb7: {  	s6 =	sshll.u32 s28, $0x1;
	[dreg:$0x2] =	wrdreg s4  }
0xb8: {  	[dreg:$0x3] =	wrdreg s6  }
0xb9: {  	[dreg:$0x4] =	wrdreg $0xC0  }
0xba: {  	_ =	task [dreg:s22], $0x5FFFF  }
0xbb: {  	[dreg:$0x1] =	wrdreg $0xFFFFFFFF  }
0xbc: {  	[dreg:$0x0] =	wrdreg $0x60  }
0xbd: {  	[dreg:$0x2] =	wrdreg s24  }
0xbe: {  	[dreg:$0x3] =	wrdreg s18  }
0xbf: {  	[dreg:$0x4] =	wrdreg $0x9  }
0xc0: {  	_ =	task.clear_ibuf [dreg:s22], $0x5FFFF;
	_ =	strace $0x90000049  }
0xc1: {  	s29 =	simm.s32 $0x9;
	_ =	strace $0x8000004B  }
0xc2: {  	_ =	swait.ge [sflag:s29], $0x1  }
0xc3: {  	[sflag:s29] =	ssyncadd.s32 $0xFFFFFFFF  }
0xc4: {  	_ =	strace $0x9000004B  }
0xc5: {  	_ =	sfence  }
0xc6: {  	s30 =	sld [smem:$0x0];
	_ =	sdelay $0x2  }
0xc7: {  	s31 =	sshll.u32 s1, $0xD;
	s1 =	sshrl.u32 s1, $0x2  }
0xc8: {  	s4 =	sand.u32 $0x4000, s31;
	s1 =	sadd.s32 s1, s30  }
0xc9: {  	s0 =	sor.u32 s4, s0;
	s1 =	sshll.u32 s1, $0x11  }
0xca: {  	s0 =	sor.u32 s1, s0  }
0xcb: {  	s0 =	sadd.s32 $0x8F2B, s0  }
0xcc: {  	[sflag:s0] =	ssyncadd.remote.s32 $0x1  }
0xcd: {  	_ =	sfence.sel $0xFFFF  }
0xce: {  	[dreg:$0x0] =	wrdreg $0xFFFFFFFF;
	(pc) =	sbr.abs _section_cstart, $3  }
0xcf: {  	[dreg:$0x1] =	wrdreg $0xFFFFFFFF  }
0xd0: {  	_ =	task.clear_ibuf [dreg:s22], $0x2FFFF;
	_ =	strace $0x9FFFFFFF  }
0xd1: {  	(tm) =	ssettm $0x7FFFFFFF  }
tec
execute0_lowered:
.L_overlay_start_1:
0x0: {  	(tag) =	ssettag $0x1  }
0x1: {  	s1 =	srdreg.scid;
	s0 =	stileid.u32  }
0x2: {  	s5 =	rddreg [dreg:$0x0];
	s13 =	sand.u32 $0x1, s1;
	s30 =	sshll.u32 s0, $0x1  }
0x3: {  	s14 =	rddreg [dreg:$0x1];
	s15 =	sor.u32 s13, s30  }
0x4: {  	s2 =	simm.s32 $0x0;
	s1 =	rddreg [dreg:$0x2];
	s3 =	sshll.u32 s15, $0x6  }
0x5: {  	[smem:$0x7FF] =	sst s2;
	s3 =	sadd.s32 s3, s5  }
0x6: {  	_ =	strace $0x8000004A;
	s4 =	sadd.s32 $0x37C00, s3;
	s3 =	simm.s32 $0x2  }
0x7: {  	[tilespmem:s2], [sflag:$0x2] =	stream.linear.gather [hbm4b:s4+s2], $0x180, $0x38;
	[tilespmem:$0x9200] =	vst v63  }
0x8: {  	_ =	swait.ge [sflag:s3], $0x180  }
0x9: {  	s6 =	simm.s32 $0x60;
	[sflag:s3] =	ssyncset.done $0x0  }
0xa: {  	s7 =	simm.s32 $0x200;
	s5 =	sadd.s32 $0x3400, s5;
	[sflag:s3] =	ssyncadd.s32 $0xFFFFFE80  }
0xb: {  	[tilespmem:s7], [sflag:$0x1] =	stream.indirect.gather [hbm4b:s5+s6], $0x80, s2, s6, $0xb8;
	[tilespmem:$0x9200] =	vst v63  }
0xc: {  	s8 =	simm.s32 $0x80;
	s9 =	simm.s32 $0x3200  }
0xd: {  	[tilespmem:s9], [sflag:$0x1] =	stream.indirect.gather [hbm4b:s5+s6], $0x80, s8, s6, $0xb8;
	[tilespmem:$0x9200] =	vst v63  }
0xe: {  	s10 =	simm.s32 $0x100;
	s11 =	simm.s32 $0x6200;
	s12 =	simm.s32 $0x1  }
0xf: {  	[tilespmem:s11], [sflag:$0x1] =	stream.indirect.gather [hbm4b:s5+s6], $0x80, s10, s6, $0xb8;
	[tilespmem:$0x9200] =	vst v63  }
0x10: {  	_ =	swait.ge [sflag:s12], $0x3000  }
0x11: {  	[sflag:s12] =	ssyncset.done $0x0  }
0x12: {  	s13 =	ssub.s32 $0x2, s13;
	[sflag:s12] =	ssyncadd.s32 $0xFFFFD000  }
0x13: {  	s16 =	sshrl.u32 s13, $0x1;
	_ =	swait.ge [sflag:s12], $0x3000  }
0x14: {  	s16 =	ssub.s32 s13, s16;
	[sflag:s12] =	ssyncset.done $0x0  }
0x15: {  	s31 =	smax.u32 s16, $0x1;
	[sflag:s12] =	ssyncadd.s32 $0xFFFFD000  }
0x16: {  	s15 =	smul.u32 $0x1200, s15;
	p0 =	sne.s32 s31, $0x1;
	_ =	swait.ge [sflag:s12], $0x3000  }
.Ltmp0:
0x17: {  	[sflag:s12] =	ssyncset.done $0x0;
	(pc) =	sbr.rel @!p0 .LBB2_2-.Ltmp0, $4  }
0x18: {  	s13 =	sadd.s32 s14, s15;
	[sflag:s12] =	ssyncadd.s32 $0xFFFFD000  }
0x19: {  	[hbm4b:s13+s2] =	stream.linear.scatter [tilespmem:s7], [sflag:$0x2], $0x9000, $0x38;
	[tilespmem:$0x9200] =	vst v63  }
0x1a: {  	_ =	swait.ge [sflag:s3], $0x9000  }
0x1b: {  	s14 =	sadd.s32 $0xFFFFFFFF, s31;
	[sflag:s3] =	ssyncset.done $0x0  }
.LBB2_1:
0x1c: {  	p0 =	sne.s32 s14, $0x1;
	s14 =	sadd.s32 $0xFFFFFFFF, s14;
	[sflag:s3] =	ssyncadd.s32 $0xFFFF7000  }
0x1d: {  	[tilespmem:s2], [sflag:$0x2] =	stream.linear.gather [hbm4b:s4+s2], $0x180, $0x38;
	[tilespmem:$0x9200] =	vst v63  }
0x1e: {  	_ =	swait.ge [sflag:s3], $0x180  }
0x1f: {  	[sflag:s3] =	ssyncset.done $0x0  }
0x20: {  	[sflag:s3] =	ssyncadd.s32 $0xFFFFFE80  }
0x21: {  	[tilespmem:s7], [sflag:$0x1] =	stream.indirect.gather [hbm4b:s5+s6], $0x80, s2, s6, $0xb8;
	[tilespmem:$0x9200] =	vst v63  }
0x22: {  	_ = 	snop  }
0x23: {  	[tilespmem:s9], [sflag:$0x1] =	stream.indirect.gather [hbm4b:s5+s6], $0x80, s8, s6, $0xb8;
	[tilespmem:$0x9200] =	vst v63  }
0x24: {  	_ = 	snop  }
0x25: {  	[tilespmem:s11], [sflag:$0x1] =	stream.indirect.gather [hbm4b:s5+s6], $0x80, s10, s6, $0xb8;
	[tilespmem:$0x9200] =	vst v63  }
0x26: {  	_ =	swait.ge [sflag:s12], $0x3000  }
0x27: {  	[sflag:s12] =	ssyncset.done $0x0  }
0x28: {  	[sflag:s12] =	ssyncadd.s32 $0xFFFFD000  }
0x29: {  	_ =	swait.ge [sflag:s12], $0x3000  }
0x2a: {  	[sflag:s12] =	ssyncset.done $0x0  }
0x2b: {  	[sflag:s12] =	ssyncadd.s32 $0xFFFFD000  }
0x2c: {  	_ =	swait.ge [sflag:s12], $0x3000  }
.Ltmp1:
0x2d: {  	[sflag:s12] =	ssyncset.done $0x0;
	(pc) =	sbr.rel @p0 .LBB2_1-.Ltmp1, $4  }
0x2e: {  	[sflag:s12] =	ssyncadd.s32 $0xFFFFD000  }
0x2f: {  	[hbm4b:s13+s2] =	stream.linear.scatter [tilespmem:s7], [sflag:$0x2], $0x9000, $0x38;
	[tilespmem:$0x9200] =	vst v63  }
0x30: {  	_ =	swait.ge [sflag:s3], $0x9000  }
0x31: {  	[sflag:s3] =	ssyncset.done $0x0  }
.LBB2_2:
0x32: {  	[sflag:s3] =	ssyncadd.s32 $0xFFFF7000  }
0x33: {  	_ =	sfence.sel $0x180000  }
0x34: {  	[bflag:$0x0] =	sbarrier.arrive $0xFFFF  }
0x35: {  	p0 =	sne.s32 s0, $0x0;
	_ =	strace $0x9000004A  }
0x36: {  	s0 =	sadd.s32 @!p0 $0x100000, s1;
	[bflag:$0x2] =	sbarrier.arrive $0xFFFF  }
0x37: {  	[sflag:s0] =	ssyncadd.tile.s32 @!p0 $0x1;
	_ =	shalt  }
.Lfunc_end2:
_tile_overlayer_lowered:
.L_overlay_start_2:
0x38: {  	(tag) =	ssettag $0x2  }
0x39: {  	s0 =	rddreg [dreg:$0x0];
	s2 =	stileid.u32  }
0x3a: {  	s1 =	rddreg [dreg:$0x1];
	p0 =	sne.s32 s2, $0x0  }
0x3b: {  	s3 =	rddreg [dreg:$0x2];
	[bflag:$0x3] =	sbarrier.arrive $0xFFFF;
	s2 =	simm.s32 @!p0 $0x1C02  }
0x3c: {  	[timem:s3], [sflag:s2] =	dma.local @!p0 [hbm:s0], s1  }
0x3d: {  	s0 =	simm.s32 @!p0 $0x2  }
0x3e: {  	_ =	swait.ge @!p0 [sflag:s0], s1  }
0x3f: {  	s1 =	ssub.s32 @!p0 $0x0, s1;
	[sflag:s0] =	ssyncset.done @!p0 $0x0  }
0x40: {  	[sflag:s0] =	ssyncadd.s32 @!p0 s1  }
0x41: {  	[bflag:$0x3] =	sbarrier.arrive $0xFFFF  }
0x42: {  	_ =	shalt  }

// kernel: kernel.26.cloned.1.call-start
scs
__scs_entry_jumppad:
0x0: {  	(pc) =	sbr.rel $0x88, $3  }
0x1: {  	(tag) =	ssettag $0x0;
	lr =	simm.s32 $0x1  }
0x2: {  	[smem:$0x3F9F] =	sst lr;
	_ =	strace $0xD0000000  }
0x3: {  	_ = 	snop  }
0x4: {  	_ = 	snop  }
0x5: {  	_ = 	snop  }
0x6: {  	_ = 	snop  }
0x7: {  	_ = 	snop  }
__scs_overlays_trampoline_lowered:
0x8: {  	[smem:$0x3FAE] =	sst s0  }
0x9: {  	[smem:$0x3FAF] =	sst s1  }
0xa: {  	[smem:$0x3FB0] =	sst s2  }
0xb: {  	[smem:$0x3FB1] =	sst s3  }
0xc: {  	[smem:$0x3FB2] =	sst s4  }
0xd: {  	[smem:$0x3FB3] =	sst s5  }
0xe: {  	[smem:$0x3FB4] =	sst s6  }
0xf: {  	[smem:$0x3FB5] =	sst s7  }
0x10: {  	[smem:$0x3FB6] =	sst s8  }
0x11: {  	[smem:$0x3FB7] =	sst s9;
	s0 =	simm.s32 @!p0 $0x0  }
0x12: {  	s1 =	sld [smem:$0x3F9D];
	s0 =	simm.s32 @p0 $0x1  }
0x13: {  	[smem:$0x3FB8] =	sst s0;
	s0 =	simm.s32 @!p1 $0x0  }
0x14: {  	s2 =	sld [smem:$0x3F9C];
	s0 =	simm.s32 @p1 $0x1  }
0x15: {  	[smem:$0x3FB9] =	sst s0;
	s0 =	simm.s32 @!p2 $0x0  }
0x16: {  	s3 =	sld [smem:$0x3FDB];
	s0 =	simm.s32 @p2 $0x1  }
0x17: {  	s4 =	simm.s32 $0x1BF5;
	[smem:$0x3FBB] =	sst s0  }
0x18: {  	s0 =	sld [smem:$0x3F9E];
	_ =	swait.ge [sflag:s4], $0x0  }
0x19: {  	s7 =	sld [smem:$0x3F9F]  }
0x1a: {  	s8 =	sadd.s32 $0xFFFFE003, lr  }
0x1b: {  	s9 =	sadd.s32 $0xFFFFFEF7, lr;
	s5 =	simm.s32 $0xFFFFFFFF;
	p2 =	slt.u32 s8, $0xFFFFF086  }
0x1c: {  	p1 =	slt.u32 s9, $0xF7A;
	s5 =	simm.s32 @!p2 $0x0  }
0x1d: {  	s5 =	simm.s32 @p1 $0x1;
	p0 =	seq.s32 s7, s2  }
0x1e: {  	s7 =	smul.u32 @!p0 $0xF7A, s2;
	p2 =	seq.s32 @!p0 s5, $0x0  }
0x1f: {  	s9 =	smul.u32 $0xF7A, s1;
	s8 =	simm.s32 @!p0 $0x1BF5;
	p2 =	por !p2, p0  }
0x20: {  	[sflag:s8] =	ssyncset.s32 @!p0 $0xFFFFF086;
	s6 =	sadd.s32 @!p0 s3, s7;
	s7 =	simm.s32 @!p0 $0x108  }
0x21: {  	s3 =	sadd.s32 s3, s9;
	s6 =	sadd.s32 @!p0 $0x88, s6;
	s7 =	simm.s32 @p2 $0x1082  }
0x22: {  	[simem:s7], [sflag:s8] =	dma.local @!p0 [hbm:s6], $0xF7A  }
0x23: {  	s9 =	sor.u32 $0xD0000000, s2;
	s6 =	simm.s32 $0x108;
	_ =	swait.ge @!p0 [sflag:s8], $0x0  }
0x24: {  	s3 =	sadd.s32 $0x88, s3;
	s6 =	simm.s32 @!p1 $0x1082;
	[sflag:s4] =	ssyncset.s32 $0xFFFFF086  }
0x25: {  	[simem:s6], [sflag:s4] =	dma.local [hbm:s3], $0xF7A  }
0x26: {  	[smem:$0x3F9F] =	sst s1;
	(tag) =	ssettag s2;
	_ =	strace s9  }
0x27: {  	s1 =	sld [smem:$0x3FAF]  }
0x28: {  	s2 =	sld [smem:$0x3FB0]  }
0x29: {  	s4 =	sld [smem:$0x3FB2]  }
0x2a: {  	p0 =	seq.s32 s5, $0x0;
	s5 =	sld [smem:$0x3FB3]  }
0x2b: {  	s6 =	sld [smem:$0x3FB4]  }
0x2c: {  	s7 =	sld [smem:$0x3FB5]  }
0x2d: {  	s3 =	simm.s32 $0x108;
	s8 =	sld [smem:$0x3FB6]  }
0x2e: {  	s3 =	simm.s32 @!p0 $0x1082;
	s9 =	sld [smem:$0x3FB7]  }
0x2f: {  	lr =	sadd.s32 s0, s3;
	s0 =	sld [smem:$0x3FAE]  }
0x30: {  	s3 =	sld [smem:$0x3FB1]  }
0x31: {  	[smem:$0x3FBA] =	sst s10  }
0x32: {  	s10 =	sld [smem:$0x3FB8];
	_ =	sdelay $0x3  }
0x33: {  	p0 =	seq.s32 s10, $0x1;
	s10 =	sld [smem:$0x3FBA];
	_ =	sdelay $0x3  }
0x34: {  	[smem:$0x3FBA] =	sst s10  }
0x35: {  	s10 =	sld [smem:$0x3FB9];
	_ =	sdelay $0x3  }
0x36: {  	p1 =	seq.s32 s10, $0x1;
	s10 =	sld [smem:$0x3FBA];
	_ =	sdelay $0x3  }
0x37: {  	[smem:$0x3FBA] =	sst s10  }
0x38: {  	s10 =	sld [smem:$0x3FBB]  }
0x39: {  	_ = 	snop;
	(pc) =	sbr.ind lr, $3  }
0x3a: {  	_ = 	snop  }
0x3b: {  	_ = 	snop  }
0x3c: {  	p2 =	seq.s32 s10, $0x1;
	s10 =	sld [smem:$0x3FBA]  }
0x3d: {  	_ =	shalt  }
0x3e: {  	_ =	shalt  }
0x3f: {  	_ =	shalt  }
0x40: {  	_ =	shalt  }
0x41: {  	_ =	shalt  }
0x42: {  	_ =	shalt  }
0x43: {  	_ =	shalt  }
0x44: {  	_ =	shalt  }
0x45: {  	_ =	shalt  }
0x46: {  	_ =	shalt  }
0x47: {  	_ =	shalt  }
0x48: {  	_ =	shalt  }
0x49: {  	_ =	shalt  }
0x4a: {  	_ =	shalt  }
0x4b: {  	_ =	shalt  }
0x4c: {  	_ =	shalt  }
0x4d: {  	_ =	shalt  }
0x4e: {  	_ =	shalt  }
0x4f: {  	_ =	shalt  }
0x50: {  	_ =	shalt  }
0x51: {  	_ =	shalt  }
0x52: {  	_ =	shalt  }
0x53: {  	_ =	shalt  }
0x54: {  	_ =	shalt  }
0x55: {  	_ =	shalt  }
0x56: {  	_ =	shalt  }
0x57: {  	_ =	shalt  }
0x58: {  	_ =	shalt  }
0x59: {  	_ =	shalt  }
0x5a: {  	_ =	shalt  }
0x5b: {  	_ =	shalt  }
0x5c: {  	_ =	shalt  }
0x5d: {  	_ =	shalt  }
0x5e: {  	_ =	shalt  }
0x5f: {  	_ =	shalt  }
0x60: {  	_ =	shalt  }
0x61: {  	_ =	shalt  }
0x62: {  	_ =	shalt  }
0x63: {  	_ =	shalt  }
0x64: {  	_ =	shalt  }
0x65: {  	_ =	shalt  }
0x66: {  	_ =	shalt  }
0x67: {  	_ =	shalt  }
0x68: {  	_ =	shalt  }
0x69: {  	_ =	shalt  }
0x6a: {  	_ =	shalt  }
0x6b: {  	_ =	shalt  }
0x6c: {  	_ =	shalt  }
0x6d: {  	_ =	shalt  }
0x6e: {  	_ =	shalt  }
0x6f: {  	_ =	shalt  }
0x70: {  	_ =	shalt  }
0x71: {  	_ =	shalt  }
0x72: {  	_ =	shalt  }
0x73: {  	_ =	shalt  }
0x74: {  	_ =	shalt  }
0x75: {  	_ =	shalt  }
0x76: {  	_ =	shalt  }
0x77: {  	_ =	shalt  }
0x78: {  	_ =	shalt  }
0x79: {  	_ =	shalt  }
0x7a: {  	_ =	shalt  }
0x7b: {  	_ =	shalt  }
0x7c: {  	_ =	shalt  }
0x7d: {  	_ =	shalt  }
0x7e: {  	_ =	shalt  }
0x7f: {  	_ =	shalt  }
0x80: {  	_ =	shalt  }
0x81: {  	_ =	shalt  }
0x82: {  	_ =	shalt  }
0x83: {  	_ =	shalt  }
0x84: {  	_ =	shalt  }
0x85: {  	_ =	shalt  }
0x86: {  	_ =	shalt  }
0x87: {  	_ =	shalt  }
.Lfunc_end0:
.L_simem_size_0:
called_computation.2_lowered:
.L_overlay_start_0:
0x88: {  	s2 =	sld [smem:$0x3FD9]  }
0x89: {  	s3 =	sld [smem:$0x3FFE];
	_ =	sdelay $0x1  }
0x8a: {  	s1 =	srdreg.scid  }
0x8b: {  	s0 =	sand.u32 $0x1, s1  }
0x8c: {  	s17 =	sshll.u32 s0, $0xA;
	s2 =	sadd.s32 s3, s2  }
0x8d: {  	s2 =	sadd.s32 s2, s17  }
0x8e: {  	[smem:$0x3FC6] =	sst s2  }
0x8f: {  	_ = 	snop  }
0x90: {  	(tm) =	ssettm $0x1  }
0x91: {  	s18 =	sld [smem:$0x3FFB];
	_ =	sdelay $0x3  }
0x92: {  	_ =	strace s18  }
0x93: {  	s2 =	sld [smem:$0x3FFC];
	_ =	sdelay $0x3  }
0x94: {  	_ =	strace s2  }
0x95: {  	s2 =	sld [smem:$0x3FFD];
	_ =	sdelay $0x3  }
0x96: {  	_ =	strace s2  }
0x97: {  	_ =	strace $0x8FFFFFFF  }
0x98: {  	s19 =	sld [smem:$0x3FDB];
	_ =	sdelay $0x1  }
0x99: {  	s20 =	simm.s32 $_scs_section_size  }
0x9a: {  	s4 =	simm.s32 $_size__tile_overlayer_lowered;
	s5 =	simm.s32 $_tile_overlayer_lowered  }
0x9b: {  	s6 =	simm.s32 $0x1BFF;
	s21 =	sshll.u32 s5, $0x1;
	s3 =	sadd.s32 s20, s19  }
0x9c: {  	s22 =	simm.s32 $0x0;
	s4 =	sshll.u32 s4, $0x1;
	s5 =	sadd.s32 s21, s3  }
0x9d: {  	[timem:s22], [sflag:s6] =	dma.local [hbm:s5], s4  }
0x9e: {  	_ =	swait.ge [sflag:s6], s4  }
0x9f: {  	s4 =	ssub.s32 $0x0, s4;
	[sflag:s6] =	ssyncset.done $0x0  }
0xa0: {  	[sflag:s6] =	ssyncadd.s32 s4;
	_ =	sdelay $0x1  }
0xa1: {  	s23 =	simm.s32 $0x1B8B  }
0xa2: {  	_ =	swait.ge [sflag:s23], $0x1  }
0xa3: {  	[sflag:s23] =	ssyncset.done $0x0  }
0xa4: {  	[sflag:s23] =	ssyncadd.s32 $0xFFFFFFFF  }
0xa5: {  	s4 =	sld [smem:$0x0]  }
0xa6: {  	s5 =	sand.u32 $0xFFFFFFFE, s1  }
0xa7: {  	p0 =	sne.s32 s1, s5  }
0xa8: {  	s5 =	sshll.u32 @p0 s5, $0xE  }
0xa9: {  	s5 =	sadd.s32 @p0 $0x11B8D, s5;
	s6 =	sshll.u32 @p0 s4, $0x11  }
0xaa: {  	s5 =	sor.u32 @p0 s6, s5  }
0xab: {  	[sflag:s5] =	ssyncadd.remote.s32 @p0 $0x1;
	_ =	sdelay $0x1  }
0xac: {  	s5 =	simm.s32 @p0 $0x1B8D  }
0xad: {  	_ =	swait.eq @p0 [sflag:s5], $0x1  }
0xae: {  	[sflag:s5] =	ssyncadd.s32 @p0 $0xFFFFFFFF  }
0xaf: {  	s6 =	sshll.u32 @!p0 s1, $0xE  }
0xb0: {  	s6 =	sor.u32 @!p0 $0x4000, s6;
	s5 =	simm.s32 @!p0 $0x1B8D  }
0xb1: {  	s4 =	sshll.u32 @!p0 s4, $0x11;
	s6 =	sadd.s32 @!p0 $0x11B8D, s6;
	_ =	swait.eq @!p0 [sflag:s5], $0x1  }
0xb2: {  	s4 =	sor.u32 @!p0 s4, s6;
	[sflag:s5] =	ssyncadd.s32 @!p0 $0xFFFFFFFF  }
0xb3: {  	s25 =	simm.s32 $0x1B8E;
	s24 =	sld [smem:$0x3FFE];
	[sflag:s4] =	ssyncadd.remote.s32 @!p0 $0x1  }
0xb4: {  	s26 =	simm.s32 $execute0_lowered;
	[smem:$0x3FD2] =	sst s25  }
0xb5: {  	s5 =	sshll.u32 s26, $0x1;
	_ =	strace $0x8000004C;
	[dreg:$0x1] =	wrdreg $0xFFFFFFFF  }
0xb6: {  	s28 =	simm.s32 $_size_execute0_lowered;
	s3 =	sadd.s32 s3, s5;
	[dreg:$0x0] =	wrdreg $0x0  }
0xb7: {  	s5 =	sshll.u32 s28, $0x1;
	[dreg:$0x2] =	wrdreg s3  }
0xb8: {  	[dreg:$0x3] =	wrdreg s5  }
0xb9: {  	[dreg:$0x4] =	wrdreg $0xC0  }
0xba: {  	_ =	task [dreg:s22], $0x5FFFF  }
0xbb: {  	[dreg:$0x1] =	wrdreg $0xFFFFFFFF  }
0xbc: {  	[dreg:$0x0] =	wrdreg $0x60  }
0xbd: {  	[dreg:$0x2] =	wrdreg s24  }
0xbe: {  	[dreg:$0x3] =	wrdreg $0xA  }
0xbf: {  	_ =	task.clear_ibuf [dreg:s22], $0x4FFFF;
	_ =	strace $0x9000004C  }
0xc0: {  	s29 =	simm.s32 $0xA;
	_ =	strace $0x8000004E  }
0xc1: {  	_ =	swait.ge [sflag:s29], $0x1  }
0xc2: {  	[sflag:s29] =	ssyncadd.s32 $0xFFFFFFFF  }
0xc3: {  	_ =	strace $0x9000004E  }
0xc4: {  	_ =	sfence  }
0xc5: {  	s30 =	sld [smem:$0x0];
	_ =	sdelay $0x2  }
0xc6: {  	s31 =	sshll.u32 s1, $0xD;
	s1 =	sshrl.u32 s1, $0x2  }
0xc7: {  	s4 =	sand.u32 $0x4000, s31;
	s1 =	sadd.s32 s1, s30  }
0xc8: {  	s0 =	sor.u32 s4, s0;
	s1 =	sshll.u32 s1, $0x11  }
0xc9: {  	s0 =	sor.u32 s1, s0  }
0xca: {  	s0 =	sadd.s32 $0x8F2B, s0  }
0xcb: {  	[sflag:s0] =	ssyncadd.remote.s32 $0x1  }
0xcc: {  	_ =	sfence.sel $0xFFFF  }
0xcd: {  	[dreg:$0x0] =	wrdreg $0xFFFFFFFF;
	(pc) =	sbr.abs _section_cstart, $3  }
0xce: {  	[dreg:$0x1] =	wrdreg $0xFFFFFFFF  }
0xcf: {  	_ =	task.clear_ibuf [dreg:s22], $0x2FFFF;
	_ =	strace $0x9FFFFFFF  }
0xd0: {  	(tm) =	ssettm $0x7FFFFFFF  }
0xd1: {  	_ =	shalt  }
tec
execute0_lowered:
.L_overlay_start_1:
0x0: {  	(tag) =	ssettag $0x1  }
0x1: {  	s1 =	srdreg.scid;
	s0 =	stileid.u32  }
0x2: {  	s13 =	sand.u32 $0x1, s1;
	s29 =	sshll.u32 s0, $0x1  }
0x3: {  	s14 =	rddreg [dreg:$0x0];
	s15 =	sor.u32 s13, s29  }
0x4: {  	s2 =	simm.s32 $0x0;
	s1 =	rddreg [dreg:$0x1];
	s3 =	sshll.u32 s15, $0x6  }
0x5: {  	[smem:$0x7FF] =	sst s2;
	s3 =	sadd.s32 s3, s14  }
0x6: {  	_ =	strace $0x8000004D;
	s4 =	sadd.s32 $0x13400, s3;
	s3 =	simm.s32 $0x2  }
0x7: {  	[tilespmem:s2], [sflag:$0x2] =	stream.linear.gather [hbm4b:s4+s2], $0x180, $0x38;
	[tilespmem:$0x9200] =	vst v63  }
0x8: {  	_ =	swait.ge [sflag:s3], $0x180  }
0x9: {  	s6 =	simm.s32 $0x60;
	[sflag:s3] =	ssyncset.done $0x0  }
0xa: {  	s7 =	simm.s32 $0x200;
	s5 =	sadd.s32 $0x7400, s14;
	[sflag:s3] =	ssyncadd.s32 $0xFFFFFE80  }
0xb: {  	[tilespmem:s7], [sflag:$0x1] =	stream.indirect.gather [hbm4b:s5+s6], $0x80, s2, s6, $0xb8;
	[tilespmem:$0x9200] =	vst v63  }
0xc: {  	s8 =	simm.s32 $0x80;
	s9 =	simm.s32 $0x3200  }
0xd: {  	[tilespmem:s9], [sflag:$0x1] =	stream.indirect.gather [hbm4b:s5+s6], $0x80, s8, s6, $0xb8;
	[tilespmem:$0x9200] =	vst v63  }
0xe: {  	s10 =	simm.s32 $0x100;
	s11 =	simm.s32 $0x6200;
	s12 =	simm.s32 $0x1  }
0xf: {  	[tilespmem:s11], [sflag:$0x1] =	stream.indirect.gather [hbm4b:s5+s6], $0x80, s10, s6, $0xb8;
	[tilespmem:$0x9200] =	vst v63  }
0x10: {  	_ =	swait.ge [sflag:s12], $0x3000  }
0x11: {  	[sflag:s12] =	ssyncset.done $0x0  }
0x12: {  	s13 =	ssub.s32 $0x2, s13;
	[sflag:s12] =	ssyncadd.s32 $0xFFFFD000  }
0x13: {  	s16 =	sshrl.u32 s13, $0x1;
	_ =	swait.ge [sflag:s12], $0x3000  }
0x14: {  	s30 =	ssub.s32 s13, s16;
	[sflag:s12] =	ssyncset.done $0x0  }
0x15: {  	s15 =	smul.u32 $0x1200, s15;
	s31 =	smax.u32 s30, $0x1;
	[sflag:s12] =	ssyncadd.s32 $0xFFFFD000  }
0x16: {  	p0 =	sne.s32 s31, $0x1;
	_ =	swait.ge [sflag:s12], $0x3000  }
.Ltmp0:
0x17: {  	s14 =	sadd.s32 s15, s14;
	[sflag:s12] =	ssyncset.done $0x0;
	(pc) =	sbr.rel @!p0 .LBB2_2-.Ltmp0, $4  }
0x18: {  	s13 =	sadd.s32 $0x13C00, s14;
	[sflag:s12] =	ssyncadd.s32 $0xFFFFD000  }
0x19: {  	[hbm4b:s13+s2] =	stream.linear.scatter [tilespmem:s7], [sflag:$0x2], $0x9000, $0x38;
	[tilespmem:$0x9200] =	vst v63  }
0x1a: {  	_ =	swait.ge [sflag:s3], $0x9000  }
0x1b: {  	s14 =	sadd.s32 $0xFFFFFFFF, s31;
	[sflag:s3] =	ssyncset.done $0x0  }
.LBB2_1:
0x1c: {  	p0 =	sne.s32 s14, $0x1;
	s14 =	sadd.s32 $0xFFFFFFFF, s14;
	[sflag:s3] =	ssyncadd.s32 $0xFFFF7000  }
0x1d: {  	[tilespmem:s2], [sflag:$0x2] =	stream.linear.gather [hbm4b:s4+s2], $0x180, $0x38;
	[tilespmem:$0x9200] =	vst v63  }
0x1e: {  	_ =	swait.ge [sflag:s3], $0x180  }
0x1f: {  	[sflag:s3] =	ssyncset.done $0x0  }
0x20: {  	[sflag:s3] =	ssyncadd.s32 $0xFFFFFE80  }
0x21: {  	[tilespmem:s7], [sflag:$0x1] =	stream.indirect.gather [hbm4b:s5+s6], $0x80, s2, s6, $0xb8;
	[tilespmem:$0x9200] =	vst v63  }
0x22: {  	_ = 	snop  }
0x23: {  	[tilespmem:s9], [sflag:$0x1] =	stream.indirect.gather [hbm4b:s5+s6], $0x80, s8, s6, $0xb8;
	[tilespmem:$0x9200] =	vst v63  }
0x24: {  	_ = 	snop  }
0x25: {  	[tilespmem:s11], [sflag:$0x1] =	stream.indirect.gather [hbm4b:s5+s6], $0x80, s10, s6, $0xb8;
	[tilespmem:$0x9200] =	vst v63  }
0x26: {  	_ =	swait.ge [sflag:s12], $0x3000  }
0x27: {  	[sflag:s12] =	ssyncset.done $0x0  }
0x28: {  	[sflag:s12] =	ssyncadd.s32 $0xFFFFD000  }
0x29: {  	_ =	swait.ge [sflag:s12], $0x3000  }
0x2a: {  	[sflag:s12] =	ssyncset.done $0x0  }
0x2b: {  	[sflag:s12] =	ssyncadd.s32 $0xFFFFD000  }
0x2c: {  	_ =	swait.ge [sflag:s12], $0x3000  }
.Ltmp1:
0x2d: {  	[sflag:s12] =	ssyncset.done $0x0;
	(pc) =	sbr.rel @p0 .LBB2_1-.Ltmp1, $4  }
0x2e: {  	[sflag:s12] =	ssyncadd.s32 $0xFFFFD000  }
0x2f: {  	[hbm4b:s13+s2] =	stream.linear.scatter [tilespmem:s7], [sflag:$0x2], $0x9000, $0x38;
	[tilespmem:$0x9200] =	vst v63  }
0x30: {  	_ =	swait.ge [sflag:s3], $0x9000  }
0x31: {  	[sflag:s3] =	ssyncset.done $0x0  }
.LBB2_2:
0x32: {  	[sflag:s3] =	ssyncadd.s32 $0xFFFF7000  }
0x33: {  	_ =	sfence.sel $0x180000  }
0x34: {  	[bflag:$0x0] =	sbarrier.arrive $0xFFFF  }
0x35: {  	p0 =	sne.s32 s0, $0x0;
	_ =	strace $0x9000004D  }
0x36: {  	s0 =	sadd.s32 @!p0 $0x100000, s1;
	[bflag:$0x2] =	sbarrier.arrive $0xFFFF  }
0x37: {  	[sflag:s0] =	ssyncadd.tile.s32 @!p0 $0x1;
	_ =	shalt  }
.Lfunc_end2:
_tile_overlayer_lowered:
.L_overlay_start_2:
0x38: {  	(tag) =	ssettag $0x2  }
0x39: {  	s0 =	rddreg [dreg:$0x0];
	s2 =	stileid.u32  }
0x3a: {  	s1 =	rddreg [dreg:$0x1];
	p0 =	sne.s32 s2, $0x0  }
0x3b: {  	s3 =	rddreg [dreg:$0x2];
	[bflag:$0x3] =	sbarrier.arrive $0xFFFF;
	s2 =	simm.s32 @!p0 $0x1C02  }
0x3c: {  	[timem:s3], [sflag:s2] =	dma.local @!p0 [hbm:s0], s1  }
0x3d: {  	s0 =	simm.s32 @!p0 $0x2  }
0x3e: {  	_ =	swait.ge @!p0 [sflag:s0], s1  }
0x3f: {  	s1 =	ssub.s32 @!p0 $0x0, s1;
	[sflag:s0] =	ssyncset.done @!p0 $0x0  }
0x40: {  	[sflag:s0] =	ssyncadd.s32 @!p0 s1  }
0x41: {  	[bflag:$0x3] =	sbarrier.arrive $0xFFFF  }
0x42: {  	_ =	shalt  }

// kernel: kernel.29.cloned.1.call-start
scs
__scs_entry_jumppad:
0x0: {  	(pc) =	sbr.rel $0x88, $3  }
0x1: {  	(tag) =	ssettag $0x0;
	lr =	simm.s32 $0x1  }
0x2: {  	[smem:$0x3F9F] =	sst lr;
	_ =	strace $0xD0000000  }
0x3: {  	_ = 	snop  }
0x4: {  	_ = 	snop  }
0x5: {  	_ = 	snop  }
0x6: {  	_ = 	snop  }
0x7: {  	_ = 	snop  }
__scs_overlays_trampoline_lowered:
0x8: {  	[smem:$0x3FAE] =	sst s0  }
0x9: {  	[smem:$0x3FAF] =	sst s1  }
0xa: {  	[smem:$0x3FB0] =	sst s2  }
0xb: {  	[smem:$0x3FB1] =	sst s3  }
0xc: {  	[smem:$0x3FB2] =	sst s4  }
0xd: {  	[smem:$0x3FB3] =	sst s5  }
0xe: {  	[smem:$0x3FB4] =	sst s6  }
0xf: {  	[smem:$0x3FB5] =	sst s7  }
0x10: {  	[smem:$0x3FB6] =	sst s8  }
0x11: {  	[smem:$0x3FB7] =	sst s9;
	s0 =	simm.s32 @!p0 $0x0  }
0x12: {  	s1 =	sld [smem:$0x3F9D];
	s0 =	simm.s32 @p0 $0x1  }
0x13: {  	[smem:$0x3FB8] =	sst s0;
	s0 =	simm.s32 @!p1 $0x0  }
0x14: {  	s2 =	sld [smem:$0x3F9C];
	s0 =	simm.s32 @p1 $0x1  }
0x15: {  	[smem:$0x3FB9] =	sst s0;
	s0 =	simm.s32 @!p2 $0x0  }
0x16: {  	s3 =	sld [smem:$0x3FDB];
	s0 =	simm.s32 @p2 $0x1  }
0x17: {  	s4 =	simm.s32 $0x1BF5;
	[smem:$0x3FBB] =	sst s0  }
0x18: {  	s0 =	sld [smem:$0x3F9E];
	_ =	swait.ge [sflag:s4], $0x0  }
0x19: {  	s7 =	sld [smem:$0x3F9F]  }
0x1a: {  	s8 =	sadd.s32 $0xFFFFE003, lr  }
0x1b: {  	s9 =	sadd.s32 $0xFFFFFEF7, lr;
	s5 =	simm.s32 $0xFFFFFFFF;
	p2 =	slt.u32 s8, $0xFFFFF086  }
0x1c: {  	p1 =	slt.u32 s9, $0xF7A;
	s5 =	simm.s32 @!p2 $0x0  }
0x1d: {  	s5 =	simm.s32 @p1 $0x1;
	p0 =	seq.s32 s7, s2  }
0x1e: {  	s7 =	smul.u32 @!p0 $0xF7A, s2;
	p2 =	seq.s32 @!p0 s5, $0x0  }
0x1f: {  	s9 =	smul.u32 $0xF7A, s1;
	s8 =	simm.s32 @!p0 $0x1BF5;
	p2 =	por !p2, p0  }
0x20: {  	[sflag:s8] =	ssyncset.s32 @!p0 $0xFFFFF086;
	s6 =	sadd.s32 @!p0 s3, s7;
	s7 =	simm.s32 @!p0 $0x108  }
0x21: {  	s3 =	sadd.s32 s3, s9;
	s6 =	sadd.s32 @!p0 $0x88, s6;
	s7 =	simm.s32 @p2 $0x1082  }
0x22: {  	[simem:s7], [sflag:s8] =	dma.local @!p0 [hbm:s6], $0xF7A  }
0x23: {  	s9 =	sor.u32 $0xD0000000, s2;
	s6 =	simm.s32 $0x108;
	_ =	swait.ge @!p0 [sflag:s8], $0x0  }
0x24: {  	s3 =	sadd.s32 $0x88, s3;
	s6 =	simm.s32 @!p1 $0x1082;
	[sflag:s4] =	ssyncset.s32 $0xFFFFF086  }
0x25: {  	[simem:s6], [sflag:s4] =	dma.local [hbm:s3], $0xF7A  }
0x26: {  	[smem:$0x3F9F] =	sst s1;
	(tag) =	ssettag s2;
	_ =	strace s9  }
0x27: {  	s1 =	sld [smem:$0x3FAF]  }
0x28: {  	s2 =	sld [smem:$0x3FB0]  }
0x29: {  	s4 =	sld [smem:$0x3FB2]  }
0x2a: {  	p0 =	seq.s32 s5, $0x0;
	s5 =	sld [smem:$0x3FB3]  }
0x2b: {  	s6 =	sld [smem:$0x3FB4]  }
0x2c: {  	s7 =	sld [smem:$0x3FB5]  }
0x2d: {  	s3 =	simm.s32 $0x108;
	s8 =	sld [smem:$0x3FB6]  }
0x2e: {  	s3 =	simm.s32 @!p0 $0x1082;
	s9 =	sld [smem:$0x3FB7]  }
0x2f: {  	lr =	sadd.s32 s0, s3;
	s0 =	sld [smem:$0x3FAE]  }
0x30: {  	s3 =	sld [smem:$0x3FB1]  }
0x31: {  	[smem:$0x3FBA] =	sst s10  }
0x32: {  	s10 =	sld [smem:$0x3FB8];
	_ =	sdelay $0x3  }
0x33: {  	p0 =	seq.s32 s10, $0x1;
	s10 =	sld [smem:$0x3FBA];
	_ =	sdelay $0x3  }
0x34: {  	[smem:$0x3FBA] =	sst s10  }
0x35: {  	s10 =	sld [smem:$0x3FB9];
	_ =	sdelay $0x3  }
0x36: {  	p1 =	seq.s32 s10, $0x1;
	s10 =	sld [smem:$0x3FBA];
	_ =	sdelay $0x3  }
0x37: {  	[smem:$0x3FBA] =	sst s10  }
0x38: {  	s10 =	sld [smem:$0x3FBB]  }
0x39: {  	_ = 	snop;
	(pc) =	sbr.ind lr, $3  }
0x3a: {  	_ = 	snop  }
0x3b: {  	_ = 	snop  }
0x3c: {  	p2 =	seq.s32 s10, $0x1;
	s10 =	sld [smem:$0x3FBA]  }
0x3d: {  	_ =	shalt  }
0x3e: {  	_ =	shalt  }
0x3f: {  	_ =	shalt  }
0x40: {  	_ =	shalt  }
0x41: {  	_ =	shalt  }
0x42: {  	_ =	shalt  }
0x43: {  	_ =	shalt  }
0x44: {  	_ =	shalt  }
0x45: {  	_ =	shalt  }
0x46: {  	_ =	shalt  }
0x47: {  	_ =	shalt  }
0x48: {  	_ =	shalt  }
0x49: {  	_ =	shalt  }
0x4a: {  	_ =	shalt  }
0x4b: {  	_ =	shalt  }
0x4c: {  	_ =	shalt  }
0x4d: {  	_ =	shalt  }
0x4e: {  	_ =	shalt  }
0x4f: {  	_ =	shalt  }
0x50: {  	_ =	shalt  }
0x51: {  	_ =	shalt  }
0x52: {  	_ =	shalt  }
0x53: {  	_ =	shalt  }
0x54: {  	_ =	shalt  }
0x55: {  	_ =	shalt  }
0x56: {  	_ =	shalt  }
0x57: {  	_ =	shalt  }
0x58: {  	_ =	shalt  }
0x59: {  	_ =	shalt  }
0x5a: {  	_ =	shalt  }
0x5b: {  	_ =	shalt  }
0x5c: {  	_ =	shalt  }
0x5d: {  	_ =	shalt  }
0x5e: {  	_ =	shalt  }
0x5f: {  	_ =	shalt  }
0x60: {  	_ =	shalt  }
0x61: {  	_ =	shalt  }
0x62: {  	_ =	shalt  }
0x63: {  	_ =	shalt  }
0x64: {  	_ =	shalt  }
0x65: {  	_ =	shalt  }
0x66: {  	_ =	shalt  }
0x67: {  	_ =	shalt  }
0x68: {  	_ =	shalt  }
0x69: {  	_ =	shalt  }
0x6a: {  	_ =	shalt  }
0x6b: {  	_ =	shalt  }
0x6c: {  	_ =	shalt  }
0x6d: {  	_ =	shalt  }
0x6e: {  	_ =	shalt  }
0x6f: {  	_ =	shalt  }
0x70: {  	_ =	shalt  }
0x71: {  	_ =	shalt  }
0x72: {  	_ =	shalt  }
0x73: {  	_ =	shalt  }
0x74: {  	_ =	shalt  }
0x75: {  	_ =	shalt  }
0x76: {  	_ =	shalt  }
0x77: {  	_ =	shalt  }
0x78: {  	_ =	shalt  }
0x79: {  	_ =	shalt  }
0x7a: {  	_ =	shalt  }
0x7b: {  	_ =	shalt  }
0x7c: {  	_ =	shalt  }
0x7d: {  	_ =	shalt  }
0x7e: {  	_ =	shalt  }
0x7f: {  	_ =	shalt  }
0x80: {  	_ =	shalt  }
0x81: {  	_ =	shalt  }
0x82: {  	_ =	shalt  }
0x83: {  	_ =	shalt  }
0x84: {  	_ =	shalt  }
0x85: {  	_ =	shalt  }
0x86: {  	_ =	shalt  }
0x87: {  	_ =	shalt  }
.Lfunc_end0:
.L_simem_size_0:
called_computation.3_lowered:
.L_overlay_start_0:
0x88: {  	s2 =	sld [smem:$0x3FD9]  }
0x89: {  	s3 =	sld [smem:$0x3FFE];
	_ =	sdelay $0x1  }
0x8a: {  	s1 =	srdreg.scid  }
0x8b: {  	s0 =	sand.u32 $0x1, s1  }
0x8c: {  	s17 =	sshll.u32 s0, $0xA;
	s2 =	sadd.s32 s3, s2  }
0x8d: {  	s2 =	sadd.s32 s2, s17  }
0x8e: {  	[smem:$0x3FC6] =	sst s2  }
0x8f: {  	_ = 	snop  }
0x90: {  	(tm) =	ssettm $0x1  }
0x91: {  	s18 =	sld [smem:$0x3FFB];
	_ =	sdelay $0x3  }
0x92: {  	_ =	strace s18  }
0x93: {  	s2 =	sld [smem:$0x3FFC];
	_ =	sdelay $0x3  }
0x94: {  	_ =	strace s2  }
0x95: {  	s2 =	sld [smem:$0x3FFD];
	_ =	sdelay $0x3  }
0x96: {  	_ =	strace s2  }
0x97: {  	_ =	strace $0x8FFFFFFF  }
0x98: {  	s19 =	sld [smem:$0x3FDB];
	_ =	sdelay $0x1  }
0x99: {  	s20 =	simm.s32 $_scs_section_size  }
0x9a: {  	s4 =	simm.s32 $_size__tile_overlayer_lowered;
	s5 =	simm.s32 $_tile_overlayer_lowered  }
0x9b: {  	s6 =	simm.s32 $0x1BFF;
	s21 =	sshll.u32 s5, $0x1;
	s3 =	sadd.s32 s20, s19  }
0x9c: {  	s22 =	simm.s32 $0x0;
	s4 =	sshll.u32 s4, $0x1;
	s5 =	sadd.s32 s21, s3  }
0x9d: {  	[timem:s22], [sflag:s6] =	dma.local [hbm:s5], s4  }
0x9e: {  	_ =	swait.ge [sflag:s6], s4  }
0x9f: {  	s4 =	ssub.s32 $0x0, s4;
	[sflag:s6] =	ssyncset.done $0x0  }
0xa0: {  	[sflag:s6] =	ssyncadd.s32 s4;
	_ =	sdelay $0x1  }
0xa1: {  	s23 =	simm.s32 $0x1B8B  }
0xa2: {  	_ =	swait.ge [sflag:s23], $0x1  }
0xa3: {  	[sflag:s23] =	ssyncset.done $0x0  }
0xa4: {  	[sflag:s23] =	ssyncadd.s32 $0xFFFFFFFF  }
0xa5: {  	s4 =	sld [smem:$0x0]  }
0xa6: {  	s5 =	sand.u32 $0xFFFFFFFE, s1  }
0xa7: {  	p0 =	sne.s32 s1, s5  }
0xa8: {  	s5 =	sshll.u32 @p0 s5, $0xE  }
0xa9: {  	s5 =	sadd.s32 @p0 $0x11B8D, s5;
	s6 =	sshll.u32 @p0 s4, $0x11  }
0xaa: {  	s5 =	sor.u32 @p0 s6, s5  }
0xab: {  	[sflag:s5] =	ssyncadd.remote.s32 @p0 $0x1;
	_ =	sdelay $0x1  }
0xac: {  	s5 =	simm.s32 @p0 $0x1B8D  }
0xad: {  	_ =	swait.eq @p0 [sflag:s5], $0x1  }
0xae: {  	[sflag:s5] =	ssyncadd.s32 @p0 $0xFFFFFFFF  }
0xaf: {  	s6 =	sshll.u32 @!p0 s1, $0xE  }
0xb0: {  	s6 =	sor.u32 @!p0 $0x4000, s6;
	s5 =	simm.s32 @!p0 $0x1B8D  }
0xb1: {  	s4 =	sshll.u32 @!p0 s4, $0x11;
	s6 =	sadd.s32 @!p0 $0x11B8D, s6;
	_ =	swait.eq @!p0 [sflag:s5], $0x1  }
0xb2: {  	s4 =	sor.u32 @!p0 s4, s6;
	[sflag:s5] =	ssyncadd.s32 @!p0 $0xFFFFFFFF  }
0xb3: {  	s25 =	simm.s32 $0x1B8E;
	s24 =	sld [smem:$0x3FFE];
	[sflag:s4] =	ssyncadd.remote.s32 @!p0 $0x1  }
0xb4: {  	s26 =	simm.s32 $execute0_lowered;
	[smem:$0x3FD2] =	sst s25  }
0xb5: {  	s5 =	sshll.u32 s26, $0x1;
	_ =	strace $0x8000004F;
	[dreg:$0x1] =	wrdreg $0xFFFFFFFF  }
0xb6: {  	s28 =	simm.s32 $_size_execute0_lowered;
	s3 =	sadd.s32 s3, s5;
	[dreg:$0x0] =	wrdreg $0x0  }
0xb7: {  	s5 =	sshll.u32 s28, $0x1;
	[dreg:$0x2] =	wrdreg s3  }
0xb8: {  	[dreg:$0x3] =	wrdreg s5  }
0xb9: {  	[dreg:$0x4] =	wrdreg $0xC0  }
0xba: {  	_ =	task [dreg:s22], $0x5FFFF  }
0xbb: {  	[dreg:$0x1] =	wrdreg $0xFFFFFFFF  }
0xbc: {  	[dreg:$0x0] =	wrdreg $0x60  }
0xbd: {  	[dreg:$0x2] =	wrdreg s24  }
0xbe: {  	[dreg:$0x3] =	wrdreg $0x9  }
0xbf: {  	_ =	task.clear_ibuf [dreg:s22], $0x4FFFF;
	_ =	strace $0x9000004F  }
0xc0: {  	s29 =	simm.s32 $0x9;
	_ =	strace $0x80000051  }
0xc1: {  	_ =	swait.ge [sflag:s29], $0x1  }
0xc2: {  	[sflag:s29] =	ssyncadd.s32 $0xFFFFFFFF  }
0xc3: {  	_ =	strace $0x90000051  }
0xc4: {  	_ =	sfence  }
0xc5: {  	s30 =	sld [smem:$0x0];
	_ =	sdelay $0x2  }
0xc6: {  	s31 =	sshll.u32 s1, $0xD;
	s1 =	sshrl.u32 s1, $0x2  }
0xc7: {  	s4 =	sand.u32 $0x4000, s31;
	s1 =	sadd.s32 s1, s30  }
0xc8: {  	s0 =	sor.u32 s4, s0;
	s1 =	sshll.u32 s1, $0x11  }
0xc9: {  	s0 =	sor.u32 s1, s0  }
0xca: {  	s0 =	sadd.s32 $0x8F2B, s0  }
0xcb: {  	[sflag:s0] =	ssyncadd.remote.s32 $0x1  }
0xcc: {  	_ =	sfence.sel $0xFFFF  }
0xcd: {  	[dreg:$0x0] =	wrdreg $0xFFFFFFFF;
	(pc) =	sbr.abs _section_cstart, $3  }
0xce: {  	[dreg:$0x1] =	wrdreg $0xFFFFFFFF  }
0xcf: {  	_ =	task.clear_ibuf [dreg:s22], $0x2FFFF;
	_ =	strace $0x9FFFFFFF  }
0xd0: {  	(tm) =	ssettm $0x7FFFFFFF  }
0xd1: {  	_ =	shalt  }
tec
execute0_lowered:
.L_overlay_start_1:
0x0: {  	(tag) =	ssettag $0x1  }
0x1: {  	s1 =	srdreg.scid;
	s0 =	stileid.u32  }
0x2: {  	s13 =	sand.u32 $0x1, s1;
	s29 =	sshll.u32 s0, $0x1  }
0x3: {  	s14 =	rddreg [dreg:$0x0];
	s15 =	sor.u32 s13, s29  }
0x4: {  	s2 =	simm.s32 $0x0;
	s1 =	rddreg [dreg:$0x1];
	s3 =	sshll.u32 s15, $0x6  }
0x5: {  	[smem:$0x7FF] =	sst s2;
	s3 =	sadd.s32 s3, s14  }
0x6: {  	_ =	strace $0x80000050;
	s4 =	sadd.s32 $0x3400, s3;
	s3 =	simm.s32 $0x2  }
0x7: {  	[tilespmem:s2], [sflag:$0x2] =	stream.linear.gather [hbm4b:s4+s2], $0x180, $0x38;
	[tilespmem:$0x9200] =	vst v63  }
0x8: {  	_ =	swait.ge [sflag:s3], $0x180  }
0x9: {  	s6 =	simm.s32 $0x60;
	[sflag:s3] =	ssyncset.done $0x0  }
0xa: {  	s7 =	simm.s32 $0x200;
	s5 =	sadd.s32 $0x7400, s14;
	[sflag:s3] =	ssyncadd.s32 $0xFFFFFE80  }
0xb: {  	[tilespmem:s7], [sflag:$0x1] =	stream.indirect.gather [hbm4b:s5+s6], $0x80, s2, s6, $0xb8;
	[tilespmem:$0x9200] =	vst v63  }
0xc: {  	s8 =	simm.s32 $0x80;
	s9 =	simm.s32 $0x3200  }
0xd: {  	[tilespmem:s9], [sflag:$0x1] =	stream.indirect.gather [hbm4b:s5+s6], $0x80, s8, s6, $0xb8;
	[tilespmem:$0x9200] =	vst v63  }
0xe: {  	s10 =	simm.s32 $0x100;
	s11 =	simm.s32 $0x6200;
	s12 =	simm.s32 $0x1  }
0xf: {  	[tilespmem:s11], [sflag:$0x1] =	stream.indirect.gather [hbm4b:s5+s6], $0x80, s10, s6, $0xb8;
	[tilespmem:$0x9200] =	vst v63  }
0x10: {  	_ =	swait.ge [sflag:s12], $0x3000  }
0x11: {  	[sflag:s12] =	ssyncset.done $0x0  }
0x12: {  	s13 =	ssub.s32 $0x2, s13;
	[sflag:s12] =	ssyncadd.s32 $0xFFFFD000  }
0x13: {  	s16 =	sshrl.u32 s13, $0x1;
	_ =	swait.ge [sflag:s12], $0x3000  }
0x14: {  	s30 =	ssub.s32 s13, s16;
	[sflag:s12] =	ssyncset.done $0x0  }
0x15: {  	s15 =	smul.u32 $0x1200, s15;
	s31 =	smax.u32 s30, $0x1;
	[sflag:s12] =	ssyncadd.s32 $0xFFFFD000  }
0x16: {  	p0 =	sne.s32 s31, $0x1;
	_ =	swait.ge [sflag:s12], $0x3000  }
.Ltmp0:
0x17: {  	s14 =	sadd.s32 s15, s14;
	[sflag:s12] =	ssyncset.done $0x0;
	(pc) =	sbr.rel @!p0 .LBB2_2-.Ltmp0, $4  }
0x18: {  	s13 =	sadd.s32 $0x37C00, s14;
	[sflag:s12] =	ssyncadd.s32 $0xFFFFD000  }
0x19: {  	[hbm4b:s13+s2] =	stream.linear.scatter [tilespmem:s7], [sflag:$0x2], $0x9000, $0x38;
	[tilespmem:$0x9200] =	vst v63  }
0x1a: {  	_ =	swait.ge [sflag:s3], $0x9000  }
0x1b: {  	s14 =	sadd.s32 $0xFFFFFFFF, s31;
	[sflag:s3] =	ssyncset.done $0x0  }
.LBB2_1:
0x1c: {  	p0 =	sne.s32 s14, $0x1;
	s14 =	sadd.s32 $0xFFFFFFFF, s14;
	[sflag:s3] =	ssyncadd.s32 $0xFFFF7000  }
0x1d: {  	[tilespmem:s2], [sflag:$0x2] =	stream.linear.gather [hbm4b:s4+s2], $0x180, $0x38;
	[tilespmem:$0x9200] =	vst v63  }
0x1e: {  	_ =	swait.ge [sflag:s3], $0x180  }
0x1f: {  	[sflag:s3] =	ssyncset.done $0x0  }
0x20: {  	[sflag:s3] =	ssyncadd.s32 $0xFFFFFE80  }
0x21: {  	[tilespmem:s7], [sflag:$0x1] =	stream.indirect.gather [hbm4b:s5+s6], $0x80, s2, s6, $0xb8;
	[tilespmem:$0x9200] =	vst v63  }
0x22: {  	_ = 	snop  }
0x23: {  	[tilespmem:s9], [sflag:$0x1] =	stream.indirect.gather [hbm4b:s5+s6], $0x80, s8, s6, $0xb8;
	[tilespmem:$0x9200] =	vst v63  }
0x24: {  	_ = 	snop  }
0x25: {  	[tilespmem:s11], [sflag:$0x1] =	stream.indirect.gather [hbm4b:s5+s6], $0x80, s10, s6, $0xb8;
	[tilespmem:$0x9200] =	vst v63  }
0x26: {  	_ =	swait.ge [sflag:s12], $0x3000  }
0x27: {  	[sflag:s12] =	ssyncset.done $0x0  }
0x28: {  	[sflag:s12] =	ssyncadd.s32 $0xFFFFD000  }
0x29: {  	_ =	swait.ge [sflag:s12], $0x3000  }
0x2a: {  	[sflag:s12] =	ssyncset.done $0x0  }
0x2b: {  	[sflag:s12] =	ssyncadd.s32 $0xFFFFD000  }
0x2c: {  	_ =	swait.ge [sflag:s12], $0x3000  }
.Ltmp1:
0x2d: {  	[sflag:s12] =	ssyncset.done $0x0;
	(pc) =	sbr.rel @p0 .LBB2_1-.Ltmp1, $4  }
0x2e: {  	[sflag:s12] =	ssyncadd.s32 $0xFFFFD000  }
0x2f: {  	[hbm4b:s13+s2] =	stream.linear.scatter [tilespmem:s7], [sflag:$0x2], $0x9000, $0x38;
	[tilespmem:$0x9200] =	vst v63  }
0x30: {  	_ =	swait.ge [sflag:s3], $0x9000  }
0x31: {  	[sflag:s3] =	ssyncset.done $0x0  }
.LBB2_2:
0x32: {  	[sflag:s3] =	ssyncadd.s32 $0xFFFF7000  }
0x33: {  	_ =	sfence.sel $0x180000  }
0x34: {  	[bflag:$0x0] =	sbarrier.arrive $0xFFFF  }
0x35: {  	p0 =	sne.s32 s0, $0x0;
	_ =	strace $0x90000050  }
0x36: {  	s0 =	sadd.s32 @!p0 $0x100000, s1;
	[bflag:$0x2] =	sbarrier.arrive $0xFFFF  }
0x37: {  	[sflag:s0] =	ssyncadd.tile.s32 @!p0 $0x1;
	_ =	shalt  }
.Lfunc_end2:
_tile_overlayer_lowered:
.L_overlay_start_2:
0x38: {  	(tag) =	ssettag $0x2  }
0x39: {  	s0 =	rddreg [dreg:$0x0];
	s2 =	stileid.u32  }
0x3a: {  	s1 =	rddreg [dreg:$0x1];
	p0 =	sne.s32 s2, $0x0  }
0x3b: {  	s3 =	rddreg [dreg:$0x2];
	[bflag:$0x3] =	sbarrier.arrive $0xFFFF;
	s2 =	simm.s32 @!p0 $0x1C02  }
0x3c: {  	[timem:s3], [sflag:s2] =	dma.local @!p0 [hbm:s0], s1  }
0x3d: {  	s0 =	simm.s32 @!p0 $0x2  }
0x3e: {  	_ =	swait.ge @!p0 [sflag:s0], s1  }
0x3f: {  	s1 =	ssub.s32 @!p0 $0x0, s1;
	[sflag:s0] =	ssyncset.done @!p0 $0x0  }
0x40: {  	[sflag:s0] =	ssyncadd.s32 @!p0 s1  }
0x41: {  	[bflag:$0x3] =	sbarrier.arrive $0xFFFF  }
0x42: {  	_ =	shalt  }

// kernel: kernel.32.cloned.1.call-start
scs
__scs_entry_jumppad:
0x0: {  	(pc) =	sbr.rel $0x88, $3  }
0x1: {  	(tag) =	ssettag $0x0;
	lr =	simm.s32 $0x1  }
0x2: {  	[smem:$0x3F9F] =	sst lr;
	_ =	strace $0xD0000000  }
0x3: {  	_ = 	snop  }
0x4: {  	_ = 	snop  }
0x5: {  	_ = 	snop  }
0x6: {  	_ = 	snop  }
0x7: {  	_ = 	snop  }
__scs_overlays_trampoline_lowered:
0x8: {  	[smem:$0x3FAE] =	sst s0  }
0x9: {  	[smem:$0x3FAF] =	sst s1  }
0xa: {  	[smem:$0x3FB0] =	sst s2  }
0xb: {  	[smem:$0x3FB1] =	sst s3  }
0xc: {  	[smem:$0x3FB2] =	sst s4  }
0xd: {  	[smem:$0x3FB3] =	sst s5  }
0xe: {  	[smem:$0x3FB4] =	sst s6  }
0xf: {  	[smem:$0x3FB5] =	sst s7  }
0x10: {  	[smem:$0x3FB6] =	sst s8  }
0x11: {  	[smem:$0x3FB7] =	sst s9;
	s0 =	simm.s32 @!p0 $0x0  }
0x12: {  	s1 =	sld [smem:$0x3F9D];
	s0 =	simm.s32 @p0 $0x1  }
0x13: {  	[smem:$0x3FB8] =	sst s0;
	s0 =	simm.s32 @!p1 $0x0  }
0x14: {  	s2 =	sld [smem:$0x3F9C];
	s0 =	simm.s32 @p1 $0x1  }
0x15: {  	[smem:$0x3FB9] =	sst s0;
	s0 =	simm.s32 @!p2 $0x0  }
0x16: {  	s3 =	sld [smem:$0x3FDB];
	s0 =	simm.s32 @p2 $0x1  }
0x17: {  	s4 =	simm.s32 $0x1BF5;
	[smem:$0x3FBB] =	sst s0  }
0x18: {  	s0 =	sld [smem:$0x3F9E];
	_ =	swait.ge [sflag:s4], $0x0  }
0x19: {  	s7 =	sld [smem:$0x3F9F]  }
0x1a: {  	s8 =	sadd.s32 $0xFFFFE003, lr  }
0x1b: {  	s9 =	sadd.s32 $0xFFFFFEF7, lr;
	s5 =	simm.s32 $0xFFFFFFFF;
	p2 =	slt.u32 s8, $0xFFFFF086  }
0x1c: {  	p1 =	slt.u32 s9, $0xF7A;
	s5 =	simm.s32 @!p2 $0x0  }
0x1d: {  	s5 =	simm.s32 @p1 $0x1;
	p0 =	seq.s32 s7, s2  }
0x1e: {  	s7 =	smul.u32 @!p0 $0xF7A, s2;
	p2 =	seq.s32 @!p0 s5, $0x0  }
0x1f: {  	s9 =	smul.u32 $0xF7A, s1;
	s8 =	simm.s32 @!p0 $0x1BF5;
	p2 =	por !p2, p0  }
0x20: {  	[sflag:s8] =	ssyncset.s32 @!p0 $0xFFFFF086;
	s6 =	sadd.s32 @!p0 s3, s7;
	s7 =	simm.s32 @!p0 $0x108  }
0x21: {  	s3 =	sadd.s32 s3, s9;
	s6 =	sadd.s32 @!p0 $0x88, s6;
	s7 =	simm.s32 @p2 $0x1082  }
0x22: {  	[simem:s7], [sflag:s8] =	dma.local @!p0 [hbm:s6], $0xF7A  }
0x23: {  	s9 =	sor.u32 $0xD0000000, s2;
	s6 =	simm.s32 $0x108;
	_ =	swait.ge @!p0 [sflag:s8], $0x0  }
0x24: {  	s3 =	sadd.s32 $0x88, s3;
	s6 =	simm.s32 @!p1 $0x1082;
	[sflag:s4] =	ssyncset.s32 $0xFFFFF086  }
0x25: {  	[simem:s6], [sflag:s4] =	dma.local [hbm:s3], $0xF7A  }
0x26: {  	[smem:$0x3F9F] =	sst s1;
	(tag) =	ssettag s2;
	_ =	strace s9  }
0x27: {  	s1 =	sld [smem:$0x3FAF]  }
0x28: {  	s2 =	sld [smem:$0x3FB0]  }
0x29: {  	s4 =	sld [smem:$0x3FB2]  }
0x2a: {  	p0 =	seq.s32 s5, $0x0;
	s5 =	sld [smem:$0x3FB3]  }
0x2b: {  	s6 =	sld [smem:$0x3FB4]  }
0x2c: {  	s7 =	sld [smem:$0x3FB5]  }
0x2d: {  	s3 =	simm.s32 $0x108;
	s8 =	sld [smem:$0x3FB6]  }
0x2e: {  	s3 =	simm.s32 @!p0 $0x1082;
	s9 =	sld [smem:$0x3FB7]  }
0x2f: {  	lr =	sadd.s32 s0, s3;
	s0 =	sld [smem:$0x3FAE]  }
0x30: {  	s3 =	sld [smem:$0x3FB1]  }
0x31: {  	[smem:$0x3FBA] =	sst s10  }
0x32: {  	s10 =	sld [smem:$0x3FB8];
	_ =	sdelay $0x3  }
0x33: {  	p0 =	seq.s32 s10, $0x1;
	s10 =	sld [smem:$0x3FBA];
	_ =	sdelay $0x3  }
0x34: {  	[smem:$0x3FBA] =	sst s10  }
0x35: {  	s10 =	sld [smem:$0x3FB9];
	_ =	sdelay $0x3  }
0x36: {  	p1 =	seq.s32 s10, $0x1;
	s10 =	sld [smem:$0x3FBA];
	_ =	sdelay $0x3  }
0x37: {  	[smem:$0x3FBA] =	sst s10  }
0x38: {  	s10 =	sld [smem:$0x3FBB]  }
0x39: {  	_ = 	snop;
	(pc) =	sbr.ind lr, $3  }
0x3a: {  	_ = 	snop  }
0x3b: {  	_ = 	snop  }
0x3c: {  	p2 =	seq.s32 s10, $0x1;
	s10 =	sld [smem:$0x3FBA]  }
0x3d: {  	_ =	shalt  }
0x3e: {  	_ =	shalt  }
0x3f: {  	_ =	shalt  }
0x40: {  	_ =	shalt  }
0x41: {  	_ =	shalt  }
0x42: {  	_ =	shalt  }
0x43: {  	_ =	shalt  }
0x44: {  	_ =	shalt  }
0x45: {  	_ =	shalt  }
0x46: {  	_ =	shalt  }
0x47: {  	_ =	shalt  }
0x48: {  	_ =	shalt  }
0x49: {  	_ =	shalt  }
0x4a: {  	_ =	shalt  }
0x4b: {  	_ =	shalt  }
0x4c: {  	_ =	shalt  }
0x4d: {  	_ =	shalt  }
0x4e: {  	_ =	shalt  }
0x4f: {  	_ =	shalt  }
0x50: {  	_ =	shalt  }
0x51: {  	_ =	shalt  }
0x52: {  	_ =	shalt  }
0x53: {  	_ =	shalt  }
0x54: {  	_ =	shalt  }
0x55: {  	_ =	shalt  }
0x56: {  	_ =	shalt  }
0x57: {  	_ =	shalt  }
0x58: {  	_ =	shalt  }
0x59: {  	_ =	shalt  }
0x5a: {  	_ =	shalt  }
0x5b: {  	_ =	shalt  }
0x5c: {  	_ =	shalt  }
0x5d: {  	_ =	shalt  }
0x5e: {  	_ =	shalt  }
0x5f: {  	_ =	shalt  }
0x60: {  	_ =	shalt  }
0x61: {  	_ =	shalt  }
0x62: {  	_ =	shalt  }
0x63: {  	_ =	shalt  }
0x64: {  	_ =	shalt  }
0x65: {  	_ =	shalt  }
0x66: {  	_ =	shalt  }
0x67: {  	_ =	shalt  }
0x68: {  	_ =	shalt  }
0x69: {  	_ =	shalt  }
0x6a: {  	_ =	shalt  }
0x6b: {  	_ =	shalt  }
0x6c: {  	_ =	shalt  }
0x6d: {  	_ =	shalt  }
0x6e: {  	_ =	shalt  }
0x6f: {  	_ =	shalt  }
0x70: {  	_ =	shalt  }
0x71: {  	_ =	shalt  }
0x72: {  	_ =	shalt  }
0x73: {  	_ =	shalt  }
0x74: {  	_ =	shalt  }
0x75: {  	_ =	shalt  }
0x76: {  	_ =	shalt  }
0x77: {  	_ =	shalt  }
0x78: {  	_ =	shalt  }
0x79: {  	_ =	shalt  }
0x7a: {  	_ =	shalt  }
0x7b: {  	_ =	shalt  }
0x7c: {  	_ =	shalt  }
0x7d: {  	_ =	shalt  }
0x7e: {  	_ =	shalt  }
0x7f: {  	_ =	shalt  }
0x80: {  	_ =	shalt  }
0x81: {  	_ =	shalt  }
0x82: {  	_ =	shalt  }
0x83: {  	_ =	shalt  }
0x84: {  	_ =	shalt  }
0x85: {  	_ =	shalt  }
0x86: {  	_ =	shalt  }
0x87: {  	_ =	shalt  }
.Lfunc_end0:
.L_simem_size_0:
called_computation.4_lowered:
.L_overlay_start_0:
0x88: {  	s2 =	sld [smem:$0x3FD9]  }
0x89: {  	s3 =	sld [smem:$0x3FFE];
	_ =	sdelay $0x1  }
0x8a: {  	s1 =	srdreg.scid  }
0x8b: {  	s0 =	sand.u32 $0x1, s1  }
0x8c: {  	s17 =	sshll.u32 s0, $0xA;
	s2 =	sadd.s32 s3, s2  }
0x8d: {  	s2 =	sadd.s32 s2, s17  }
0x8e: {  	[smem:$0x3FC6] =	sst s2  }
0x8f: {  	_ = 	snop  }
0x90: {  	(tm) =	ssettm $0x1  }
0x91: {  	s18 =	sld [smem:$0x3FFB];
	_ =	sdelay $0x3  }
0x92: {  	_ =	strace s18  }
0x93: {  	s2 =	sld [smem:$0x3FFC];
	_ =	sdelay $0x3  }
0x94: {  	_ =	strace s2  }
0x95: {  	s2 =	sld [smem:$0x3FFD];
	_ =	sdelay $0x3  }
0x96: {  	_ =	strace s2  }
0x97: {  	_ =	strace $0x8FFFFFFF  }
0x98: {  	s19 =	sld [smem:$0x3FDB];
	_ =	sdelay $0x1  }
0x99: {  	s20 =	simm.s32 $_scs_section_size  }
0x9a: {  	s4 =	simm.s32 $_size__tile_overlayer_lowered;
	s5 =	simm.s32 $_tile_overlayer_lowered  }
0x9b: {  	s6 =	simm.s32 $0x1BFF;
	s21 =	sshll.u32 s5, $0x1;
	s3 =	sadd.s32 s20, s19  }
0x9c: {  	s22 =	simm.s32 $0x0;
	s4 =	sshll.u32 s4, $0x1;
	s5 =	sadd.s32 s21, s3  }
0x9d: {  	[timem:s22], [sflag:s6] =	dma.local [hbm:s5], s4  }
0x9e: {  	_ =	swait.ge [sflag:s6], s4  }
0x9f: {  	s4 =	ssub.s32 $0x0, s4;
	[sflag:s6] =	ssyncset.done $0x0  }
0xa0: {  	[sflag:s6] =	ssyncadd.s32 s4;
	_ =	sdelay $0x1  }
0xa1: {  	s23 =	simm.s32 $0x1B8B  }
0xa2: {  	_ =	swait.ge [sflag:s23], $0x1  }
0xa3: {  	[sflag:s23] =	ssyncset.done $0x0  }
0xa4: {  	[sflag:s23] =	ssyncadd.s32 $0xFFFFFFFF  }
0xa5: {  	s4 =	sld [smem:$0x0]  }
0xa6: {  	s5 =	sand.u32 $0xFFFFFFFE, s1  }
0xa7: {  	p0 =	sne.s32 s1, s5  }
0xa8: {  	s5 =	sshll.u32 @p0 s5, $0xE  }
0xa9: {  	s5 =	sadd.s32 @p0 $0x11B8D, s5;
	s6 =	sshll.u32 @p0 s4, $0x11  }
0xaa: {  	s5 =	sor.u32 @p0 s6, s5  }
0xab: {  	[sflag:s5] =	ssyncadd.remote.s32 @p0 $0x1;
	_ =	sdelay $0x1  }
0xac: {  	s5 =	simm.s32 @p0 $0x1B8D  }
0xad: {  	_ =	swait.eq @p0 [sflag:s5], $0x1  }
0xae: {  	[sflag:s5] =	ssyncadd.s32 @p0 $0xFFFFFFFF  }
0xaf: {  	s6 =	sshll.u32 @!p0 s1, $0xE  }
0xb0: {  	s6 =	sor.u32 @!p0 $0x4000, s6;
	s5 =	simm.s32 @!p0 $0x1B8D  }
0xb1: {  	s4 =	sshll.u32 @!p0 s4, $0x11;
	s6 =	sadd.s32 @!p0 $0x11B8D, s6;
	_ =	swait.eq @!p0 [sflag:s5], $0x1  }
0xb2: {  	s4 =	sor.u32 @!p0 s4, s6;
	[sflag:s5] =	ssyncadd.s32 @!p0 $0xFFFFFFFF  }
0xb3: {  	s25 =	simm.s32 $0x1B8E;
	s24 =	sld [smem:$0x3FFE];
	[sflag:s4] =	ssyncadd.remote.s32 @!p0 $0x1  }
0xb4: {  	s26 =	simm.s32 $execute0_lowered;
	[smem:$0x3FD2] =	sst s25  }
0xb5: {  	s5 =	sshll.u32 s26, $0x1;
	_ =	strace $0x80000052;
	[dreg:$0x1] =	wrdreg $0xFFFFFFFF  }
0xb6: {  	s28 =	simm.s32 $_size_execute0_lowered;
	s3 =	sadd.s32 s3, s5;
	[dreg:$0x0] =	wrdreg $0x0  }
0xb7: {  	s5 =	sshll.u32 s28, $0x1;
	[dreg:$0x2] =	wrdreg s3  }
0xb8: {  	[dreg:$0x3] =	wrdreg s5  }
0xb9: {  	[dreg:$0x4] =	wrdreg $0xC0  }
0xba: {  	_ =	task [dreg:s22], $0x5FFFF  }
0xbb: {  	[dreg:$0x1] =	wrdreg $0xFFFFFFFF  }
0xbc: {  	[dreg:$0x0] =	wrdreg $0x60  }
0xbd: {  	[dreg:$0x2] =	wrdreg s24  }
0xbe: {  	[dreg:$0x3] =	wrdreg $0xA  }
0xbf: {  	_ =	task.clear_ibuf [dreg:s22], $0x4FFFF;
	_ =	strace $0x90000052  }
0xc0: {  	s29 =	simm.s32 $0xA;
	_ =	strace $0x80000054  }
0xc1: {  	_ =	swait.ge [sflag:s29], $0x1  }
0xc2: {  	[sflag:s29] =	ssyncadd.s32 $0xFFFFFFFF  }
0xc3: {  	_ =	strace $0x90000054  }
0xc4: {  	_ =	sfence  }
0xc5: {  	s30 =	sld [smem:$0x0];
	_ =	sdelay $0x2  }
0xc6: {  	s31 =	sshll.u32 s1, $0xD;
	s1 =	sshrl.u32 s1, $0x2  }
0xc7: {  	s4 =	sand.u32 $0x4000, s31;
	s1 =	sadd.s32 s1, s30  }
0xc8: {  	s0 =	sor.u32 s4, s0;
	s1 =	sshll.u32 s1, $0x11  }
0xc9: {  	s0 =	sor.u32 s1, s0  }
0xca: {  	s0 =	sadd.s32 $0x8F2B, s0  }
0xcb: {  	[sflag:s0] =	ssyncadd.remote.s32 $0x1  }
0xcc: {  	_ =	sfence.sel $0xFFFF  }
0xcd: {  	[dreg:$0x0] =	wrdreg $0xFFFFFFFF;
	(pc) =	sbr.abs _section_cstart, $3  }
0xce: {  	[dreg:$0x1] =	wrdreg $0xFFFFFFFF  }
0xcf: {  	_ =	task.clear_ibuf [dreg:s22], $0x2FFFF;
	_ =	strace $0x9FFFFFFF  }
0xd0: {  	(tm) =	ssettm $0x7FFFFFFF  }
0xd1: {  	_ =	shalt  }
tec
execute0_lowered:
.L_overlay_start_1:
0x0: {  	(tag) =	ssettag $0x1  }
0x1: {  	s1 =	srdreg.scid;
	s0 =	stileid.u32  }
0x2: {  	s13 =	sand.u32 $0x1, s1;
	s29 =	sshll.u32 s0, $0x1  }
0x3: {  	s14 =	rddreg [dreg:$0x0];
	s15 =	sor.u32 s13, s29  }
0x4: {  	s2 =	simm.s32 $0x0;
	s1 =	rddreg [dreg:$0x1];
	s3 =	sshll.u32 s15, $0x6  }
0x5: {  	[smem:$0x7FF] =	sst s2;
	s3 =	sadd.s32 s3, s14  }
0x6: {  	_ =	strace $0x80000053;
	s4 =	sadd.s32 $0x37400, s3;
	s3 =	simm.s32 $0x2  }
0x7: {  	[tilespmem:s2], [sflag:$0x2] =	stream.linear.gather [hbm4b:s4+s2], $0x180, $0x38;
	[tilespmem:$0x9200] =	vst v63  }
0x8: {  	_ =	swait.ge [sflag:s3], $0x180  }
0x9: {  	s6 =	simm.s32 $0x60;
	[sflag:s3] =	ssyncset.done $0x0  }
0xa: {  	s7 =	simm.s32 $0x200;
	s5 =	sadd.s32 $0xB400, s14;
	[sflag:s3] =	ssyncadd.s32 $0xFFFFFE80  }
0xb: {  	[tilespmem:s7], [sflag:$0x1] =	stream.indirect.gather [hbm4b:s5+s6], $0x80, s2, s6, $0xb8;
	[tilespmem:$0x9200] =	vst v63  }
0xc: {  	s8 =	simm.s32 $0x80;
	s9 =	simm.s32 $0x3200  }
0xd: {  	[tilespmem:s9], [sflag:$0x1] =	stream.indirect.gather [hbm4b:s5+s6], $0x80, s8, s6, $0xb8;
	[tilespmem:$0x9200] =	vst v63  }
0xe: {  	s10 =	simm.s32 $0x100;
	s11 =	simm.s32 $0x6200;
	s12 =	simm.s32 $0x1  }
0xf: {  	[tilespmem:s11], [sflag:$0x1] =	stream.indirect.gather [hbm4b:s5+s6], $0x80, s10, s6, $0xb8;
	[tilespmem:$0x9200] =	vst v63  }
0x10: {  	_ =	swait.ge [sflag:s12], $0x3000  }
0x11: {  	[sflag:s12] =	ssyncset.done $0x0  }
0x12: {  	s13 =	ssub.s32 $0x2, s13;
	[sflag:s12] =	ssyncadd.s32 $0xFFFFD000  }
0x13: {  	s16 =	sshrl.u32 s13, $0x1;
	_ =	swait.ge [sflag:s12], $0x3000  }
0x14: {  	s30 =	ssub.s32 s13, s16;
	[sflag:s12] =	ssyncset.done $0x0  }
0x15: {  	s15 =	smul.u32 $0x1200, s15;
	s31 =	smax.u32 s30, $0x1;
	[sflag:s12] =	ssyncadd.s32 $0xFFFFD000  }
0x16: {  	p0 =	sne.s32 s31, $0x1;
	_ =	swait.ge [sflag:s12], $0x3000  }
.Ltmp0:
0x17: {  	s14 =	sadd.s32 s15, s14;
	[sflag:s12] =	ssyncset.done $0x0;
	(pc) =	sbr.rel @!p0 .LBB2_2-.Ltmp0, $4  }
0x18: {  	s13 =	sadd.s32 $0x5BC00, s14;
	[sflag:s12] =	ssyncadd.s32 $0xFFFFD000  }
0x19: {  	[hbm4b:s13+s2] =	stream.linear.scatter [tilespmem:s7], [sflag:$0x2], $0x9000, $0x38;
	[tilespmem:$0x9200] =	vst v63  }
0x1a: {  	_ =	swait.ge [sflag:s3], $0x9000  }
0x1b: {  	s14 =	sadd.s32 $0xFFFFFFFF, s31;
	[sflag:s3] =	ssyncset.done $0x0  }
.LBB2_1:
0x1c: {  	p0 =	sne.s32 s14, $0x1;
	s14 =	sadd.s32 $0xFFFFFFFF, s14;
	[sflag:s3] =	ssyncadd.s32 $0xFFFF7000  }
0x1d: {  	[tilespmem:s2], [sflag:$0x2] =	stream.linear.gather [hbm4b:s4+s2], $0x180, $0x38;
	[tilespmem:$0x9200] =	vst v63  }
0x1e: {  	_ =	swait.ge [sflag:s3], $0x180  }
0x1f: {  	[sflag:s3] =	ssyncset.done $0x0  }
0x20: {  	[sflag:s3] =	ssyncadd.s32 $0xFFFFFE80  }
0x21: {  	[tilespmem:s7], [sflag:$0x1] =	stream.indirect.gather [hbm4b:s5+s6], $0x80, s2, s6, $0xb8;
	[tilespmem:$0x9200] =	vst v63  }
0x22: {  	_ = 	snop  }
0x23: {  	[tilespmem:s9], [sflag:$0x1] =	stream.indirect.gather [hbm4b:s5+s6], $0x80, s8, s6, $0xb8;
	[tilespmem:$0x9200] =	vst v63  }
0x24: {  	_ = 	snop  }
0x25: {  	[tilespmem:s11], [sflag:$0x1] =	stream.indirect.gather [hbm4b:s5+s6], $0x80, s10, s6, $0xb8;
	[tilespmem:$0x9200] =	vst v63  }
0x26: {  	_ =	swait.ge [sflag:s12], $0x3000  }
0x27: {  	[sflag:s12] =	ssyncset.done $0x0  }
0x28: {  	[sflag:s12] =	ssyncadd.s32 $0xFFFFD000  }
0x29: {  	_ =	swait.ge [sflag:s12], $0x3000  }
0x2a: {  	[sflag:s12] =	ssyncset.done $0x0  }
0x2b: {  	[sflag:s12] =	ssyncadd.s32 $0xFFFFD000  }
0x2c: {  	_ =	swait.ge [sflag:s12], $0x3000  }
.Ltmp1:
0x2d: {  	[sflag:s12] =	ssyncset.done $0x0;
	(pc) =	sbr.rel @p0 .LBB2_1-.Ltmp1, $4  }
0x2e: {  	[sflag:s12] =	ssyncadd.s32 $0xFFFFD000  }
0x2f: {  	[hbm4b:s13+s2] =	stream.linear.scatter [tilespmem:s7], [sflag:$0x2], $0x9000, $0x38;
	[tilespmem:$0x9200] =	vst v63  }
0x30: {  	_ =	swait.ge [sflag:s3], $0x9000  }
0x31: {  	[sflag:s3] =	ssyncset.done $0x0  }
.LBB2_2:
0x32: {  	[sflag:s3] =	ssyncadd.s32 $0xFFFF7000  }
0x33: {  	_ =	sfence.sel $0x180000  }
0x34: {  	[bflag:$0x0] =	sbarrier.arrive $0xFFFF  }
0x35: {  	p0 =	sne.s32 s0, $0x0;
	_ =	strace $0x90000053  }
0x36: {  	s0 =	sadd.s32 @!p0 $0x100000, s1;
	[bflag:$0x2] =	sbarrier.arrive $0xFFFF  }
0x37: {  	[sflag:s0] =	ssyncadd.tile.s32 @!p0 $0x1;
	_ =	shalt  }
.Lfunc_end2:
_tile_overlayer_lowered:
.L_overlay_start_2:
0x38: {  	(tag) =	ssettag $0x2  }
0x39: {  	s0 =	rddreg [dreg:$0x0];
	s2 =	stileid.u32  }
0x3a: {  	s1 =	rddreg [dreg:$0x1];
	p0 =	sne.s32 s2, $0x0  }
0x3b: {  	s3 =	rddreg [dreg:$0x2];
	[bflag:$0x3] =	sbarrier.arrive $0xFFFF;
	s2 =	simm.s32 @!p0 $0x1C02  }
0x3c: {  	[timem:s3], [sflag:s2] =	dma.local @!p0 [hbm:s0], s1  }
0x3d: {  	s0 =	simm.s32 @!p0 $0x2  }
0x3e: {  	_ =	swait.ge @!p0 [sflag:s0], s1  }
0x3f: {  	s1 =	ssub.s32 @!p0 $0x0, s1;
	[sflag:s0] =	ssyncset.done @!p0 $0x0  }
0x40: {  	[sflag:s0] =	ssyncadd.s32 @!p0 s1  }
0x41: {  	[bflag:$0x3] =	sbarrier.arrive $0xFFFF  }
0x42: {  	_ =	shalt  }

// kernel: kernel.35.cloned.1.call-start
scs
__scs_entry_jumppad:
0x0: {  	(pc) =	sbr.rel $0x88, $3  }
0x1: {  	(tag) =	ssettag $0x0;
	lr =	simm.s32 $0x1  }
0x2: {  	[smem:$0x3F9F] =	sst lr;
	_ =	strace $0xD0000000  }
0x3: {  	_ = 	snop  }
0x4: {  	_ = 	snop  }
0x5: {  	_ = 	snop  }
0x6: {  	_ = 	snop  }
0x7: {  	_ = 	snop  }
__scs_overlays_trampoline_lowered:
0x8: {  	[smem:$0x3FAE] =	sst s0  }
0x9: {  	[smem:$0x3FAF] =	sst s1  }
0xa: {  	[smem:$0x3FB0] =	sst s2  }
0xb: {  	[smem:$0x3FB1] =	sst s3  }
0xc: {  	[smem:$0x3FB2] =	sst s4  }
0xd: {  	[smem:$0x3FB3] =	sst s5  }
0xe: {  	[smem:$0x3FB4] =	sst s6  }
0xf: {  	[smem:$0x3FB5] =	sst s7  }
0x10: {  	[smem:$0x3FB6] =	sst s8  }
0x11: {  	[smem:$0x3FB7] =	sst s9;
	s0 =	simm.s32 @!p0 $0x0  }
0x12: {  	s1 =	sld [smem:$0x3F9D];
	s0 =	simm.s32 @p0 $0x1  }
0x13: {  	[smem:$0x3FB8] =	sst s0;
	s0 =	simm.s32 @!p1 $0x0  }
0x14: {  	s2 =	sld [smem:$0x3F9C];
	s0 =	simm.s32 @p1 $0x1  }
0x15: {  	[smem:$0x3FB9] =	sst s0;
	s0 =	simm.s32 @!p2 $0x0  }
0x16: {  	s3 =	sld [smem:$0x3FDB];
	s0 =	simm.s32 @p2 $0x1  }
0x17: {  	s4 =	simm.s32 $0x1BF5;
	[smem:$0x3FBB] =	sst s0  }
0x18: {  	s0 =	sld [smem:$0x3F9E];
	_ =	swait.ge [sflag:s4], $0x0  }
0x19: {  	s7 =	sld [smem:$0x3F9F]  }
0x1a: {  	s8 =	sadd.s32 $0xFFFFE003, lr  }
0x1b: {  	s9 =	sadd.s32 $0xFFFFFEF7, lr;
	s5 =	simm.s32 $0xFFFFFFFF;
	p2 =	slt.u32 s8, $0xFFFFF086  }
0x1c: {  	p1 =	slt.u32 s9, $0xF7A;
	s5 =	simm.s32 @!p2 $0x0  }
0x1d: {  	s5 =	simm.s32 @p1 $0x1;
	p0 =	seq.s32 s7, s2  }
0x1e: {  	s7 =	smul.u32 @!p0 $0xF7A, s2;
	p2 =	seq.s32 @!p0 s5, $0x0  }
0x1f: {  	s9 =	smul.u32 $0xF7A, s1;
	s8 =	simm.s32 @!p0 $0x1BF5;
	p2 =	por !p2, p0  }
0x20: {  	[sflag:s8] =	ssyncset.s32 @!p0 $0xFFFFF086;
	s6 =	sadd.s32 @!p0 s3, s7;
	s7 =	simm.s32 @!p0 $0x108  }
0x21: {  	s3 =	sadd.s32 s3, s9;
	s6 =	sadd.s32 @!p0 $0x88, s6;
	s7 =	simm.s32 @p2 $0x1082  }
0x22: {  	[simem:s7], [sflag:s8] =	dma.local @!p0 [hbm:s6], $0xF7A  }
0x23: {  	s9 =	sor.u32 $0xD0000000, s2;
	s6 =	simm.s32 $0x108;
	_ =	swait.ge @!p0 [sflag:s8], $0x0  }
0x24: {  	s3 =	sadd.s32 $0x88, s3;
	s6 =	simm.s32 @!p1 $0x1082;
	[sflag:s4] =	ssyncset.s32 $0xFFFFF086  }
0x25: {  	[simem:s6], [sflag:s4] =	dma.local [hbm:s3], $0xF7A  }
0x26: {  	[smem:$0x3F9F] =	sst s1;
	(tag) =	ssettag s2;
	_ =	strace s9  }
0x27: {  	s1 =	sld [smem:$0x3FAF]  }
0x28: {  	s2 =	sld [smem:$0x3FB0]  }
0x29: {  	s4 =	sld [smem:$0x3FB2]  }
0x2a: {  	p0 =	seq.s32 s5, $0x0;
	s5 =	sld [smem:$0x3FB3]  }
0x2b: {  	s6 =	sld [smem:$0x3FB4]  }
0x2c: {  	s7 =	sld [smem:$0x3FB5]  }
0x2d: {  	s3 =	simm.s32 $0x108;
	s8 =	sld [smem:$0x3FB6]  }
0x2e: {  	s3 =	simm.s32 @!p0 $0x1082;
	s9 =	sld [smem:$0x3FB7]  }
0x2f: {  	lr =	sadd.s32 s0, s3;
	s0 =	sld [smem:$0x3FAE]  }
0x30: {  	s3 =	sld [smem:$0x3FB1]  }
0x31: {  	[smem:$0x3FBA] =	sst s10  }
0x32: {  	s10 =	sld [smem:$0x3FB8];
	_ =	sdelay $0x3  }
0x33: {  	p0 =	seq.s32 s10, $0x1;
	s10 =	sld [smem:$0x3FBA];
	_ =	sdelay $0x3  }
0x34: {  	[smem:$0x3FBA] =	sst s10  }
0x35: {  	s10 =	sld [smem:$0x3FB9];
	_ =	sdelay $0x3  }
0x36: {  	p1 =	seq.s32 s10, $0x1;
	s10 =	sld [smem:$0x3FBA];
	_ =	sdelay $0x3  }
0x37: {  	[smem:$0x3FBA] =	sst s10  }
0x38: {  	s10 =	sld [smem:$0x3FBB]  }
0x39: {  	_ = 	snop;
	(pc) =	sbr.ind lr, $3  }
0x3a: {  	_ = 	snop  }
0x3b: {  	_ = 	snop  }
0x3c: {  	p2 =	seq.s32 s10, $0x1;
	s10 =	sld [smem:$0x3FBA]  }
0x3d: {  	_ =	shalt  }
0x3e: {  	_ =	shalt  }
0x3f: {  	_ =	shalt  }
0x40: {  	_ =	shalt  }
0x41: {  	_ =	shalt  }
0x42: {  	_ =	shalt  }
0x43: {  	_ =	shalt  }
0x44: {  	_ =	shalt  }
0x45: {  	_ =	shalt  }
0x46: {  	_ =	shalt  }
0x47: {  	_ =	shalt  }
0x48: {  	_ =	shalt  }
0x49: {  	_ =	shalt  }
0x4a: {  	_ =	shalt  }
0x4b: {  	_ =	shalt  }
0x4c: {  	_ =	shalt  }
0x4d: {  	_ =	shalt  }
0x4e: {  	_ =	shalt  }
0x4f: {  	_ =	shalt  }
0x50: {  	_ =	shalt  }
0x51: {  	_ =	shalt  }
0x52: {  	_ =	shalt  }
0x53: {  	_ =	shalt  }
0x54: {  	_ =	shalt  }
0x55: {  	_ =	shalt  }
0x56: {  	_ =	shalt  }
0x57: {  	_ =	shalt  }
0x58: {  	_ =	shalt  }
0x59: {  	_ =	shalt  }
0x5a: {  	_ =	shalt  }
0x5b: {  	_ =	shalt  }
0x5c: {  	_ =	shalt  }
0x5d: {  	_ =	shalt  }
0x5e: {  	_ =	shalt  }
0x5f: {  	_ =	shalt  }
0x60: {  	_ =	shalt  }
0x61: {  	_ =	shalt  }
0x62: {  	_ =	shalt  }
0x63: {  	_ =	shalt  }
0x64: {  	_ =	shalt  }
0x65: {  	_ =	shalt  }
0x66: {  	_ =	shalt  }
0x67: {  	_ =	shalt  }
0x68: {  	_ =	shalt  }
0x69: {  	_ =	shalt  }
0x6a: {  	_ =	shalt  }
0x6b: {  	_ =	shalt  }
0x6c: {  	_ =	shalt  }
0x6d: {  	_ =	shalt  }
0x6e: {  	_ =	shalt  }
0x6f: {  	_ =	shalt  }
0x70: {  	_ =	shalt  }
0x71: {  	_ =	shalt  }
0x72: {  	_ =	shalt  }
0x73: {  	_ =	shalt  }
0x74: {  	_ =	shalt  }
0x75: {  	_ =	shalt  }
0x76: {  	_ =	shalt  }
0x77: {  	_ =	shalt  }
0x78: {  	_ =	shalt  }
0x79: {  	_ =	shalt  }
0x7a: {  	_ =	shalt  }
0x7b: {  	_ =	shalt  }
0x7c: {  	_ =	shalt  }
0x7d: {  	_ =	shalt  }
0x7e: {  	_ =	shalt  }
0x7f: {  	_ =	shalt  }
0x80: {  	_ =	shalt  }
0x81: {  	_ =	shalt  }
0x82: {  	_ =	shalt  }
0x83: {  	_ =	shalt  }
0x84: {  	_ =	shalt  }
0x85: {  	_ =	shalt  }
0x86: {  	_ =	shalt  }
0x87: {  	_ =	shalt  }
.Lfunc_end0:
.L_simem_size_0:
called_computation.5_lowered:
.L_overlay_start_0:
0x88: {  	s2 =	sld [smem:$0x3FD9]  }
0x89: {  	s3 =	sld [smem:$0x3FFE];
	_ =	sdelay $0x1  }
0x8a: {  	s1 =	srdreg.scid  }
0x8b: {  	s0 =	sand.u32 $0x1, s1  }
0x8c: {  	s17 =	sshll.u32 s0, $0xA;
	s2 =	sadd.s32 s3, s2  }
0x8d: {  	s2 =	sadd.s32 s2, s17  }
0x8e: {  	[smem:$0x3FC6] =	sst s2  }
0x8f: {  	_ = 	snop  }
0x90: {  	s18 =	sld [smem:$0x3FD0];
	(tm) =	ssettm $0x1  }
0x91: {  	s19 =	sld [smem:$0x3FFB];
	_ =	sdelay $0x3  }
0x92: {  	_ =	strace s19  }
0x93: {  	s2 =	sld [smem:$0x3FFC];
	_ =	sdelay $0x3  }
0x94: {  	_ =	strace s2  }
0x95: {  	s2 =	sld [smem:$0x3FFD];
	_ =	sdelay $0x3  }
0x96: {  	_ =	strace s2  }
0x97: {  	_ =	strace $0x8FFFFFFF  }
0x98: {  	s20 =	sld [smem:$0x3FDB];
	_ =	sdelay $0x1  }
0x99: {  	s4 =	simm.s32 $_scs_section_size  }
0x9a: {  	s5 =	simm.s32 $_size__tile_overlayer_lowered;
	s6 =	simm.s32 $_tile_overlayer_lowered  }
0x9b: {  	s7 =	simm.s32 $0x1BFF;
	s21 =	sshll.u32 s6, $0x1;
	s4 =	sadd.s32 s4, s20  }
0x9c: {  	s22 =	simm.s32 $0x0;
	s5 =	sshll.u32 s5, $0x1;
	s6 =	sadd.s32 s21, s4  }
0x9d: {  	[timem:s22], [sflag:s7] =	dma.local [hbm:s6], s5  }
0x9e: {  	_ =	swait.ge [sflag:s7], s5  }
0x9f: {  	s5 =	ssub.s32 $0x0, s5;
	[sflag:s7] =	ssyncset.done $0x0  }
0xa0: {  	[sflag:s7] =	ssyncadd.s32 s5;
	_ =	sdelay $0x1  }
0xa1: {  	s23 =	simm.s32 $0x1B8B  }
0xa2: {  	_ =	swait.ge [sflag:s23], $0x1  }
0xa3: {  	[sflag:s23] =	ssyncset.done $0x0  }
0xa4: {  	[sflag:s23] =	ssyncadd.s32 $0xFFFFFFFF  }
0xa5: {  	s5 =	sld [smem:$0x0]  }
0xa6: {  	s6 =	sand.u32 $0xFFFFFFFE, s1  }
0xa7: {  	p0 =	sne.s32 s1, s6  }
0xa8: {  	s6 =	sshll.u32 @p0 s6, $0xE  }
0xa9: {  	s6 =	sadd.s32 @p0 $0x11B8D, s6;
	s7 =	sshll.u32 @p0 s5, $0x11  }
0xaa: {  	s6 =	sor.u32 @p0 s7, s6  }
0xab: {  	[sflag:s6] =	ssyncadd.remote.s32 @p0 $0x1;
	_ =	sdelay $0x1  }
0xac: {  	s6 =	simm.s32 @p0 $0x1B8D  }
0xad: {  	_ =	swait.eq @p0 [sflag:s6], $0x1  }
0xae: {  	[sflag:s6] =	ssyncadd.s32 @p0 $0xFFFFFFFF  }
0xaf: {  	s7 =	sshll.u32 @!p0 s1, $0xE  }
0xb0: {  	s7 =	sor.u32 @!p0 $0x4000, s7;
	s6 =	simm.s32 @!p0 $0x1B8D  }
0xb1: {  	s5 =	sshll.u32 @!p0 s5, $0x11;
	s7 =	sadd.s32 @!p0 $0x11B8D, s7;
	_ =	swait.eq @!p0 [sflag:s6], $0x1  }
0xb2: {  	s5 =	sor.u32 @!p0 s5, s7;
	[sflag:s6] =	ssyncadd.s32 @!p0 $0xFFFFFFFF  }
0xb3: {  	s25 =	simm.s32 $0x1B8E;
	s24 =	sld [smem:$0x3FFE];
	[sflag:s5] =	ssyncadd.remote.s32 @!p0 $0x1  }
0xb4: {  	s26 =	simm.s32 $execute0_lowered;
	[smem:$0x3FD2] =	sst s25  }
0xb5: {  	s6 =	sshll.u32 s26, $0x1;
	_ =	strace $0x80000055;
	[dreg:$0x1] =	wrdreg $0xFFFFFFFF  }
0xb6: {  	s28 =	simm.s32 $_size_execute0_lowered;
	s4 =	sadd.s32 s4, s6;
	[dreg:$0x0] =	wrdreg $0x0  }
0xb7: {  	s6 =	sshll.u32 s28, $0x1;
	[dreg:$0x2] =	wrdreg s4  }
0xb8: {  	[dreg:$0x3] =	wrdreg s6  }
0xb9: {  	[dreg:$0x4] =	wrdreg $0xC0  }
0xba: {  	_ =	task [dreg:s22], $0x5FFFF  }
0xbb: {  	[dreg:$0x1] =	wrdreg $0xFFFFFFFF  }
0xbc: {  	[dreg:$0x0] =	wrdreg $0x60  }
0xbd: {  	[dreg:$0x2] =	wrdreg s24  }
0xbe: {  	[dreg:$0x3] =	wrdreg s18  }
0xbf: {  	[dreg:$0x4] =	wrdreg $0x9  }
0xc0: {  	_ =	task.clear_ibuf [dreg:s22], $0x5FFFF;
	_ =	strace $0x90000055  }
0xc1: {  	s29 =	simm.s32 $0x9;
	_ =	strace $0x80000057  }
0xc2: {  	_ =	swait.ge [sflag:s29], $0x1  }
0xc3: {  	[sflag:s29] =	ssyncadd.s32 $0xFFFFFFFF  }
0xc4: {  	_ =	strace $0x90000057  }
0xc5: {  	_ =	sfence  }
0xc6: {  	s30 =	sld [smem:$0x0];
	_ =	sdelay $0x2  }
0xc7: {  	s31 =	sshll.u32 s1, $0xD;
	s1 =	sshrl.u32 s1, $0x2  }
0xc8: {  	s4 =	sand.u32 $0x4000, s31;
	s1 =	sadd.s32 s1, s30  }
0xc9: {  	s0 =	sor.u32 s4, s0;
	s1 =	sshll.u32 s1, $0x11  }
0xca: {  	s0 =	sor.u32 s1, s0  }
0xcb: {  	s0 =	sadd.s32 $0x8F2B, s0  }
0xcc: {  	[sflag:s0] =	ssyncadd.remote.s32 $0x1  }
0xcd: {  	_ =	sfence.sel $0xFFFF  }
0xce: {  	[dreg:$0x0] =	wrdreg $0xFFFFFFFF;
	(pc) =	sbr.abs _section_cstart, $3  }
0xcf: {  	[dreg:$0x1] =	wrdreg $0xFFFFFFFF  }
0xd0: {  	_ =	task.clear_ibuf [dreg:s22], $0x2FFFF;
	_ =	strace $0x9FFFFFFF  }
0xd1: {  	(tm) =	ssettm $0x7FFFFFFF  }
tec
execute0_lowered:
.L_overlay_start_1:
0x0: {  	(tag) =	ssettag $0x1  }
0x1: {  	s1 =	srdreg.scid;
	s0 =	stileid.u32  }
0x2: {  	s5 =	rddreg [dreg:$0x0];
	s13 =	sand.u32 $0x1, s1;
	s30 =	sshll.u32 s0, $0x1  }
0x3: {  	s14 =	rddreg [dreg:$0x1];
	s15 =	sor.u32 s13, s30  }
0x4: {  	s2 =	simm.s32 $0x0;
	s1 =	rddreg [dreg:$0x2];
	s3 =	sshll.u32 s15, $0x6  }
0x5: {  	[smem:$0x7FF] =	sst s2;
	s3 =	sadd.s32 s3, s5  }
0x6: {  	_ =	strace $0x80000056;
	s4 =	sadd.s32 $0x3400, s3;
	s3 =	simm.s32 $0x2  }
0x7: {  	[tilespmem:s2], [sflag:$0x2] =	stream.linear.gather [hbm4b:s4+s2], $0x180, $0x38;
	[tilespmem:$0x9200] =	vst v63  }
0x8: {  	_ =	swait.ge [sflag:s3], $0x180  }
0x9: {  	s6 =	simm.s32 $0x60;
	[sflag:s3] =	ssyncset.done $0x0  }
0xa: {  	s7 =	simm.s32 $0x200;
	s5 =	sadd.s32 $0xB400, s5;
	[sflag:s3] =	ssyncadd.s32 $0xFFFFFE80  }
0xb: {  	[tilespmem:s7], [sflag:$0x1] =	stream.indirect.gather [hbm4b:s5+s6], $0x80, s2, s6, $0xb8;
	[tilespmem:$0x9200] =	vst v63  }
0xc: {  	s8 =	simm.s32 $0x80;
	s9 =	simm.s32 $0x3200  }
0xd: {  	[tilespmem:s9], [sflag:$0x1] =	stream.indirect.gather [hbm4b:s5+s6], $0x80, s8, s6, $0xb8;
	[tilespmem:$0x9200] =	vst v63  }
0xe: {  	s10 =	simm.s32 $0x100;
	s11 =	simm.s32 $0x6200;
	s12 =	simm.s32 $0x1  }
0xf: {  	[tilespmem:s11], [sflag:$0x1] =	stream.indirect.gather [hbm4b:s5+s6], $0x80, s10, s6, $0xb8;
	[tilespmem:$0x9200] =	vst v63  }
0x10: {  	_ =	swait.ge [sflag:s12], $0x3000  }
0x11: {  	[sflag:s12] =	ssyncset.done $0x0  }
0x12: {  	s13 =	ssub.s32 $0x2, s13;
	[sflag:s12] =	ssyncadd.s32 $0xFFFFD000  }
0x13: {  	s16 =	sshrl.u32 s13, $0x1;
	_ =	swait.ge [sflag:s12], $0x3000  }
0x14: {  	s16 =	ssub.s32 s13, s16;
	[sflag:s12] =	ssyncset.done $0x0  }
0x15: {  	s31 =	smax.u32 s16, $0x1;
	[sflag:s12] =	ssyncadd.s32 $0xFFFFD000  }
0x16: {  	s15 =	smul.u32 $0x1200, s15;
	p0 =	sne.s32 s31, $0x1;
	_ =	swait.ge [sflag:s12], $0x3000  }
.Ltmp0:
0x17: {  	[sflag:s12] =	ssyncset.done $0x0;
	(pc) =	sbr.rel @!p0 .LBB2_2-.Ltmp0, $4  }
0x18: {  	s13 =	sadd.s32 s14, s15;
	[sflag:s12] =	ssyncadd.s32 $0xFFFFD000  }
0x19: {  	[hbm4b:s13+s2] =	stream.linear.scatter [tilespmem:s7], [sflag:$0x2], $0x9000, $0x38;
	[tilespmem:$0x9200] =	vst v63  }
0x1a: {  	_ =	swait.ge [sflag:s3], $0x9000  }
0x1b: {  	s14 =	sadd.s32 $0xFFFFFFFF, s31;
	[sflag:s3] =	ssyncset.done $0x0  }
.LBB2_1:
0x1c: {  	p0 =	sne.s32 s14, $0x1;
	s14 =	sadd.s32 $0xFFFFFFFF, s14;
	[sflag:s3] =	ssyncadd.s32 $0xFFFF7000  }
0x1d: {  	[tilespmem:s2], [sflag:$0x2] =	stream.linear.gather [hbm4b:s4+s2], $0x180, $0x38;
	[tilespmem:$0x9200] =	vst v63  }
0x1e: {  	_ =	swait.ge [sflag:s3], $0x180  }
0x1f: {  	[sflag:s3] =	ssyncset.done $0x0  }
0x20: {  	[sflag:s3] =	ssyncadd.s32 $0xFFFFFE80  }
0x21: {  	[tilespmem:s7], [sflag:$0x1] =	stream.indirect.gather [hbm4b:s5+s6], $0x80, s2, s6, $0xb8;
	[tilespmem:$0x9200] =	vst v63  }
0x22: {  	_ = 	snop  }
0x23: {  	[tilespmem:s9], [sflag:$0x1] =	stream.indirect.gather [hbm4b:s5+s6], $0x80, s8, s6, $0xb8;
	[tilespmem:$0x9200] =	vst v63  }
0x24: {  	_ = 	snop  }
0x25: {  	[tilespmem:s11], [sflag:$0x1] =	stream.indirect.gather [hbm4b:s5+s6], $0x80, s10, s6, $0xb8;
	[tilespmem:$0x9200] =	vst v63  }
0x26: {  	_ =	swait.ge [sflag:s12], $0x3000  }
0x27: {  	[sflag:s12] =	ssyncset.done $0x0  }
0x28: {  	[sflag:s12] =	ssyncadd.s32 $0xFFFFD000  }
0x29: {  	_ =	swait.ge [sflag:s12], $0x3000  }
0x2a: {  	[sflag:s12] =	ssyncset.done $0x0  }
0x2b: {  	[sflag:s12] =	ssyncadd.s32 $0xFFFFD000  }
0x2c: {  	_ =	swait.ge [sflag:s12], $0x3000  }
.Ltmp1:
0x2d: {  	[sflag:s12] =	ssyncset.done $0x0;
	(pc) =	sbr.rel @p0 .LBB2_1-.Ltmp1, $4  }
0x2e: {  	[sflag:s12] =	ssyncadd.s32 $0xFFFFD000  }
0x2f: {  	[hbm4b:s13+s2] =	stream.linear.scatter [tilespmem:s7], [sflag:$0x2], $0x9000, $0x38;
	[tilespmem:$0x9200] =	vst v63  }
0x30: {  	_ =	swait.ge [sflag:s3], $0x9000  }
0x31: {  	[sflag:s3] =	ssyncset.done $0x0  }
.LBB2_2:
0x32: {  	[sflag:s3] =	ssyncadd.s32 $0xFFFF7000  }
0x33: {  	_ =	sfence.sel $0x180000  }
0x34: {  	[bflag:$0x0] =	sbarrier.arrive $0xFFFF  }
0x35: {  	p0 =	sne.s32 s0, $0x0;
	_ =	strace $0x90000056  }
0x36: {  	s0 =	sadd.s32 @!p0 $0x100000, s1;
	[bflag:$0x2] =	sbarrier.arrive $0xFFFF  }
0x37: {  	[sflag:s0] =	ssyncadd.tile.s32 @!p0 $0x1;
	_ =	shalt  }
.Lfunc_end2:
_tile_overlayer_lowered:
.L_overlay_start_2:
0x38: {  	(tag) =	ssettag $0x2  }
0x39: {  	s0 =	rddreg [dreg:$0x0];
	s2 =	stileid.u32  }
0x3a: {  	s1 =	rddreg [dreg:$0x1];
	p0 =	sne.s32 s2, $0x0  }
0x3b: {  	s3 =	rddreg [dreg:$0x2];
	[bflag:$0x3] =	sbarrier.arrive $0xFFFF;
	s2 =	simm.s32 @!p0 $0x1C02  }
0x3c: {  	[timem:s3], [sflag:s2] =	dma.local @!p0 [hbm:s0], s1  }
0x3d: {  	s0 =	simm.s32 @!p0 $0x2  }
0x3e: {  	_ =	swait.ge @!p0 [sflag:s0], s1  }
0x3f: {  	s1 =	ssub.s32 @!p0 $0x0, s1;
	[sflag:s0] =	ssyncset.done @!p0 $0x0  }
0x40: {  	[sflag:s0] =	ssyncadd.s32 @!p0 s1  }
0x41: {  	[bflag:$0x3] =	sbarrier.arrive $0xFFFF  }
0x42: {  	_ =	shalt  }

// kernel: kernel.38.cloned.1.call-start
scs
__scs_entry_jumppad:
0x0: {  	(pc) =	sbr.rel $0x88, $3  }
0x1: {  	(tag) =	ssettag $0x0;
	lr =	simm.s32 $0x1  }
0x2: {  	[smem:$0x3F9F] =	sst lr;
	_ =	strace $0xD0000000  }
0x3: {  	_ = 	snop  }
0x4: {  	_ = 	snop  }
0x5: {  	_ = 	snop  }
0x6: {  	_ = 	snop  }
0x7: {  	_ = 	snop  }
__scs_overlays_trampoline_lowered:
0x8: {  	[smem:$0x3FAE] =	sst s0  }
0x9: {  	[smem:$0x3FAF] =	sst s1  }
0xa: {  	[smem:$0x3FB0] =	sst s2  }
0xb: {  	[smem:$0x3FB1] =	sst s3  }
0xc: {  	[smem:$0x3FB2] =	sst s4  }
0xd: {  	[smem:$0x3FB3] =	sst s5  }
0xe: {  	[smem:$0x3FB4] =	sst s6  }
0xf: {  	[smem:$0x3FB5] =	sst s7  }
0x10: {  	[smem:$0x3FB6] =	sst s8  }
0x11: {  	[smem:$0x3FB7] =	sst s9;
	s0 =	simm.s32 @!p0 $0x0  }
0x12: {  	s1 =	sld [smem:$0x3F9D];
	s0 =	simm.s32 @p0 $0x1  }
0x13: {  	[smem:$0x3FB8] =	sst s0;
	s0 =	simm.s32 @!p1 $0x0  }
0x14: {  	s2 =	sld [smem:$0x3F9C];
	s0 =	simm.s32 @p1 $0x1  }
0x15: {  	[smem:$0x3FB9] =	sst s0;
	s0 =	simm.s32 @!p2 $0x0  }
0x16: {  	s3 =	sld [smem:$0x3FDB];
	s0 =	simm.s32 @p2 $0x1  }
0x17: {  	s4 =	simm.s32 $0x1BF5;
	[smem:$0x3FBB] =	sst s0  }
0x18: {  	s0 =	sld [smem:$0x3F9E];
	_ =	swait.ge [sflag:s4], $0x0  }
0x19: {  	s7 =	sld [smem:$0x3F9F]  }
0x1a: {  	s8 =	sadd.s32 $0xFFFFE003, lr  }
0x1b: {  	s9 =	sadd.s32 $0xFFFFFEF7, lr;
	s5 =	simm.s32 $0xFFFFFFFF;
	p2 =	slt.u32 s8, $0xFFFFF086  }
0x1c: {  	p1 =	slt.u32 s9, $0xF7A;
	s5 =	simm.s32 @!p2 $0x0  }
0x1d: {  	s5 =	simm.s32 @p1 $0x1;
	p0 =	seq.s32 s7, s2  }
0x1e: {  	s7 =	smul.u32 @!p0 $0xF7A, s2;
	p2 =	seq.s32 @!p0 s5, $0x0  }
0x1f: {  	s9 =	smul.u32 $0xF7A, s1;
	s8 =	simm.s32 @!p0 $0x1BF5;
	p2 =	por !p2, p0  }
0x20: {  	[sflag:s8] =	ssyncset.s32 @!p0 $0xFFFFF086;
	s6 =	sadd.s32 @!p0 s3, s7;
	s7 =	simm.s32 @!p0 $0x108  }
0x21: {  	s3 =	sadd.s32 s3, s9;
	s6 =	sadd.s32 @!p0 $0x88, s6;
	s7 =	simm.s32 @p2 $0x1082  }
0x22: {  	[simem:s7], [sflag:s8] =	dma.local @!p0 [hbm:s6], $0xF7A  }
0x23: {  	s9 =	sor.u32 $0xD0000000, s2;
	s6 =	simm.s32 $0x108;
	_ =	swait.ge @!p0 [sflag:s8], $0x0  }
0x24: {  	s3 =	sadd.s32 $0x88, s3;
	s6 =	simm.s32 @!p1 $0x1082;
	[sflag:s4] =	ssyncset.s32 $0xFFFFF086  }
0x25: {  	[simem:s6], [sflag:s4] =	dma.local [hbm:s3], $0xF7A  }
0x26: {  	[smem:$0x3F9F] =	sst s1;
	(tag) =	ssettag s2;
	_ =	strace s9  }
0x27: {  	s1 =	sld [smem:$0x3FAF]  }
0x28: {  	s2 =	sld [smem:$0x3FB0]  }
0x29: {  	s4 =	sld [smem:$0x3FB2]  }
0x2a: {  	p0 =	seq.s32 s5, $0x0;
	s5 =	sld [smem:$0x3FB3]  }
0x2b: {  	s6 =	sld [smem:$0x3FB4]  }
0x2c: {  	s7 =	sld [smem:$0x3FB5]  }
0x2d: {  	s3 =	simm.s32 $0x108;
	s8 =	sld [smem:$0x3FB6]  }
0x2e: {  	s3 =	simm.s32 @!p0 $0x1082;
	s9 =	sld [smem:$0x3FB7]  }
0x2f: {  	lr =	sadd.s32 s0, s3;
	s0 =	sld [smem:$0x3FAE]  }
0x30: {  	s3 =	sld [smem:$0x3FB1]  }
0x31: {  	[smem:$0x3FBA] =	sst s10  }
0x32: {  	s10 =	sld [smem:$0x3FB8];
	_ =	sdelay $0x3  }
0x33: {  	p0 =	seq.s32 s10, $0x1;
	s10 =	sld [smem:$0x3FBA];
	_ =	sdelay $0x3  }
0x34: {  	[smem:$0x3FBA] =	sst s10  }
0x35: {  	s10 =	sld [smem:$0x3FB9];
	_ =	sdelay $0x3  }
0x36: {  	p1 =	seq.s32 s10, $0x1;
	s10 =	sld [smem:$0x3FBA];
	_ =	sdelay $0x3  }
0x37: {  	[smem:$0x3FBA] =	sst s10  }
0x38: {  	s10 =	sld [smem:$0x3FBB]  }
0x39: {  	_ = 	snop;
	(pc) =	sbr.ind lr, $3  }
0x3a: {  	_ = 	snop  }
0x3b: {  	_ = 	snop  }
0x3c: {  	p2 =	seq.s32 s10, $0x1;
	s10 =	sld [smem:$0x3FBA]  }
0x3d: {  	_ =	shalt  }
0x3e: {  	_ =	shalt  }
0x3f: {  	_ =	shalt  }
0x40: {  	_ =	shalt  }
0x41: {  	_ =	shalt  }
0x42: {  	_ =	shalt  }
0x43: {  	_ =	shalt  }
0x44: {  	_ =	shalt  }
0x45: {  	_ =	shalt  }
0x46: {  	_ =	shalt  }
0x47: {  	_ =	shalt  }
0x48: {  	_ =	shalt  }
0x49: {  	_ =	shalt  }
0x4a: {  	_ =	shalt  }
0x4b: {  	_ =	shalt  }
0x4c: {  	_ =	shalt  }
0x4d: {  	_ =	shalt  }
0x4e: {  	_ =	shalt  }
0x4f: {  	_ =	shalt  }
0x50: {  	_ =	shalt  }
0x51: {  	_ =	shalt  }
0x52: {  	_ =	shalt  }
0x53: {  	_ =	shalt  }
0x54: {  	_ =	shalt  }
0x55: {  	_ =	shalt  }
0x56: {  	_ =	shalt  }
0x57: {  	_ =	shalt  }
0x58: {  	_ =	shalt  }
0x59: {  	_ =	shalt  }
0x5a: {  	_ =	shalt  }
0x5b: {  	_ =	shalt  }
0x5c: {  	_ =	shalt  }
0x5d: {  	_ =	shalt  }
0x5e: {  	_ =	shalt  }
0x5f: {  	_ =	shalt  }
0x60: {  	_ =	shalt  }
0x61: {  	_ =	shalt  }
0x62: {  	_ =	shalt  }
0x63: {  	_ =	shalt  }
0x64: {  	_ =	shalt  }
0x65: {  	_ =	shalt  }
0x66: {  	_ =	shalt  }
0x67: {  	_ =	shalt  }
0x68: {  	_ =	shalt  }
0x69: {  	_ =	shalt  }
0x6a: {  	_ =	shalt  }
0x6b: {  	_ =	shalt  }
0x6c: {  	_ =	shalt  }
0x6d: {  	_ =	shalt  }
0x6e: {  	_ =	shalt  }
0x6f: {  	_ =	shalt  }
0x70: {  	_ =	shalt  }
0x71: {  	_ =	shalt  }
0x72: {  	_ =	shalt  }
0x73: {  	_ =	shalt  }
0x74: {  	_ =	shalt  }
0x75: {  	_ =	shalt  }
0x76: {  	_ =	shalt  }
0x77: {  	_ =	shalt  }
0x78: {  	_ =	shalt  }
0x79: {  	_ =	shalt  }
0x7a: {  	_ =	shalt  }
0x7b: {  	_ =	shalt  }
0x7c: {  	_ =	shalt  }
0x7d: {  	_ =	shalt  }
0x7e: {  	_ =	shalt  }
0x7f: {  	_ =	shalt  }
0x80: {  	_ =	shalt  }
0x81: {  	_ =	shalt  }
0x82: {  	_ =	shalt  }
0x83: {  	_ =	shalt  }
0x84: {  	_ =	shalt  }
0x85: {  	_ =	shalt  }
0x86: {  	_ =	shalt  }
0x87: {  	_ =	shalt  }
.Lfunc_end0:
.L_simem_size_0:
called_computation.6_lowered:
.L_overlay_start_0:
0x88: {  	s2 =	sld [smem:$0x3FD9]  }
0x89: {  	s3 =	sld [smem:$0x3FFE];
	_ =	sdelay $0x1  }
0x8a: {  	s1 =	srdreg.scid  }
0x8b: {  	s0 =	sand.u32 $0x1, s1  }
0x8c: {  	s17 =	sshll.u32 s0, $0xA;
	s2 =	sadd.s32 s3, s2  }
0x8d: {  	s2 =	sadd.s32 s2, s17  }
0x8e: {  	[smem:$0x3FC6] =	sst s2  }
0x8f: {  	_ = 	snop  }
0x90: {  	(tm) =	ssettm $0x1  }
0x91: {  	s18 =	sld [smem:$0x3FFB];
	_ =	sdelay $0x3  }
0x92: {  	_ =	strace s18  }
0x93: {  	s2 =	sld [smem:$0x3FFC];
	_ =	sdelay $0x3  }
0x94: {  	_ =	strace s2  }
0x95: {  	s2 =	sld [smem:$0x3FFD];
	_ =	sdelay $0x3  }
0x96: {  	_ =	strace s2  }
0x97: {  	_ =	strace $0x8FFFFFFF  }
0x98: {  	s19 =	sld [smem:$0x3FDB];
	_ =	sdelay $0x1  }
0x99: {  	s20 =	simm.s32 $_scs_section_size  }
0x9a: {  	s4 =	simm.s32 $_size__tile_overlayer_lowered;
	s5 =	simm.s32 $_tile_overlayer_lowered  }
0x9b: {  	s6 =	simm.s32 $0x1BFF;
	s21 =	sshll.u32 s5, $0x1;
	s3 =	sadd.s32 s20, s19  }
0x9c: {  	s22 =	simm.s32 $0x0;
	s4 =	sshll.u32 s4, $0x1;
	s5 =	sadd.s32 s21, s3  }
0x9d: {  	[timem:s22], [sflag:s6] =	dma.local [hbm:s5], s4  }
0x9e: {  	_ =	swait.ge [sflag:s6], s4  }
0x9f: {  	s4 =	ssub.s32 $0x0, s4;
	[sflag:s6] =	ssyncset.done $0x0  }
0xa0: {  	[sflag:s6] =	ssyncadd.s32 s4;
	_ =	sdelay $0x1  }
0xa1: {  	s23 =	simm.s32 $0x1B8B  }
0xa2: {  	_ =	swait.ge [sflag:s23], $0x1  }
0xa3: {  	[sflag:s23] =	ssyncset.done $0x0  }
0xa4: {  	[sflag:s23] =	ssyncadd.s32 $0xFFFFFFFF  }
0xa5: {  	s4 =	sld [smem:$0x0]  }
0xa6: {  	s5 =	sand.u32 $0xFFFFFFFE, s1  }
0xa7: {  	p0 =	sne.s32 s1, s5  }
0xa8: {  	s5 =	sshll.u32 @p0 s5, $0xE  }
0xa9: {  	s5 =	sadd.s32 @p0 $0x11B8D, s5;
	s6 =	sshll.u32 @p0 s4, $0x11  }
0xaa: {  	s5 =	sor.u32 @p0 s6, s5  }
0xab: {  	[sflag:s5] =	ssyncadd.remote.s32 @p0 $0x1;
	_ =	sdelay $0x1  }
0xac: {  	s5 =	simm.s32 @p0 $0x1B8D  }
0xad: {  	_ =	swait.eq @p0 [sflag:s5], $0x1  }
0xae: {  	[sflag:s5] =	ssyncadd.s32 @p0 $0xFFFFFFFF  }
0xaf: {  	s6 =	sshll.u32 @!p0 s1, $0xE  }
0xb0: {  	s6 =	sor.u32 @!p0 $0x4000, s6;
	s5 =	simm.s32 @!p0 $0x1B8D  }
0xb1: {  	s4 =	sshll.u32 @!p0 s4, $0x11;
	s6 =	sadd.s32 @!p0 $0x11B8D, s6;
	_ =	swait.eq @!p0 [sflag:s5], $0x1  }
0xb2: {  	s4 =	sor.u32 @!p0 s4, s6;
	[sflag:s5] =	ssyncadd.s32 @!p0 $0xFFFFFFFF  }
0xb3: {  	s25 =	simm.s32 $0x1B8E;
	s24 =	sld [smem:$0x3FFE];
	[sflag:s4] =	ssyncadd.remote.s32 @!p0 $0x1  }
0xb4: {  	s26 =	simm.s32 $execute0_lowered;
	[smem:$0x3FD2] =	sst s25  }
0xb5: {  	s5 =	sshll.u32 s26, $0x1;
	_ =	strace $0x80000058;
	[dreg:$0x1] =	wrdreg $0xFFFFFFFF  }
0xb6: {  	s28 =	simm.s32 $_size_execute0_lowered;
	s3 =	sadd.s32 s3, s5;
	[dreg:$0x0] =	wrdreg $0x0  }
0xb7: {  	s5 =	sshll.u32 s28, $0x1;
	[dreg:$0x2] =	wrdreg s3  }
0xb8: {  	[dreg:$0x3] =	wrdreg s5  }
0xb9: {  	[dreg:$0x4] =	wrdreg $0xC0  }
0xba: {  	_ =	task [dreg:s22], $0x5FFFF  }
0xbb: {  	[dreg:$0x1] =	wrdreg $0xFFFFFFFF  }
0xbc: {  	[dreg:$0x0] =	wrdreg $0x60  }
0xbd: {  	[dreg:$0x2] =	wrdreg s24  }
0xbe: {  	[dreg:$0x3] =	wrdreg $0xA  }
0xbf: {  	_ =	task.clear_ibuf [dreg:s22], $0x4FFFF;
	_ =	strace $0x90000058  }
0xc0: {  	s29 =	simm.s32 $0xA;
	_ =	strace $0x8000005A  }
0xc1: {  	_ =	swait.ge [sflag:s29], $0x1  }
0xc2: {  	[sflag:s29] =	ssyncadd.s32 $0xFFFFFFFF  }
0xc3: {  	_ =	strace $0x9000005A  }
0xc4: {  	_ =	sfence  }
0xc5: {  	s30 =	sld [smem:$0x0];
	_ =	sdelay $0x2  }
0xc6: {  	s31 =	sshll.u32 s1, $0xD;
	s1 =	sshrl.u32 s1, $0x2  }
0xc7: {  	s4 =	sand.u32 $0x4000, s31;
	s1 =	sadd.s32 s1, s30  }
0xc8: {  	s0 =	sor.u32 s4, s0;
	s1 =	sshll.u32 s1, $0x11  }
0xc9: {  	s0 =	sor.u32 s1, s0  }
0xca: {  	s0 =	sadd.s32 $0x8F2B, s0  }
0xcb: {  	[sflag:s0] =	ssyncadd.remote.s32 $0x1  }
0xcc: {  	_ =	sfence.sel $0xFFFF  }
0xcd: {  	[dreg:$0x0] =	wrdreg $0xFFFFFFFF;
	(pc) =	sbr.abs _section_cstart, $3  }
0xce: {  	[dreg:$0x1] =	wrdreg $0xFFFFFFFF  }
0xcf: {  	_ =	task.clear_ibuf [dreg:s22], $0x2FFFF;
	_ =	strace $0x9FFFFFFF  }
0xd0: {  	(tm) =	ssettm $0x7FFFFFFF  }
0xd1: {  	_ =	shalt  }
tec
execute0_lowered:
.L_overlay_start_1:
0x0: {  	(tag) =	ssettag $0x1  }
0x1: {  	s1 =	srdreg.scid;
	s0 =	stileid.u32  }
0x2: {  	s13 =	sand.u32 $0x1, s1;
	s29 =	sshll.u32 s0, $0x1  }
0x3: {  	s14 =	rddreg [dreg:$0x0];
	s15 =	sor.u32 s13, s29  }
0x4: {  	s2 =	simm.s32 $0x0;
	s1 =	rddreg [dreg:$0x1];
	s3 =	sshll.u32 s15, $0x6  }
0x5: {  	[smem:$0x7FF] =	sst s2;
	s3 =	sadd.s32 s3, s14  }
0x6: {  	_ =	strace $0x80000059;
	s4 =	sadd.s32 $0x3C00, s3;
	s3 =	simm.s32 $0x2  }
0x7: {  	[tilespmem:s2], [sflag:$0x2] =	stream.linear.gather [hbm4b:s4+s2], $0x180, $0x38;
	[tilespmem:$0x9200] =	vst v63  }
0x8: {  	_ =	swait.ge [sflag:s3], $0x180  }
0x9: {  	s6 =	simm.s32 $0x60;
	[sflag:s3] =	ssyncset.done $0x0  }
0xa: {  	s7 =	simm.s32 $0x200;
	s5 =	sadd.s32 $0xF400, s14;
	[sflag:s3] =	ssyncadd.s32 $0xFFFFFE80  }
0xb: {  	[tilespmem:s7], [sflag:$0x1] =	stream.indirect.gather [hbm4b:s5+s6], $0x80, s2, s6, $0xb8;
	[tilespmem:$0x9200] =	vst v63  }
0xc: {  	s8 =	simm.s32 $0x80;
	s9 =	simm.s32 $0x3200  }
0xd: {  	[tilespmem:s9], [sflag:$0x1] =	stream.indirect.gather [hbm4b:s5+s6], $0x80, s8, s6, $0xb8;
	[tilespmem:$0x9200] =	vst v63  }
0xe: {  	s10 =	simm.s32 $0x100;
	s11 =	simm.s32 $0x6200;
	s12 =	simm.s32 $0x1  }
0xf: {  	[tilespmem:s11], [sflag:$0x1] =	stream.indirect.gather [hbm4b:s5+s6], $0x80, s10, s6, $0xb8;
	[tilespmem:$0x9200] =	vst v63  }
0x10: {  	_ =	swait.ge [sflag:s12], $0x3000  }
0x11: {  	[sflag:s12] =	ssyncset.done $0x0  }
0x12: {  	s13 =	ssub.s32 $0x2, s13;
	[sflag:s12] =	ssyncadd.s32 $0xFFFFD000  }
0x13: {  	s16 =	sshrl.u32 s13, $0x1;
	_ =	swait.ge [sflag:s12], $0x3000  }
0x14: {  	s30 =	ssub.s32 s13, s16;
	[sflag:s12] =	ssyncset.done $0x0  }
0x15: {  	s15 =	smul.u32 $0x1200, s15;
	s31 =	smax.u32 s30, $0x1;
	[sflag:s12] =	ssyncadd.s32 $0xFFFFD000  }
0x16: {  	p0 =	sne.s32 s31, $0x1;
	_ =	swait.ge [sflag:s12], $0x3000  }
.Ltmp0:
0x17: {  	s14 =	sadd.s32 s15, s14;
	[sflag:s12] =	ssyncset.done $0x0;
	(pc) =	sbr.rel @!p0 .LBB2_2-.Ltmp0, $4  }
0x18: {  	s13 =	sadd.s32 $0x37400, s14;
	[sflag:s12] =	ssyncadd.s32 $0xFFFFD000  }
0x19: {  	[hbm4b:s13+s2] =	stream.linear.scatter [tilespmem:s7], [sflag:$0x2], $0x9000, $0x38;
	[tilespmem:$0x9200] =	vst v63  }
0x1a: {  	_ =	swait.ge [sflag:s3], $0x9000  }
0x1b: {  	s14 =	sadd.s32 $0xFFFFFFFF, s31;
	[sflag:s3] =	ssyncset.done $0x0  }
.LBB2_1:
0x1c: {  	p0 =	sne.s32 s14, $0x1;
	s14 =	sadd.s32 $0xFFFFFFFF, s14;
	[sflag:s3] =	ssyncadd.s32 $0xFFFF7000  }
0x1d: {  	[tilespmem:s2], [sflag:$0x2] =	stream.linear.gather [hbm4b:s4+s2], $0x180, $0x38;
	[tilespmem:$0x9200] =	vst v63  }
0x1e: {  	_ =	swait.ge [sflag:s3], $0x180  }
0x1f: {  	[sflag:s3] =	ssyncset.done $0x0  }
0x20: {  	[sflag:s3] =	ssyncadd.s32 $0xFFFFFE80  }
0x21: {  	[tilespmem:s7], [sflag:$0x1] =	stream.indirect.gather [hbm4b:s5+s6], $0x80, s2, s6, $0xb8;
	[tilespmem:$0x9200] =	vst v63  }
0x22: {  	_ = 	snop  }
0x23: {  	[tilespmem:s9], [sflag:$0x1] =	stream.indirect.gather [hbm4b:s5+s6], $0x80, s8, s6, $0xb8;
	[tilespmem:$0x9200] =	vst v63  }
0x24: {  	_ = 	snop  }
0x25: {  	[tilespmem:s11], [sflag:$0x1] =	stream.indirect.gather [hbm4b:s5+s6], $0x80, s10, s6, $0xb8;
	[tilespmem:$0x9200] =	vst v63  }
0x26: {  	_ =	swait.ge [sflag:s12], $0x3000  }
0x27: {  	[sflag:s12] =	ssyncset.done $0x0  }
0x28: {  	[sflag:s12] =	ssyncadd.s32 $0xFFFFD000  }
0x29: {  	_ =	swait.ge [sflag:s12], $0x3000  }
0x2a: {  	[sflag:s12] =	ssyncset.done $0x0  }
0x2b: {  	[sflag:s12] =	ssyncadd.s32 $0xFFFFD000  }
0x2c: {  	_ =	swait.ge [sflag:s12], $0x3000  }
.Ltmp1:
0x2d: {  	[sflag:s12] =	ssyncset.done $0x0;
	(pc) =	sbr.rel @p0 .LBB2_1-.Ltmp1, $4  }
0x2e: {  	[sflag:s12] =	ssyncadd.s32 $0xFFFFD000  }
0x2f: {  	[hbm4b:s13+s2] =	stream.linear.scatter [tilespmem:s7], [sflag:$0x2], $0x9000, $0x38;
	[tilespmem:$0x9200] =	vst v63  }
0x30: {  	_ =	swait.ge [sflag:s3], $0x9000  }
0x31: {  	[sflag:s3] =	ssyncset.done $0x0  }
.LBB2_2:
0x32: {  	[sflag:s3] =	ssyncadd.s32 $0xFFFF7000  }
0x33: {  	_ =	sfence.sel $0x180000  }
0x34: {  	[bflag:$0x0] =	sbarrier.arrive $0xFFFF  }
0x35: {  	p0 =	sne.s32 s0, $0x0;
	_ =	strace $0x90000059  }
0x36: {  	s0 =	sadd.s32 @!p0 $0x100000, s1;
	[bflag:$0x2] =	sbarrier.arrive $0xFFFF  }
0x37: {  	[sflag:s0] =	ssyncadd.tile.s32 @!p0 $0x1;
	_ =	shalt  }
.Lfunc_end2:
_tile_overlayer_lowered:
.L_overlay_start_2:
0x38: {  	(tag) =	ssettag $0x2  }
0x39: {  	s0 =	rddreg [dreg:$0x0];
	s2 =	stileid.u32  }
0x3a: {  	s1 =	rddreg [dreg:$0x1];
	p0 =	sne.s32 s2, $0x0  }
0x3b: {  	s3 =	rddreg [dreg:$0x2];
	[bflag:$0x3] =	sbarrier.arrive $0xFFFF;
	s2 =	simm.s32 @!p0 $0x1C02  }
0x3c: {  	[timem:s3], [sflag:s2] =	dma.local @!p0 [hbm:s0], s1  }
0x3d: {  	s0 =	simm.s32 @!p0 $0x2  }
0x3e: {  	_ =	swait.ge @!p0 [sflag:s0], s1  }
0x3f: {  	s1 =	ssub.s32 @!p0 $0x0, s1;
	[sflag:s0] =	ssyncset.done @!p0 $0x0  }
0x40: {  	[sflag:s0] =	ssyncadd.s32 @!p0 s1  }
0x41: {  	[bflag:$0x3] =	sbarrier.arrive $0xFFFF  }
0x42: {  	_ =	shalt  }

// kernel: kernel.41.cloned.1.call-start
scs
__scs_entry_jumppad:
0x0: {  	(pc) =	sbr.rel $0x88, $3  }
0x1: {  	(tag) =	ssettag $0x0;
	lr =	simm.s32 $0x1  }
0x2: {  	[smem:$0x3F9F] =	sst lr;
	_ =	strace $0xD0000000  }
0x3: {  	_ = 	snop  }
0x4: {  	_ = 	snop  }
0x5: {  	_ = 	snop  }
0x6: {  	_ = 	snop  }
0x7: {  	_ = 	snop  }
__scs_overlays_trampoline_lowered:
0x8: {  	[smem:$0x3FAE] =	sst s0  }
0x9: {  	[smem:$0x3FAF] =	sst s1  }
0xa: {  	[smem:$0x3FB0] =	sst s2  }
0xb: {  	[smem:$0x3FB1] =	sst s3  }
0xc: {  	[smem:$0x3FB2] =	sst s4  }
0xd: {  	[smem:$0x3FB3] =	sst s5  }
0xe: {  	[smem:$0x3FB4] =	sst s6  }
0xf: {  	[smem:$0x3FB5] =	sst s7  }
0x10: {  	[smem:$0x3FB6] =	sst s8  }
0x11: {  	[smem:$0x3FB7] =	sst s9;
	s0 =	simm.s32 @!p0 $0x0  }
0x12: {  	s1 =	sld [smem:$0x3F9D];
	s0 =	simm.s32 @p0 $0x1  }
0x13: {  	[smem:$0x3FB8] =	sst s0;
	s0 =	simm.s32 @!p1 $0x0  }
0x14: {  	s2 =	sld [smem:$0x3F9C];
	s0 =	simm.s32 @p1 $0x1  }
0x15: {  	[smem:$0x3FB9] =	sst s0;
	s0 =	simm.s32 @!p2 $0x0  }
0x16: {  	s3 =	sld [smem:$0x3FDB];
	s0 =	simm.s32 @p2 $0x1  }
0x17: {  	s4 =	simm.s32 $0x1BF5;
	[smem:$0x3FBB] =	sst s0  }
0x18: {  	s0 =	sld [smem:$0x3F9E];
	_ =	swait.ge [sflag:s4], $0x0  }
0x19: {  	s7 =	sld [smem:$0x3F9F]  }
0x1a: {  	s8 =	sadd.s32 $0xFFFFE003, lr  }
0x1b: {  	s9 =	sadd.s32 $0xFFFFFEF7, lr;
	s5 =	simm.s32 $0xFFFFFFFF;
	p2 =	slt.u32 s8, $0xFFFFF086  }
0x1c: {  	p1 =	slt.u32 s9, $0xF7A;
	s5 =	simm.s32 @!p2 $0x0  }
0x1d: {  	s5 =	simm.s32 @p1 $0x1;
	p0 =	seq.s32 s7, s2  }
0x1e: {  	s7 =	smul.u32 @!p0 $0xF7A, s2;
	p2 =	seq.s32 @!p0 s5, $0x0  }
0x1f: {  	s9 =	smul.u32 $0xF7A, s1;
	s8 =	simm.s32 @!p0 $0x1BF5;
	p2 =	por !p2, p0  }
0x20: {  	[sflag:s8] =	ssyncset.s32 @!p0 $0xFFFFF086;
	s6 =	sadd.s32 @!p0 s3, s7;
	s7 =	simm.s32 @!p0 $0x108  }
0x21: {  	s3 =	sadd.s32 s3, s9;
	s6 =	sadd.s32 @!p0 $0x88, s6;
	s7 =	simm.s32 @p2 $0x1082  }
0x22: {  	[simem:s7], [sflag:s8] =	dma.local @!p0 [hbm:s6], $0xF7A  }
0x23: {  	s9 =	sor.u32 $0xD0000000, s2;
	s6 =	simm.s32 $0x108;
	_ =	swait.ge @!p0 [sflag:s8], $0x0  }
0x24: {  	s3 =	sadd.s32 $0x88, s3;
	s6 =	simm.s32 @!p1 $0x1082;
	[sflag:s4] =	ssyncset.s32 $0xFFFFF086  }
0x25: {  	[simem:s6], [sflag:s4] =	dma.local [hbm:s3], $0xF7A  }
0x26: {  	[smem:$0x3F9F] =	sst s1;
	(tag) =	ssettag s2;
	_ =	strace s9  }
0x27: {  	s1 =	sld [smem:$0x3FAF]  }
0x28: {  	s2 =	sld [smem:$0x3FB0]  }
0x29: {  	s4 =	sld [smem:$0x3FB2]  }
0x2a: {  	p0 =	seq.s32 s5, $0x0;
	s5 =	sld [smem:$0x3FB3]  }
0x2b: {  	s6 =	sld [smem:$0x3FB4]  }
0x2c: {  	s7 =	sld [smem:$0x3FB5]  }
0x2d: {  	s3 =	simm.s32 $0x108;
	s8 =	sld [smem:$0x3FB6]  }
0x2e: {  	s3 =	simm.s32 @!p0 $0x1082;
	s9 =	sld [smem:$0x3FB7]  }
0x2f: {  	lr =	sadd.s32 s0, s3;
	s0 =	sld [smem:$0x3FAE]  }
0x30: {  	s3 =	sld [smem:$0x3FB1]  }
0x31: {  	[smem:$0x3FBA] =	sst s10  }
0x32: {  	s10 =	sld [smem:$0x3FB8];
	_ =	sdelay $0x3  }
0x33: {  	p0 =	seq.s32 s10, $0x1;
	s10 =	sld [smem:$0x3FBA];
	_ =	sdelay $0x3  }
0x34: {  	[smem:$0x3FBA] =	sst s10  }
0x35: {  	s10 =	sld [smem:$0x3FB9];
	_ =	sdelay $0x3  }
0x36: {  	p1 =	seq.s32 s10, $0x1;
	s10 =	sld [smem:$0x3FBA];
	_ =	sdelay $0x3  }
0x37: {  	[smem:$0x3FBA] =	sst s10  }
0x38: {  	s10 =	sld [smem:$0x3FBB]  }
0x39: {  	_ = 	snop;
	(pc) =	sbr.ind lr, $3  }
0x3a: {  	_ = 	snop  }
0x3b: {  	_ = 	snop  }
0x3c: {  	p2 =	seq.s32 s10, $0x1;
	s10 =	sld [smem:$0x3FBA]  }
0x3d: {  	_ =	shalt  }
0x3e: {  	_ =	shalt  }
0x3f: {  	_ =	shalt  }
0x40: {  	_ =	shalt  }
0x41: {  	_ =	shalt  }
0x42: {  	_ =	shalt  }
0x43: {  	_ =	shalt  }
0x44: {  	_ =	shalt  }
0x45: {  	_ =	shalt  }
0x46: {  	_ =	shalt  }
0x47: {  	_ =	shalt  }
0x48: {  	_ =	shalt  }
0x49: {  	_ =	shalt  }
0x4a: {  	_ =	shalt  }
0x4b: {  	_ =	shalt  }
0x4c: {  	_ =	shalt  }
0x4d: {  	_ =	shalt  }
0x4e: {  	_ =	shalt  }
0x4f: {  	_ =	shalt  }
0x50: {  	_ =	shalt  }
0x51: {  	_ =	shalt  }
0x52: {  	_ =	shalt  }
0x53: {  	_ =	shalt  }
0x54: {  	_ =	shalt  }
0x55: {  	_ =	shalt  }
0x56: {  	_ =	shalt  }
0x57: {  	_ =	shalt  }
0x58: {  	_ =	shalt  }
0x59: {  	_ =	shalt  }
0x5a: {  	_ =	shalt  }
0x5b: {  	_ =	shalt  }
0x5c: {  	_ =	shalt  }
0x5d: {  	_ =	shalt  }
0x5e: {  	_ =	shalt  }
0x5f: {  	_ =	shalt  }
0x60: {  	_ =	shalt  }
0x61: {  	_ =	shalt  }
0x62: {  	_ =	shalt  }
0x63: {  	_ =	shalt  }
0x64: {  	_ =	shalt  }
0x65: {  	_ =	shalt  }
0x66: {  	_ =	shalt  }
0x67: {  	_ =	shalt  }
0x68: {  	_ =	shalt  }
0x69: {  	_ =	shalt  }
0x6a: {  	_ =	shalt  }
0x6b: {  	_ =	shalt  }
0x6c: {  	_ =	shalt  }
0x6d: {  	_ =	shalt  }
0x6e: {  	_ =	shalt  }
0x6f: {  	_ =	shalt  }
0x70: {  	_ =	shalt  }
0x71: {  	_ =	shalt  }
0x72: {  	_ =	shalt  }
0x73: {  	_ =	shalt  }
0x74: {  	_ =	shalt  }
0x75: {  	_ =	shalt  }
0x76: {  	_ =	shalt  }
0x77: {  	_ =	shalt  }
0x78: {  	_ =	shalt  }
0x79: {  	_ =	shalt  }
0x7a: {  	_ =	shalt  }
0x7b: {  	_ =	shalt  }
0x7c: {  	_ =	shalt  }
0x7d: {  	_ =	shalt  }
0x7e: {  	_ =	shalt  }
0x7f: {  	_ =	shalt  }
0x80: {  	_ =	shalt  }
0x81: {  	_ =	shalt  }
0x82: {  	_ =	shalt  }
0x83: {  	_ =	shalt  }
0x84: {  	_ =	shalt  }
0x85: {  	_ =	shalt  }
0x86: {  	_ =	shalt  }
0x87: {  	_ =	shalt  }
.Lfunc_end0:
.L_simem_size_0:
called_computation.7_lowered:
.L_overlay_start_0:
0x88: {  	s2 =	sld [smem:$0x3FD9]  }
0x89: {  	s3 =	sld [smem:$0x3FFE];
	_ =	sdelay $0x1  }
0x8a: {  	s1 =	srdreg.scid  }
0x8b: {  	s0 =	sand.u32 $0x1, s1  }
0x8c: {  	s17 =	sshll.u32 s0, $0xA;
	s2 =	sadd.s32 s3, s2  }
0x8d: {  	s2 =	sadd.s32 s2, s17  }
0x8e: {  	[smem:$0x3FC6] =	sst s2  }
0x8f: {  	_ = 	snop  }
0x90: {  	(tm) =	ssettm $0x1  }
0x91: {  	s18 =	sld [smem:$0x3FFB];
	_ =	sdelay $0x3  }
0x92: {  	_ =	strace s18  }
0x93: {  	s2 =	sld [smem:$0x3FFC];
	_ =	sdelay $0x3  }
0x94: {  	_ =	strace s2  }
0x95: {  	s2 =	sld [smem:$0x3FFD];
	_ =	sdelay $0x3  }
0x96: {  	_ =	strace s2  }
0x97: {  	_ =	strace $0x8FFFFFFF  }
0x98: {  	s19 =	sld [smem:$0x3FDB];
	_ =	sdelay $0x1  }
0x99: {  	s20 =	simm.s32 $_scs_section_size  }
0x9a: {  	s4 =	simm.s32 $_size__tile_overlayer_lowered;
	s5 =	simm.s32 $_tile_overlayer_lowered  }
0x9b: {  	s6 =	simm.s32 $0x1BFF;
	s21 =	sshll.u32 s5, $0x1;
	s3 =	sadd.s32 s20, s19  }
0x9c: {  	s22 =	simm.s32 $0x0;
	s4 =	sshll.u32 s4, $0x1;
	s5 =	sadd.s32 s21, s3  }
0x9d: {  	[timem:s22], [sflag:s6] =	dma.local [hbm:s5], s4  }
0x9e: {  	_ =	swait.ge [sflag:s6], s4  }
0x9f: {  	s4 =	ssub.s32 $0x0, s4;
	[sflag:s6] =	ssyncset.done $0x0  }
0xa0: {  	[sflag:s6] =	ssyncadd.s32 s4;
	_ =	sdelay $0x1  }
0xa1: {  	s23 =	simm.s32 $0x1B8B  }
0xa2: {  	_ =	swait.ge [sflag:s23], $0x1  }
0xa3: {  	[sflag:s23] =	ssyncset.done $0x0  }
0xa4: {  	[sflag:s23] =	ssyncadd.s32 $0xFFFFFFFF  }
0xa5: {  	s4 =	sld [smem:$0x0]  }
0xa6: {  	s5 =	sand.u32 $0xFFFFFFFE, s1  }
0xa7: {  	p0 =	sne.s32 s1, s5  }
0xa8: {  	s5 =	sshll.u32 @p0 s5, $0xE  }
0xa9: {  	s5 =	sadd.s32 @p0 $0x11B8D, s5;
	s6 =	sshll.u32 @p0 s4, $0x11  }
0xaa: {  	s5 =	sor.u32 @p0 s6, s5  }
0xab: {  	[sflag:s5] =	ssyncadd.remote.s32 @p0 $0x1;
	_ =	sdelay $0x1  }
0xac: {  	s5 =	simm.s32 @p0 $0x1B8D  }
0xad: {  	_ =	swait.eq @p0 [sflag:s5], $0x1  }
0xae: {  	[sflag:s5] =	ssyncadd.s32 @p0 $0xFFFFFFFF  }
0xaf: {  	s6 =	sshll.u32 @!p0 s1, $0xE  }
0xb0: {  	s6 =	sor.u32 @!p0 $0x4000, s6;
	s5 =	simm.s32 @!p0 $0x1B8D  }
0xb1: {  	s4 =	sshll.u32 @!p0 s4, $0x11;
	s6 =	sadd.s32 @!p0 $0x11B8D, s6;
	_ =	swait.eq @!p0 [sflag:s5], $0x1  }
0xb2: {  	s4 =	sor.u32 @!p0 s4, s6;
	[sflag:s5] =	ssyncadd.s32 @!p0 $0xFFFFFFFF  }
0xb3: {  	s25 =	simm.s32 $0x1B8E;
	s24 =	sld [smem:$0x3FFE];
	[sflag:s4] =	ssyncadd.remote.s32 @!p0 $0x1  }
0xb4: {  	s26 =	simm.s32 $execute0_lowered;
	[smem:$0x3FD2] =	sst s25  }
0xb5: {  	s5 =	sshll.u32 s26, $0x1;
	_ =	strace $0x8000005B;
	[dreg:$0x1] =	wrdreg $0xFFFFFFFF  }
0xb6: {  	s28 =	simm.s32 $_size_execute0_lowered;
	s3 =	sadd.s32 s3, s5;
	[dreg:$0x0] =	wrdreg $0x0  }
0xb7: {  	s5 =	sshll.u32 s28, $0x1;
	[dreg:$0x2] =	wrdreg s3  }
0xb8: {  	[dreg:$0x3] =	wrdreg s5  }
0xb9: {  	[dreg:$0x4] =	wrdreg $0xC0  }
0xba: {  	_ =	task [dreg:s22], $0x5FFFF  }
0xbb: {  	[dreg:$0x1] =	wrdreg $0xFFFFFFFF  }
0xbc: {  	[dreg:$0x0] =	wrdreg $0x60  }
0xbd: {  	[dreg:$0x2] =	wrdreg s24  }
0xbe: {  	[dreg:$0x3] =	wrdreg $0x9  }
0xbf: {  	_ =	task.clear_ibuf [dreg:s22], $0x4FFFF;
	_ =	strace $0x9000005B  }
0xc0: {  	s29 =	simm.s32 $0x9;
	_ =	strace $0x8000005D  }
0xc1: {  	_ =	swait.ge [sflag:s29], $0x1  }
0xc2: {  	[sflag:s29] =	ssyncadd.s32 $0xFFFFFFFF  }
0xc3: {  	_ =	strace $0x9000005D  }
0xc4: {  	_ =	sfence  }
0xc5: {  	s30 =	sld [smem:$0x0];
	_ =	sdelay $0x2  }
0xc6: {  	s31 =	sshll.u32 s1, $0xD;
	s1 =	sshrl.u32 s1, $0x2  }
0xc7: {  	s4 =	sand.u32 $0x4000, s31;
	s1 =	sadd.s32 s1, s30  }
0xc8: {  	s0 =	sor.u32 s4, s0;
	s1 =	sshll.u32 s1, $0x11  }
0xc9: {  	s0 =	sor.u32 s1, s0  }
0xca: {  	s0 =	sadd.s32 $0x8F2B, s0  }
0xcb: {  	[sflag:s0] =	ssyncadd.remote.s32 $0x1  }
0xcc: {  	_ =	sfence.sel $0xFFFF  }
0xcd: {  	[dreg:$0x0] =	wrdreg $0xFFFFFFFF;
	(pc) =	sbr.abs _section_cstart, $3  }
0xce: {  	[dreg:$0x1] =	wrdreg $0xFFFFFFFF  }
0xcf: {  	_ =	task.clear_ibuf [dreg:s22], $0x2FFFF;
	_ =	strace $0x9FFFFFFF  }
0xd0: {  	(tm) =	ssettm $0x7FFFFFFF  }
0xd1: {  	_ =	shalt  }
tec
execute0_lowered:
.L_overlay_start_1:
0x0: {  	(tag) =	ssettag $0x1  }
0x1: {  	s1 =	srdreg.scid;
	s0 =	stileid.u32  }
0x2: {  	s13 =	sand.u32 $0x1, s1;
	s29 =	sshll.u32 s0, $0x1  }
0x3: {  	s14 =	rddreg [dreg:$0x0];
	s15 =	sor.u32 s13, s29  }
0x4: {  	s2 =	simm.s32 $0x0;
	s1 =	rddreg [dreg:$0x1];
	s3 =	sshll.u32 s15, $0x6  }
0x5: {  	[smem:$0x7FF] =	sst s2;
	s3 =	sadd.s32 s3, s14  }
0x6: {  	_ =	strace $0x8000005C;
	s4 =	sadd.s32 $0x3400, s3;
	s3 =	simm.s32 $0x2  }
0x7: {  	[tilespmem:s2], [sflag:$0x2] =	stream.linear.gather [hbm4b:s4+s2], $0x180, $0x38;
	[tilespmem:$0x9200] =	vst v63  }
0x8: {  	_ =	swait.ge [sflag:s3], $0x180  }
0x9: {  	s6 =	simm.s32 $0x60;
	[sflag:s3] =	ssyncset.done $0x0  }
0xa: {  	s7 =	simm.s32 $0x200;
	s5 =	sadd.s32 $0xF400, s14;
	[sflag:s3] =	ssyncadd.s32 $0xFFFFFE80  }
0xb: {  	[tilespmem:s7], [sflag:$0x1] =	stream.indirect.gather [hbm4b:s5+s6], $0x80, s2, s6, $0xb8;
	[tilespmem:$0x9200] =	vst v63  }
0xc: {  	s8 =	simm.s32 $0x80;
	s9 =	simm.s32 $0x3200  }
0xd: {  	[tilespmem:s9], [sflag:$0x1] =	stream.indirect.gather [hbm4b:s5+s6], $0x80, s8, s6, $0xb8;
	[tilespmem:$0x9200] =	vst v63  }
0xe: {  	s10 =	simm.s32 $0x100;
	s11 =	simm.s32 $0x6200;
	s12 =	simm.s32 $0x1  }
0xf: {  	[tilespmem:s11], [sflag:$0x1] =	stream.indirect.gather [hbm4b:s5+s6], $0x80, s10, s6, $0xb8;
	[tilespmem:$0x9200] =	vst v63  }
0x10: {  	_ =	swait.ge [sflag:s12], $0x3000  }
0x11: {  	[sflag:s12] =	ssyncset.done $0x0  }
0x12: {  	s13 =	ssub.s32 $0x2, s13;
	[sflag:s12] =	ssyncadd.s32 $0xFFFFD000  }
0x13: {  	s16 =	sshrl.u32 s13, $0x1;
	_ =	swait.ge [sflag:s12], $0x3000  }
0x14: {  	s30 =	ssub.s32 s13, s16;
	[sflag:s12] =	ssyncset.done $0x0  }
0x15: {  	s15 =	smul.u32 $0x1200, s15;
	s31 =	smax.u32 s30, $0x1;
	[sflag:s12] =	ssyncadd.s32 $0xFFFFD000  }
0x16: {  	p0 =	sne.s32 s31, $0x1;
	_ =	swait.ge [sflag:s12], $0x3000  }
.Ltmp0:
0x17: {  	s14 =	sadd.s32 s15, s14;
	[sflag:s12] =	ssyncset.done $0x0;
	(pc) =	sbr.rel @!p0 .LBB2_2-.Ltmp0, $4  }
0x18: {  	s13 =	sadd.s32 $0x5B400, s14;
	[sflag:s12] =	ssyncadd.s32 $0xFFFFD000  }
0x19: {  	[hbm4b:s13+s2] =	stream.linear.scatter [tilespmem:s7], [sflag:$0x2], $0x9000, $0x38;
	[tilespmem:$0x9200] =	vst v63  }
0x1a: {  	_ =	swait.ge [sflag:s3], $0x9000  }
0x1b: {  	s14 =	sadd.s32 $0xFFFFFFFF, s31;
	[sflag:s3] =	ssyncset.done $0x0  }
.LBB2_1:
0x1c: {  	p0 =	sne.s32 s14, $0x1;
	s14 =	sadd.s32 $0xFFFFFFFF, s14;
	[sflag:s3] =	ssyncadd.s32 $0xFFFF7000  }
0x1d: {  	[tilespmem:s2], [sflag:$0x2] =	stream.linear.gather [hbm4b:s4+s2], $0x180, $0x38;
	[tilespmem:$0x9200] =	vst v63  }
0x1e: {  	_ =	swait.ge [sflag:s3], $0x180  }
0x1f: {  	[sflag:s3] =	ssyncset.done $0x0  }
0x20: {  	[sflag:s3] =	ssyncadd.s32 $0xFFFFFE80  }
0x21: {  	[tilespmem:s7], [sflag:$0x1] =	stream.indirect.gather [hbm4b:s5+s6], $0x80, s2, s6, $0xb8;
	[tilespmem:$0x9200] =	vst v63  }
0x22: {  	_ = 	snop  }
0x23: {  	[tilespmem:s9], [sflag:$0x1] =	stream.indirect.gather [hbm4b:s5+s6], $0x80, s8, s6, $0xb8;
	[tilespmem:$0x9200] =	vst v63  }
0x24: {  	_ = 	snop  }
0x25: {  	[tilespmem:s11], [sflag:$0x1] =	stream.indirect.gather [hbm4b:s5+s6], $0x80, s10, s6, $0xb8;
	[tilespmem:$0x9200] =	vst v63  }
0x26: {  	_ =	swait.ge [sflag:s12], $0x3000  }
0x27: {  	[sflag:s12] =	ssyncset.done $0x0  }
0x28: {  	[sflag:s12] =	ssyncadd.s32 $0xFFFFD000  }
0x29: {  	_ =	swait.ge [sflag:s12], $0x3000  }
0x2a: {  	[sflag:s12] =	ssyncset.done $0x0  }
0x2b: {  	[sflag:s12] =	ssyncadd.s32 $0xFFFFD000  }
0x2c: {  	_ =	swait.ge [sflag:s12], $0x3000  }
.Ltmp1:
0x2d: {  	[sflag:s12] =	ssyncset.done $0x0;
	(pc) =	sbr.rel @p0 .LBB2_1-.Ltmp1, $4  }
0x2e: {  	[sflag:s12] =	ssyncadd.s32 $0xFFFFD000  }
0x2f: {  	[hbm4b:s13+s2] =	stream.linear.scatter [tilespmem:s7], [sflag:$0x2], $0x9000, $0x38;
	[tilespmem:$0x9200] =	vst v63  }
0x30: {  	_ =	swait.ge [sflag:s3], $0x9000  }
0x31: {  	[sflag:s3] =	ssyncset.done $0x0  }
.LBB2_2:
0x32: {  	[sflag:s3] =	ssyncadd.s32 $0xFFFF7000  }
0x33: {  	_ =	sfence.sel $0x180000  }
0x34: {  	[bflag:$0x0] =	sbarrier.arrive $0xFFFF  }
0x35: {  	p0 =	sne.s32 s0, $0x0;
	_ =	strace $0x9000005C  }
0x36: {  	s0 =	sadd.s32 @!p0 $0x100000, s1;
	[bflag:$0x2] =	sbarrier.arrive $0xFFFF  }
0x37: {  	[sflag:s0] =	ssyncadd.tile.s32 @!p0 $0x1;
	_ =	shalt  }
.Lfunc_end2:
_tile_overlayer_lowered:
.L_overlay_start_2:
0x38: {  	(tag) =	ssettag $0x2  }
0x39: {  	s0 =	rddreg [dreg:$0x0];
	s2 =	stileid.u32  }
0x3a: {  	s1 =	rddreg [dreg:$0x1];
	p0 =	sne.s32 s2, $0x0  }
0x3b: {  	s3 =	rddreg [dreg:$0x2];
	[bflag:$0x3] =	sbarrier.arrive $0xFFFF;
	s2 =	simm.s32 @!p0 $0x1C02  }
0x3c: {  	[timem:s3], [sflag:s2] =	dma.local @!p0 [hbm:s0], s1  }
0x3d: {  	s0 =	simm.s32 @!p0 $0x2  }
0x3e: {  	_ =	swait.ge @!p0 [sflag:s0], s1  }
0x3f: {  	s1 =	ssub.s32 @!p0 $0x0, s1;
	[sflag:s0] =	ssyncset.done @!p0 $0x0  }
0x40: {  	[sflag:s0] =	ssyncadd.s32 @!p0 s1  }
0x41: {  	[bflag:$0x3] =	sbarrier.arrive $0xFFFF  }
0x42: {  	_ =	shalt  }

</sc_bundles>
